<compile_context>
chip_gen: v7x
topology: tpu7x:2x2x1
jax: 0.10.2.dev20260603
libtpu: 0.0.44.dev20260713+nightly
codegen_flags: <defaults>
</compile_context>

<pallas_src>
import jax
import jax.numpy as jnp
from jax import lax
from jax.experimental import pallas as pl
from jax.experimental.pallas import tpu as pltpu
from jax.experimental.pallas import tpu_sc as plsc

B = 16384
D = 16
NW = 32
BPW = B // NW
WAVE = 8
NWAVE = BPW // WAVE
DEPTH = 3

NROWS = 1000000


def _mf_body(user_hbm, item_hbm, uft_hbm, ift_hbm, out_hbm,
             uidx_v, vidx_v, ubuf_v, vbuf_v, uscr_v, vscr_v, out_v,
             *sems):
    sem_u = sems[:DEPTH]
    sem_v = sems[DEPTH:]
    c = lax.axis_index("c")
    s = lax.axis_index("s")
    wid = s * 2 + c
    base = wid * BPW

    pltpu.sync_copy(user_hbm.at[pl.ds(base, BPW)], uidx_v.at[pl.ds(0, BPW)])
    pltpu.sync_copy(item_hbm.at[pl.ds(base, BPW)], vidx_v.at[pl.ds(0, BPW)])

    lane = lax.iota(jnp.int32, 16)

    def fire(w, slot):
        u = uidx_v[pl.ds(w * WAVE, 16)]
        v = vidx_v[pl.ds(w * WAVE, 16)]
        for e in range(WAVE):
            uoff = pl.multiple_of((u[e] >> 7) * 128, 128)
            voff = pl.multiple_of((v[e] >> 7) * 128, 128)
            dsl = pl.ds(slot * (WAVE * 128) + e * 128, 128)
            pltpu.async_copy(uft_hbm.at[:, pl.ds(uoff, 128)],
                             ubuf_v.at[:, dsl], sem_u[slot])
            pltpu.async_copy(ift_hbm.at[:, pl.ds(voff, 128)],
                             vbuf_v.at[:, dsl], sem_v[slot])

    def drain_extract(w, slot):
        dsl = pl.ds(0, WAVE * 128)
        pltpu.make_async_copy(uft_hbm.at[:, dsl], ubuf_v.at[:, dsl],
                              sem_u[slot]).wait()
        pltpu.make_async_copy(ift_hbm.at[:, dsl], vbuf_v.at[:, dsl],
                              sem_v[slot]).wait()
        u = uidx_v[pl.ds(w * WAVE, 16)]
        v = vidx_v[pl.ds(w * WAVE, 16)]
        half = w & 1
        for e in range(WAVE):
            boff = slot * (WAVE * 128) + e * 128
            ucol = jnp.full((16,), (u[e] & 127) + boff, jnp.int32)
            vcol = jnp.full((16,), (v[e] & 127) + boff, jnp.int32)
            ue = plsc.load_gather(ubuf_v, [lane, ucol])
            ve = plsc.load_gather(vbuf_v, [lane, vcol])
            ecol = jnp.full((16,), e, jnp.int32) + (half << 3)
            plsc.store_scatter(uscr_v, [lane, ecol], ue)
            plsc.store_scatter(vscr_v, [lane, ecol], ve)

        @pl.when(half == 1)
        def _():
            acc = jnp.zeros((16,), jnp.float32)
            for d in range(D):
                acc = acc + uscr_v[d] * vscr_v[d]
            out_v[pl.ds((w >> 1) * 16, 16)] = acc

    def body(w, _):
        wm = w - (w // DEPTH) * DEPTH
        om = (w - (DEPTH - 1))
        omm = om - (om // DEPTH) * DEPTH
        for slot in range(DEPTH):
            @pl.when(jnp.logical_and(wm == slot, w < NWAVE))
            def _(slot=slot):
                fire(w, slot)

            @pl.when(jnp.logical_and(omm == slot, w >= DEPTH - 1))
            def _(slot=slot):
                drain_extract(w - (DEPTH - 1), slot)
        return ()

    lax.fori_loop(0, NWAVE + DEPTH - 1, body, ())

    pltpu.sync_copy(out_v, out_hbm.at[pl.ds(base, BPW)])


def kernel(user, item, user_factors, item_factors):
    mesh = plsc.VectorSubcoreMesh(core_axis_name="c", subcore_axis_name="s")
    k = pl.kernel(
        _mf_body,
        out_type=jax.ShapeDtypeStruct((B,), jnp.float32),
        mesh=mesh,
        compiler_params=pltpu.CompilerParams(
            needs_layout_passes=False, use_tc_tiling_on_sc=True),
        scratch_types=[
            pltpu.VMEM((BPW + 16,), jnp.int32),
            pltpu.VMEM((BPW + 16,), jnp.int32),
            pltpu.VMEM((D, DEPTH * WAVE * 128), jnp.float32),
            pltpu.VMEM((D, DEPTH * WAVE * 128), jnp.float32),
            pltpu.VMEM((D, 16), jnp.float32),
            pltpu.VMEM((D, 16), jnp.float32),
            pltpu.VMEM((BPW,), jnp.float32),
        ] + [pltpu.SemaphoreType.DMA] * (2 * DEPTH),
    )
    return k(user, item, user_factors.T, item_factors.T)

# --- scband reference (transcript-rebuilt; emitter-appended) ---
"""Pipeline reference for scband-mf-torch-1400159338570 (READ-ONLY COPY).

The authoritative reference and input builder live on the scoring server;
editing this copy changes nothing except your own understanding.
"""

import jax, jax.numpy as jnp
import numpy as np

N_USERS = 1000000
N_ITEMS = 1000000
N_FACTORS = 16
BATCH = 16384


def setup_inputs(seed: int = 0) -> dict:
    key = jax.random.key(seed)
    k1, k2, k3, k4 = jax.random.split(key, 4)
    user = jax.random.randint(k1, (BATCH,), 0, N_USERS, dtype=jnp.int64 if jax.config.jax_enable_x64 else jnp.int32).astype(jnp.int32)
    item = jax.random.randint(k2, (BATCH,), 0, N_ITEMS, dtype=jnp.int32)
    user_factors = jax.random.normal(k3, (N_USERS, N_FACTORS), dtype=jnp.float32)
    item_factors = jax.random.normal(k4, (N_ITEMS, N_FACTORS), dtype=jnp.float32)
    return {"user": user, "item": item, "user_factors": user_factors, "item_factors": item_factors}


def reference(user, item, user_factors, item_factors):
    # pred = (user_factors(user) * item_factors(item)).sum(1)
    u = jnp.take(user_factors, user, axis=0)
    v = jnp.take(item_factors, item, axis=0)
    pred = jnp.sum(u * v, axis=1)
    return pred

if __name__ == "__main__":
    import jax
    _d = setup_inputs()
    print(jax.jit(kernel)(*tuple(_d.values())))

</pallas_src>

<mosaic_0001>
#map = affine_map<(d0, d1) -> (0)>
#map1 = affine_map<(d0, d1) -> (0, 0)>
module attributes {stable_mosaic.version = 14 : i64} {
  func.func @_mf_body(%arg0: i32, %arg1: i32, %arg2: memref<16384xi32, #tpu.memory_space<hbm>>, %arg3: memref<16384xi32, #tpu.memory_space<hbm>>, %arg4: memref<16x1000000xf32, #tpu.memory_space<hbm>>, %arg5: memref<16x1000000xf32, #tpu.memory_space<hbm>>, %arg6: memref<16384xf32, #tpu.memory_space<hbm>>, %arg7: memref<528xi32, #tpu.memory_space<vmem>>, %arg8: memref<528xi32, #tpu.memory_space<vmem>>, %arg9: memref<16x3072xf32, #tpu.memory_space<vmem>>, %arg10: memref<16x3072xf32, #tpu.memory_space<vmem>>, %arg11: memref<16x16xf32, #tpu.memory_space<vmem>>, %arg12: memref<16x16xf32, #tpu.memory_space<vmem>>, %arg13: memref<512xf32, #tpu.memory_space<vmem>>, %arg14: memref<!tpu.dma_semaphore, #tpu.memory_space<semaphore_mem>>, %arg15: memref<!tpu.dma_semaphore, #tpu.memory_space<semaphore_mem>>, %arg16: memref<!tpu.dma_semaphore, #tpu.memory_space<semaphore_mem>>, %arg17: memref<!tpu.dma_semaphore, #tpu.memory_space<semaphore_mem>>, %arg18: memref<!tpu.dma_semaphore, #tpu.memory_space<semaphore_mem>>, %arg19: memref<!tpu.dma_semaphore, #tpu.memory_space<semaphore_mem>>) attributes {dimension_semantics = [#tpu.dimension_semantics<core_parallel>, #tpu.dimension_semantics<subcore_parallel>], iteration_bounds = array<i64: 2, 16>, scalar_prefetch = 0 : i64, scratch_operands = 13 : i64, tpu.core_type = #tpu.core_type<sc_vector_subcore>, window_params = [{transform_indices = #map}, {transform_indices = #map}, {transform_indices = #map1}, {transform_indices = #map1}, {transform_indices = #map}]} {
    %mul3A = arith.constant 2 : i32
    %mul3A_0 = arith.muli %arg1, %mul3A : i32
    %add3A = arith.addi %mul3A_0, %arg0 : i32
    %mul3A_1 = arith.constant 512 : i32
    %mul3A_2 = arith.muli %add3A, %mul3A_1 : i32
    "tpu.region"() ({
      %run_scoped3A = tpu.sem_alloc : memref<!tpu.dma_semaphore, #tpu.memory_space<semaphore_mem>>
      %dma_start3A = arith.constant 0 : i32
      %dma_start3A_7 = tpu.memref_slice %arg7[%dma_start3A] : memref<528xi32, #tpu.memory_space<vmem>> -> memref<512xi32, #tpu.memory_space<vmem>>
      %dma_start3A_8 = tpu.memref_slice %arg2[%mul3A_2] : memref<16384xi32, #tpu.memory_space<hbm>> -> memref<512xi32, #tpu.memory_space<hbm>>
      %dma_start3A_9 = arith.constant 0 : i32
      %dma_start3A_10 = tpu.memref_slice %arg7[%dma_start3A_9] : memref<528xi32, #tpu.memory_space<vmem>> -> memref<512xi32, #tpu.memory_space<vmem>>
      %dma_start3A_11 = tpu.memref_slice %arg2[%mul3A_2] : memref<16384xi32, #tpu.memory_space<hbm>> -> memref<512xi32, #tpu.memory_space<hbm>>
      tpu.enqueue_dma source(%dma_start3A_11 : memref<512xi32, #tpu.memory_space<hbm>>) target(%dma_start3A_10 : memref<512xi32, #tpu.memory_space<vmem>>) target_semaphore(%run_scoped3A : memref<!tpu.dma_semaphore, #tpu.memory_space<semaphore_mem>>)
      %dma_wait3A = arith.constant 0 : i32
      %dma_wait3A_12 = tpu.memref_slice %arg7[%dma_wait3A] : memref<528xi32, #tpu.memory_space<vmem>> -> memref<512xi32, #tpu.memory_space<vmem>>
      %dma_wait3A_13 = tpu.memref_slice %arg2[%mul3A_2] : memref<16384xi32, #tpu.memory_space<hbm>> -> memref<512xi32, #tpu.memory_space<hbm>>
      %dma_wait3A_14 = arith.constant 0 : i32
      %dma_wait3A_15 = tpu.memref_slice %arg7[%dma_wait3A_14] : memref<528xi32, #tpu.memory_space<vmem>> -> memref<512xi32, #tpu.memory_space<vmem>>
      %dma_wait3A_16 = tpu.memref_slice %arg2[%mul3A_2] : memref<16384xi32, #tpu.memory_space<hbm>> -> memref<512xi32, #tpu.memory_space<hbm>>
      tpu.wait_dma2 semaphore(%run_scoped3A : memref<!tpu.dma_semaphore, #tpu.memory_space<semaphore_mem>>) src(%dma_wait3A_16 : memref<512xi32, #tpu.memory_space<hbm>>) dst(%dma_wait3A_15 : memref<512xi32, #tpu.memory_space<vmem>>)
      tpu.yield
    }) : () -> ()
    "tpu.region"() ({
      %run_scoped3A = tpu.sem_alloc : memref<!tpu.dma_semaphore, #tpu.memory_space<semaphore_mem>>
      %dma_start3A = arith.constant 0 : i32
      %dma_start3A_7 = tpu.memref_slice %arg8[%dma_start3A] : memref<528xi32, #tpu.memory_space<vmem>> -> memref<512xi32, #tpu.memory_space<vmem>>
      %dma_start3A_8 = tpu.memref_slice %arg3[%mul3A_2] : memref<16384xi32, #tpu.memory_space<hbm>> -> memref<512xi32, #tpu.memory_space<hbm>>
      %dma_start3A_9 = arith.constant 0 : i32
      %dma_start3A_10 = tpu.memref_slice %arg8[%dma_start3A_9] : memref<528xi32, #tpu.memory_space<vmem>> -> memref<512xi32, #tpu.memory_space<vmem>>
      %dma_start3A_11 = tpu.memref_slice %arg3[%mul3A_2] : memref<16384xi32, #tpu.memory_space<hbm>> -> memref<512xi32, #tpu.memory_space<hbm>>
      tpu.enqueue_dma source(%dma_start3A_11 : memref<512xi32, #tpu.memory_space<hbm>>) target(%dma_start3A_10 : memref<512xi32, #tpu.memory_space<vmem>>) target_semaphore(%run_scoped3A : memref<!tpu.dma_semaphore, #tpu.memory_space<semaphore_mem>>)
      %dma_wait3A = arith.constant 0 : i32
      %dma_wait3A_12 = tpu.memref_slice %arg8[%dma_wait3A] : memref<528xi32, #tpu.memory_space<vmem>> -> memref<512xi32, #tpu.memory_space<vmem>>
      %dma_wait3A_13 = tpu.memref_slice %arg3[%mul3A_2] : memref<16384xi32, #tpu.memory_space<hbm>> -> memref<512xi32, #tpu.memory_space<hbm>>
      %dma_wait3A_14 = arith.constant 0 : i32
      %dma_wait3A_15 = tpu.memref_slice %arg8[%dma_wait3A_14] : memref<528xi32, #tpu.memory_space<vmem>> -> memref<512xi32, #tpu.memory_space<vmem>>
      %dma_wait3A_16 = tpu.memref_slice %arg3[%mul3A_2] : memref<16384xi32, #tpu.memory_space<hbm>> -> memref<512xi32, #tpu.memory_space<hbm>>
      tpu.wait_dma2 semaphore(%run_scoped3A : memref<!tpu.dma_semaphore, #tpu.memory_space<semaphore_mem>>) src(%dma_wait3A_16 : memref<512xi32, #tpu.memory_space<hbm>>) dst(%dma_wait3A_15 : memref<512xi32, #tpu.memory_space<vmem>>)
      tpu.yield
    }) : () -> ()
    %iota3A = tpu.iota {dimensions = array<i32: 0>} : vector<16xi32>
    %scan3A = arith.constant 0 : i32
    %scan3A_3 = arith.constant 66 : i32
    %scan3A_4 = arith.addi %scan3A, %scan3A_3 : i32
    %scan3A_5 = arith.constant 1 : i32
    scf.for %scan3A_7 = %scan3A to %scan3A_4 step %scan3A_5  : i32 {
      %jit3A = arith.constant 3 : i32
      %div3A = arith.divsi %scan3A_7, %jit3A : i32
      %sign3A = arith.constant 0 : i32
      %sign3A_8 = arith.cmpi sgt, %scan3A_7, %sign3A : i32
      %sign3A_9 = arith.extui %sign3A_8 : i1 to i32
      %sign3A_10 = arith.constant 0 : i32
      %sign3A_11 = arith.cmpi slt, %scan3A_7, %sign3A_10 : i32
      %sign3A_12 = arith.extui %sign3A_11 : i1 to i32
      %sign3A_13 = arith.subi %sign3A_9, %sign3A_12 : i32
      %sign3A_14 = arith.constant 0 : i32
      %sign3A_15 = arith.cmpi sgt, %jit3A, %sign3A_14 : i32
      %sign3A_16 = arith.extui %sign3A_15 : i1 to i32
      %sign3A_17 = arith.constant 0 : i32
      %sign3A_18 = arith.cmpi slt, %jit3A, %sign3A_17 : i32
      %sign3A_19 = arith.extui %sign3A_18 : i1 to i32
      %sign3A_20 = arith.subi %sign3A_16, %sign3A_19 : i32
      %ne3A = arith.cmpi ne, %sign3A_13, %sign3A_20 : i32
      %rem3A = arith.remsi %scan3A_7, %jit3A : i32
      %ne3A_21 = arith.constant 0 : i32
      %ne3A_22 = arith.cmpi ne, %rem3A, %ne3A_21 : i32
      %and3A = arith.andi %ne3A, %ne3A_22 : i1
      %sub3A = arith.constant 1 : i32
      %sub3A_23 = arith.subi %div3A, %sub3A : i32
      %select_n3A = arith.select %and3A, %sub3A_23, %div3A : i32
      %mul3A_24 = arith.constant 3 : i32
      %mul3A_25 = arith.muli %select_n3A, %mul3A_24 : i32
      %sub3A_26 = arith.subi %scan3A_7, %mul3A_25 : i32
      %sub3A_27 = arith.constant 2 : i32
      %sub3A_28 = arith.subi %scan3A_7, %sub3A_27 : i32
      %jit3A_29 = arith.constant 3 : i32
      %div3A_30 = arith.divsi %sub3A_28, %jit3A_29 : i32
      %sign3A_31 = arith.constant 0 : i32
      %sign3A_32 = arith.cmpi sgt, %sub3A_28, %sign3A_31 : i32
      %sign3A_33 = arith.extui %sign3A_32 : i1 to i32
      %sign3A_34 = arith.constant 0 : i32
      %sign3A_35 = arith.cmpi slt, %sub3A_28, %sign3A_34 : i32
      %sign3A_36 = arith.extui %sign3A_35 : i1 to i32
      %sign3A_37 = arith.subi %sign3A_33, %sign3A_36 : i32
      %sign3A_38 = arith.constant 0 : i32
      %sign3A_39 = arith.cmpi sgt, %jit3A_29, %sign3A_38 : i32
      %sign3A_40 = arith.extui %sign3A_39 : i1 to i32
      %sign3A_41 = arith.constant 0 : i32
      %sign3A_42 = arith.cmpi slt, %jit3A_29, %sign3A_41 : i32
      %sign3A_43 = arith.extui %sign3A_42 : i1 to i32
      %sign3A_44 = arith.subi %sign3A_40, %sign3A_43 : i32
      %ne3A_45 = arith.cmpi ne, %sign3A_37, %sign3A_44 : i32
      %rem3A_46 = arith.remsi %sub3A_28, %jit3A_29 : i32
      %ne3A_47 = arith.constant 0 : i32
      %ne3A_48 = arith.cmpi ne, %rem3A_46, %ne3A_47 : i32
      %and3A_49 = arith.andi %ne3A_45, %ne3A_48 : i1
      %sub3A_50 = arith.constant 1 : i32
      %sub3A_51 = arith.subi %div3A_30, %sub3A_50 : i32
      %select_n3A_52 = arith.select %and3A_49, %sub3A_51, %div3A_30 : i32
      %mul3A_53 = arith.constant 3 : i32
      %mul3A_54 = arith.muli %select_n3A_52, %mul3A_53 : i32
      %sub3A_55 = arith.subi %sub3A_28, %mul3A_54 : i32
      %eq3A = arith.constant 0 : i32
      %eq3A_56 = arith.cmpi eq, %sub3A_26, %eq3A : i32
      %lt3A = arith.constant 64 : i32
      %lt3A_57 = arith.cmpi slt, %scan3A_7, %lt3A : i32
      %and3A_58 = arith.andi %eq3A_56, %lt3A_57 : i1
      %convert_element_type3A = arith.extui %and3A_58 : i1 to i32
      %cond3A = arith.constant 0 : i32
      %cond3A_59 = arith.cmpi ne, %convert_element_type3A, %cond3A : i32
      scf.if %cond3A_59 {
        %mul3A_99 = arith.constant 8 : i32
        %mul3A_100 = arith.muli %scan3A_7, %mul3A_99 : i32
        %get3A = arith.index_cast %mul3A_100 : i32 to index
        %get3A_101 = tpu.vector_load %arg7[%get3A] {strides = array<i32>} : memref<528xi32, #tpu.memory_space<vmem>>, vector<16xi32>,
        %mul3A_102 = arith.constant 8 : i32
        %mul3A_103 = arith.muli %scan3A_7, %mul3A_102 : i32
        %get3A_104 = arith.index_cast %mul3A_103 : i32 to index
        %get3A_105 = tpu.vector_load %arg8[%get3A_104] {strides = array<i32>} : memref<528xi32, #tpu.memory_space<vmem>>, vector<16xi32>,
        %slice3A = vector.extract_strided_slice %get3A_101 {offsets = [0], sizes = [1], strides = [1]} : vector<16xi32> to vector<1xi32>
        %squeeze3A = vector.extract %slice3A[0] : i32 from vector<1xi32>
        %shift_right_arithmetic3A = arith.constant 7 : i32
        %shift_right_arithmetic3A_106 = arith.shrsi %squeeze3A, %shift_right_arithmetic3A : i32
        %mul3A_107 = arith.constant 128 : i32
        %mul3A_108 = arith.muli %shift_right_arithmetic3A_106, %mul3A_107 : i32
        %multiple_of3A = tpu.assume_multiple %mul3A_108, 128 : i32
        %slice3A_109 = vector.extract_strided_slice %get3A_105 {offsets = [0], sizes = [1], strides = [1]} : vector<16xi32> to vector<1xi32>
        %squeeze3A_110 = vector.extract %slice3A_109[0] : i32 from vector<1xi32>
        %shift_right_arithmetic3A_111 = arith.constant 7 : i32
        %shift_right_arithmetic3A_112 = arith.shrsi %squeeze3A_110, %shift_right_arithmetic3A_111 : i32
        %mul3A_113 = arith.constant 128 : i32
        %mul3A_114 = arith.muli %shift_right_arithmetic3A_112, %mul3A_113 : i32
        %multiple_of3A_115 = tpu.assume_multiple %mul3A_114, 128 : i32
        %dma_start3A = arith.constant 0 : i32
        %dma_start3A_116 = arith.constant 0 : i32
        %dma_start3A_117 = tpu.memref_slice %arg9[%dma_start3A, %dma_start3A_116] : memref<16x3072xf32, #tpu.memory_space<vmem>> -> memref<16x128xf32, #tpu.memory_space<vmem>>
        %dma_start3A_118 = arith.constant 0 : i32
        %dma_start3A_119 = tpu.memref_slice %arg4[%dma_start3A_118, %multiple_of3A] : memref<16x1000000xf32, #tpu.memory_space<hbm>> -> memref<16x128xf32, #tpu.memory_space<hbm>>
        %dma_start3A_120 = arith.constant 0 : i32
        %dma_start3A_121 = arith.constant 0 : i32
        %dma_start3A_122 = tpu.memref_slice %arg9[%dma_start3A_120, %dma_start3A_121] : memref<16x3072xf32, #tpu.memory_space<vmem>> -> memref<16x128xf32, #tpu.memory_space<vmem>>
        %dma_start3A_123 = arith.constant 0 : i32
        %dma_start3A_124 = tpu.memref_slice %arg4[%dma_start3A_123, %multiple_of3A] : memref<16x1000000xf32, #tpu.memory_space<hbm>> -> memref<16x128xf32, #tpu.memory_space<hbm>>
        tpu.enqueue_dma source(%dma_start3A_124 : memref<16x128xf32, #tpu.memory_space<hbm>>) target(%dma_start3A_122 : memref<16x128xf32, #tpu.memory_space<vmem>>) target_semaphore(%arg14 : memref<!tpu.dma_semaphore, #tpu.memory_space<semaphore_mem>>)
        %dma_start3A_125 = arith.constant 0 : i32
        %dma_start3A_126 = arith.constant 0 : i32
        %dma_start3A_127 = tpu.memref_slice %arg10[%dma_start3A_125, %dma_start3A_126] : memref<16x3072xf32, #tpu.memory_space<vmem>> -> memref<16x128xf32, #tpu.memory_space<vmem>>
        %dma_start3A_128 = arith.constant 0 : i32
        %dma_start3A_129 = tpu.memref_slice %arg5[%dma_start3A_128, %multiple_of3A_115] : memref<16x1000000xf32, #tpu.memory_space<hbm>> -> memref<16x128xf32, #tpu.memory_space<hbm>>
        %dma_start3A_130 = arith.constant 0 : i32
        %dma_start3A_131 = arith.constant 0 : i32
        %dma_start3A_132 = tpu.memref_slice %arg10[%dma_start3A_130, %dma_start3A_131] : memref<16x3072xf32, #tpu.memory_space<vmem>> -> memref<16x128xf32, #tpu.memory_space<vmem>>
        %dma_start3A_133 = arith.constant 0 : i32
        %dma_start3A_134 = tpu.memref_slice %arg5[%dma_start3A_133, %multiple_of3A_115] : memref<16x1000000xf32, #tpu.memory_space<hbm>> -> memref<16x128xf32, #tpu.memory_space<hbm>>
        tpu.enqueue_dma source(%dma_start3A_134 : memref<16x128xf32, #tpu.memory_space<hbm>>) target(%dma_start3A_132 : memref<16x128xf32, #tpu.memory_space<vmem>>) target_semaphore(%arg17 : memref<!tpu.dma_semaphore, #tpu.memory_space<semaphore_mem>>)
        %slice3A_135 = vector.extract_strided_slice %get3A_101 {offsets = [1], sizes = [1], strides = [1]} : vector<16xi32> to vector<1xi32>
        %squeeze3A_136 = vector.extract %slice3A_135[0] : i32 from vector<1xi32>
        %shift_right_arithmetic3A_137 = arith.constant 7 : i32
        %shift_right_arithmetic3A_138 = arith.shrsi %squeeze3A_136, %shift_right_arithmetic3A_137 : i32
        %mul3A_139 = arith.constant 128 : i32
        %mul3A_140 = arith.muli %shift_right_arithmetic3A_138, %mul3A_139 : i32
        %multiple_of3A_141 = tpu.assume_multiple %mul3A_140, 128 : i32
        %slice3A_142 = vector.extract_strided_slice %get3A_105 {offsets = [1], sizes = [1], strides = [1]} : vector<16xi32> to vector<1xi32>
        %squeeze3A_143 = vector.extract %slice3A_142[0] : i32 from vector<1xi32>
        %shift_right_arithmetic3A_144 = arith.constant 7 : i32
        %shift_right_arithmetic3A_145 = arith.shrsi %squeeze3A_143, %shift_right_arithmetic3A_144 : i32
        %mul3A_146 = arith.constant 128 : i32
        %mul3A_147 = arith.muli %shift_right_arithmetic3A_145, %mul3A_146 : i32
        %multiple_of3A_148 = tpu.assume_multiple %mul3A_147, 128 : i32
        %dma_start3A_149 = arith.constant 0 : i32
        %dma_start3A_150 = arith.constant 128 : i32
        %dma_start3A_151 = tpu.memref_slice %arg9[%dma_start3A_149, %dma_start3A_150] : memref<16x3072xf32, #tpu.memory_space<vmem>> -> memref<16x128xf32, #tpu.memory_space<vmem>>
        %dma_start3A_152 = arith.constant 0 : i32
        %dma_start3A_153 = tpu.memref_slice %arg4[%dma_start3A_152, %multiple_of3A_141] : memref<16x1000000xf32, #tpu.memory_space<hbm>> -> memref<16x128xf32, #tpu.memory_space<hbm>>
        %dma_start3A_154 = arith.constant 0 : i32
        %dma_start3A_155 = arith.constant 128 : i32
        %dma_start3A_156 = tpu.memref_slice %arg9[%dma_start3A_154, %dma_start3A_155] : memref<16x3072xf32, #tpu.memory_space<vmem>> -> memref<16x128xf32, #tpu.memory_space<vmem>>
        %dma_start3A_157 = arith.constant 0 : i32
        %dma_start3A_158 = tpu.memref_slice %arg4[%dma_start3A_157, %multiple_of3A_141] : memref<16x1000000xf32, #tpu.memory_space<hbm>> -> memref<16x128xf32, #tpu.memory_space<hbm>>
        tpu.enqueue_dma source(%dma_start3A_158 : memref<16x128xf32, #tpu.memory_space<hbm>>) target(%dma_start3A_156 : memref<16x128xf32, #tpu.memory_space<vmem>>) target_semaphore(%arg14 : memref<!tpu.dma_semaphore, #tpu.memory_space<semaphore_mem>>)
        %dma_start3A_159 = arith.constant 0 : i32
        %dma_start3A_160 = arith.constant 128 : i32
        %dma_start3A_161 = tpu.memref_slice %arg10[%dma_start3A_159, %dma_start3A_160] : memref<16x3072xf32, #tpu.memory_space<vmem>> -> memref<16x128xf32, #tpu.memory_space<vmem>>
        %dma_start3A_162 = arith.constant 0 : i32
        %dma_start3A_163 = tpu.memref_slice %arg5[%dma_start3A_162, %multiple_of3A_148] : memref<16x1000000xf32, #tpu.memory_space<hbm>> -> memref<16x128xf32, #tpu.memory_space<hbm>>
        %dma_start3A_164 = arith.constant 0 : i32
        %dma_start3A_165 = arith.constant 128 : i32
        %dma_start3A_166 = tpu.memref_slice %arg10[%dma_start3A_164, %dma_start3A_165] : memref<16x3072xf32, #tpu.memory_space<vmem>> -> memref<16x128xf32, #tpu.memory_space<vmem>>
        %dma_start3A_167 = arith.constant 0 : i32
        %dma_start3A_168 = tpu.memref_slice %arg5[%dma_start3A_167, %multiple_of3A_148] : memref<16x1000000xf32, #tpu.memory_space<hbm>> -> memref<16x128xf32, #tpu.memory_space<hbm>>
        tpu.enqueue_dma source(%dma_start3A_168 : memref<16x128xf32, #tpu.memory_space<hbm>>) target(%dma_start3A_166 : memref<16x128xf32, #tpu.memory_space<vmem>>) target_semaphore(%arg17 : memref<!tpu.dma_semaphore, #tpu.memory_space<semaphore_mem>>)
        %slice3A_169 = vector.extract_strided_slice %get3A_101 {offsets = [2], sizes = [1], strides = [1]} : vector<16xi32> to vector<1xi32>
        %squeeze3A_170 = vector.extract %slice3A_169[0] : i32 from vector<1xi32>
        %shift_right_arithmetic3A_171 = arith.constant 7 : i32
        %shift_right_arithmetic3A_172 = arith.shrsi %squeeze3A_170, %shift_right_arithmetic3A_171 : i32
        %mul3A_173 = arith.constant 128 : i32
        %mul3A_174 = arith.muli %shift_right_arithmetic3A_172, %mul3A_173 : i32
        %multiple_of3A_175 = tpu.assume_multiple %mul3A_174, 128 : i32
        %slice3A_176 = vector.extract_strided_slice %get3A_105 {offsets = [2], sizes = [1], strides = [1]} : vector<16xi32> to vector<1xi32>
        %squeeze3A_177 = vector.extract %slice3A_176[0] : i32 from vector<1xi32>
        %shift_right_arithmetic3A_178 = arith.constant 7 : i32
        %shift_right_arithmetic3A_179 = arith.shrsi %squeeze3A_177, %shift_right_arithmetic3A_178 : i32
        %mul3A_180 = arith.constant 128 : i32
        %mul3A_181 = arith.muli %shift_right_arithmetic3A_179, %mul3A_180 : i32
        %multiple_of3A_182 = tpu.assume_multiple %mul3A_181, 128 : i32
        %dma_start3A_183 = arith.constant 0 : i32
        %dma_start3A_184 = arith.constant 256 : i32
        %dma_start3A_185 = tpu.memref_slice %arg9[%dma_start3A_183, %dma_start3A_184] : memref<16x3072xf32, #tpu.memory_space<vmem>> -> memref<16x128xf32, #tpu.memory_space<vmem>>
        %dma_start3A_186 = arith.constant 0 : i32
        %dma_start3A_187 = tpu.memref_slice %arg4[%dma_start3A_186, %multiple_of3A_175] : memref<16x1000000xf32, #tpu.memory_space<hbm>> -> memref<16x128xf32, #tpu.memory_space<hbm>>
        %dma_start3A_188 = arith.constant 0 : i32
        %dma_start3A_189 = arith.constant 256 : i32
        %dma_start3A_190 = tpu.memref_slice %arg9[%dma_start3A_188, %dma_start3A_189] : memref<16x3072xf32, #tpu.memory_space<vmem>> -> memref<16x128xf32, #tpu.memory_space<vmem>>
        %dma_start3A_191 = arith.constant 0 : i32
        %dma_start3A_192 = tpu.memref_slice %arg4[%dma_start3A_191, %multiple_of3A_175] : memref<16x1000000xf32, #tpu.memory_space<hbm>> -> memref<16x128xf32, #tpu.memory_space<hbm>>
        tpu.enqueue_dma source(%dma_start3A_192 : memref<16x128xf32, #tpu.memory_space<hbm>>) target(%dma_start3A_190 : memref<16x128xf32, #tpu.memory_space<vmem>>) target_semaphore(%arg14 : memref<!tpu.dma_semaphore, #tpu.memory_space<semaphore_mem>>)
        %dma_start3A_193 = arith.constant 0 : i32
        %dma_start3A_194 = arith.constant 256 : i32
        %dma_start3A_195 = tpu.memref_slice %arg10[%dma_start3A_193, %dma_start3A_194] : memref<16x3072xf32, #tpu.memory_space<vmem>> -> memref<16x128xf32, #tpu.memory_space<vmem>>
        %dma_start3A_196 = arith.constant 0 : i32
        %dma_start3A_197 = tpu.memref_slice %arg5[%dma_start3A_196, %multiple_of3A_182] : memref<16x1000000xf32, #tpu.memory_space<hbm>> -> memref<16x128xf32, #tpu.memory_space<hbm>>
        %dma_start3A_198 = arith.constant 0 : i32
        %dma_start3A_199 = arith.constant 256 : i32
        %dma_start3A_200 = tpu.memref_slice %arg10[%dma_start3A_198, %dma_start3A_199] : memref<16x3072xf32, #tpu.memory_space<vmem>> -> memref<16x128xf32, #tpu.memory_space<vmem>>
        %dma_start3A_201 = arith.constant 0 : i32
        %dma_start3A_202 = tpu.memref_slice %arg5[%dma_start3A_201, %multiple_of3A_182] : memref<16x1000000xf32, #tpu.memory_space<hbm>> -> memref<16x128xf32, #tpu.memory_space<hbm>>
        tpu.enqueue_dma source(%dma_start3A_202 : memref<16x128xf32, #tpu.memory_space<hbm>>) target(%dma_start3A_200 : memref<16x128xf32, #tpu.memory_space<vmem>>) target_semaphore(%arg17 : memref<!tpu.dma_semaphore, #tpu.memory_space<semaphore_mem>>)
        %slice3A_203 = vector.extract_strided_slice %get3A_101 {offsets = [3], sizes = [1], strides = [1]} : vector<16xi32> to vector<1xi32>
        %squeeze3A_204 = vector.extract %slice3A_203[0] : i32 from vector<1xi32>
        %shift_right_arithmetic3A_205 = arith.constant 7 : i32
        %shift_right_arithmetic3A_206 = arith.shrsi %squeeze3A_204, %shift_right_arithmetic3A_205 : i32
        %mul3A_207 = arith.constant 128 : i32
        %mul3A_208 = arith.muli %shift_right_arithmetic3A_206, %mul3A_207 : i32
        %multiple_of3A_209 = tpu.assume_multiple %mul3A_208, 128 : i32
        %slice3A_210 = vector.extract_strided_slice %get3A_105 {offsets = [3], sizes = [1], strides = [1]} : vector<16xi32> to vector<1xi32>
        %squeeze3A_211 = vector.extract %slice3A_210[0] : i32 from vector<1xi32>
        %shift_right_arithmetic3A_212 = arith.constant 7 : i32
        %shift_right_arithmetic3A_213 = arith.shrsi %squeeze3A_211, %shift_right_arithmetic3A_212 : i32
        %mul3A_214 = arith.constant 128 : i32
        %mul3A_215 = arith.muli %shift_right_arithmetic3A_213, %mul3A_214 : i32
        %multiple_of3A_216 = tpu.assume_multiple %mul3A_215, 128 : i32
        %dma_start3A_217 = arith.constant 0 : i32
        %dma_start3A_218 = arith.constant 384 : i32
        %dma_start3A_219 = tpu.memref_slice %arg9[%dma_start3A_217, %dma_start3A_218] : memref<16x3072xf32, #tpu.memory_space<vmem>> -> memref<16x128xf32, #tpu.memory_space<vmem>>
        %dma_start3A_220 = arith.constant 0 : i32
        %dma_start3A_221 = tpu.memref_slice %arg4[%dma_start3A_220, %multiple_of3A_209] : memref<16x1000000xf32, #tpu.memory_space<hbm>> -> memref<16x128xf32, #tpu.memory_space<hbm>>
        %dma_start3A_222 = arith.constant 0 : i32
        %dma_start3A_223 = arith.constant 384 : i32
        %dma_start3A_224 = tpu.memref_slice %arg9[%dma_start3A_222, %dma_start3A_223] : memref<16x3072xf32, #tpu.memory_space<vmem>> -> memref<16x128xf32, #tpu.memory_space<vmem>>
        %dma_start3A_225 = arith.constant 0 : i32
        %dma_start3A_226 = tpu.memref_slice %arg4[%dma_start3A_225, %multiple_of3A_209] : memref<16x1000000xf32, #tpu.memory_space<hbm>> -> memref<16x128xf32, #tpu.memory_space<hbm>>
        tpu.enqueue_dma source(%dma_start3A_226 : memref<16x128xf32, #tpu.memory_space<hbm>>) target(%dma_start3A_224 : memref<16x128xf32, #tpu.memory_space<vmem>>) target_semaphore(%arg14 : memref<!tpu.dma_semaphore, #tpu.memory_space<semaphore_mem>>)
        %dma_start3A_227 = arith.constant 0 : i32
        %dma_start3A_228 = arith.constant 384 : i32
        %dma_start3A_229 = tpu.memref_slice %arg10[%dma_start3A_227, %dma_start3A_228] : memref<16x3072xf32, #tpu.memory_space<vmem>> -> memref<16x128xf32, #tpu.memory_space<vmem>>
        %dma_start3A_230 = arith.constant 0 : i32
        %dma_start3A_231 = tpu.memref_slice %arg5[%dma_start3A_230, %multiple_of3A_216] : memref<16x1000000xf32, #tpu.memory_space<hbm>> -> memref<16x128xf32, #tpu.memory_space<hbm>>
        %dma_start3A_232 = arith.constant 0 : i32
        %dma_start3A_233 = arith.constant 384 : i32
        %dma_start3A_234 = tpu.memref_slice %arg10[%dma_start3A_232, %dma_start3A_233] : memref<16x3072xf32, #tpu.memory_space<vmem>> -> memref<16x128xf32, #tpu.memory_space<vmem>>
        %dma_start3A_235 = arith.constant 0 : i32
        %dma_start3A_236 = tpu.memref_slice %arg5[%dma_start3A_235, %multiple_of3A_216] : memref<16x1000000xf32, #tpu.memory_space<hbm>> -> memref<16x128xf32, #tpu.memory_space<hbm>>
        tpu.enqueue_dma source(%dma_start3A_236 : memref<16x128xf32, #tpu.memory_space<hbm>>) target(%dma_start3A_234 : memref<16x128xf32, #tpu.memory_space<vmem>>) target_semaphore(%arg17 : memref<!tpu.dma_semaphore, #tpu.memory_space<semaphore_mem>>)
        %slice3A_237 = vector.extract_strided_slice %get3A_101 {offsets = [4], sizes = [1], strides = [1]} : vector<16xi32> to vector<1xi32>
        %squeeze3A_238 = vector.extract %slice3A_237[0] : i32 from vector<1xi32>
        %shift_right_arithmetic3A_239 = arith.constant 7 : i32
        %shift_right_arithmetic3A_240 = arith.shrsi %squeeze3A_238, %shift_right_arithmetic3A_239 : i32
        %mul3A_241 = arith.constant 128 : i32
        %mul3A_242 = arith.muli %shift_right_arithmetic3A_240, %mul3A_241 : i32
        %multiple_of3A_243 = tpu.assume_multiple %mul3A_242, 128 : i32
        %slice3A_244 = vector.extract_strided_slice %get3A_105 {offsets = [4], sizes = [1], strides = [1]} : vector<16xi32> to vector<1xi32>
        %squeeze3A_245 = vector.extract %slice3A_244[0] : i32 from vector<1xi32>
        %shift_right_arithmetic3A_246 = arith.constant 7 : i32
        %shift_right_arithmetic3A_247 = arith.shrsi %squeeze3A_245, %shift_right_arithmetic3A_246 : i32
        %mul3A_248 = arith.constant 128 : i32
        %mul3A_249 = arith.muli %shift_right_arithmetic3A_247, %mul3A_248 : i32
        %multiple_of3A_250 = tpu.assume_multiple %mul3A_249, 128 : i32
        %dma_start3A_251 = arith.constant 0 : i32
        %dma_start3A_252 = arith.constant 512 : i32
        %dma_start3A_253 = tpu.memref_slice %arg9[%dma_start3A_251, %dma_start3A_252] : memref<16x3072xf32, #tpu.memory_space<vmem>> -> memref<16x128xf32, #tpu.memory_space<vmem>>
        %dma_start3A_254 = arith.constant 0 : i32
        %dma_start3A_255 = tpu.memref_slice %arg4[%dma_start3A_254, %multiple_of3A_243] : memref<16x1000000xf32, #tpu.memory_space<hbm>> -> memref<16x128xf32, #tpu.memory_space<hbm>>
        %dma_start3A_256 = arith.constant 0 : i32
        %dma_start3A_257 = arith.constant 512 : i32
        %dma_start3A_258 = tpu.memref_slice %arg9[%dma_start3A_256, %dma_start3A_257] : memref<16x3072xf32, #tpu.memory_space<vmem>> -> memref<16x128xf32, #tpu.memory_space<vmem>>
        %dma_start3A_259 = arith.constant 0 : i32
        %dma_start3A_260 = tpu.memref_slice %arg4[%dma_start3A_259, %multiple_of3A_243] : memref<16x1000000xf32, #tpu.memory_space<hbm>> -> memref<16x128xf32, #tpu.memory_space<hbm>>
        tpu.enqueue_dma source(%dma_start3A_260 : memref<16x128xf32, #tpu.memory_space<hbm>>) target(%dma_start3A_258 : memref<16x128xf32, #tpu.memory_space<vmem>>) target_semaphore(%arg14 : memref<!tpu.dma_semaphore, #tpu.memory_space<semaphore_mem>>)
        %dma_start3A_261 = arith.constant 0 : i32
        %dma_start3A_262 = arith.constant 512 : i32
        %dma_start3A_263 = tpu.memref_slice %arg10[%dma_start3A_261, %dma_start3A_262] : memref<16x3072xf32, #tpu.memory_space<vmem>> -> memref<16x128xf32, #tpu.memory_space<vmem>>
        %dma_start3A_264 = arith.constant 0 : i32
        %dma_start3A_265 = tpu.memref_slice %arg5[%dma_start3A_264, %multiple_of3A_250] : memref<16x1000000xf32, #tpu.memory_space<hbm>> -> memref<16x128xf32, #tpu.memory_space<hbm>>
        %dma_start3A_266 = arith.constant 0 : i32
        %dma_start3A_267 = arith.constant 512 : i32
        %dma_start3A_268 = tpu.memref_slice %arg10[%dma_start3A_266, %dma_start3A_267] : memref<16x3072xf32, #tpu.memory_space<vmem>> -> memref<16x128xf32, #tpu.memory_space<vmem>>
        %dma_start3A_269 = arith.constant 0 : i32
        %dma_start3A_270 = tpu.memref_slice %arg5[%dma_start3A_269, %multiple_of3A_250] : memref<16x1000000xf32, #tpu.memory_space<hbm>> -> memref<16x128xf32, #tpu.memory_space<hbm>>
        tpu.enqueue_dma source(%dma_start3A_270 : memref<16x128xf32, #tpu.memory_space<hbm>>) target(%dma_start3A_268 : memref<16x128xf32, #tpu.memory_space<vmem>>) target_semaphore(%arg17 : memref<!tpu.dma_semaphore, #tpu.memory_space<semaphore_mem>>)
        %slice3A_271 = vector.extract_strided_slice %get3A_101 {offsets = [5], sizes = [1], strides = [1]} : vector<16xi32> to vector<1xi32>
        %squeeze3A_272 = vector.extract %slice3A_271[0] : i32 from vector<1xi32>
        %shift_right_arithmetic3A_273 = arith.constant 7 : i32
        %shift_right_arithmetic3A_274 = arith.shrsi %squeeze3A_272, %shift_right_arithmetic3A_273 : i32
        %mul3A_275 = arith.constant 128 : i32
        %mul3A_276 = arith.muli %shift_right_arithmetic3A_274, %mul3A_275 : i32
        %multiple_of3A_277 = tpu.assume_multiple %mul3A_276, 128 : i32
        %slice3A_278 = vector.extract_strided_slice %get3A_105 {offsets = [5], sizes = [1], strides = [1]} : vector<16xi32> to vector<1xi32>
        %squeeze3A_279 = vector.extract %slice3A_278[0] : i32 from vector<1xi32>
        %shift_right_arithmetic3A_280 = arith.constant 7 : i32
        %shift_right_arithmetic3A_281 = arith.shrsi %squeeze3A_279, %shift_right_arithmetic3A_280 : i32
        %mul3A_282 = arith.constant 128 : i32
        %mul3A_283 = arith.muli %shift_right_arithmetic3A_281, %mul3A_282 : i32
        %multiple_of3A_284 = tpu.assume_multiple %mul3A_283, 128 : i32
        %dma_start3A_285 = arith.constant 0 : i32
        %dma_start3A_286 = arith.constant 640 : i32
        %dma_start3A_287 = tpu.memref_slice %arg9[%dma_start3A_285, %dma_start3A_286] : memref<16x3072xf32, #tpu.memory_space<vmem>> -> memref<16x128xf32, #tpu.memory_space<vmem>>
        %dma_start3A_288 = arith.constant 0 : i32
        %dma_start3A_289 = tpu.memref_slice %arg4[%dma_start3A_288, %multiple_of3A_277] : memref<16x1000000xf32, #tpu.memory_space<hbm>> -> memref<16x128xf32, #tpu.memory_space<hbm>>
        %dma_start3A_290 = arith.constant 0 : i32
        %dma_start3A_291 = arith.constant 640 : i32
        %dma_start3A_292 = tpu.memref_slice %arg9[%dma_start3A_290, %dma_start3A_291] : memref<16x3072xf32, #tpu.memory_space<vmem>> -> memref<16x128xf32, #tpu.memory_space<vmem>>
        %dma_start3A_293 = arith.constant 0 : i32
        %dma_start3A_294 = tpu.memref_slice %arg4[%dma_start3A_293, %multiple_of3A_277] : memref<16x1000000xf32, #tpu.memory_space<hbm>> -> memref<16x128xf32, #tpu.memory_space<hbm>>
        tpu.enqueue_dma source(%dma_start3A_294 : memref<16x128xf32, #tpu.memory_space<hbm>>) target(%dma_start3A_292 : memref<16x128xf32, #tpu.memory_space<vmem>>) target_semaphore(%arg14 : memref<!tpu.dma_semaphore, #tpu.memory_space<semaphore_mem>>)
        %dma_start3A_295 = arith.constant 0 : i32
        %dma_start3A_296 = arith.constant 640 : i32
        %dma_start3A_297 = tpu.memref_slice %arg10[%dma_start3A_295, %dma_start3A_296] : memref<16x3072xf32, #tpu.memory_space<vmem>> -> memref<16x128xf32, #tpu.memory_space<vmem>>
        %dma_start3A_298 = arith.constant 0 : i32
        %dma_start3A_299 = tpu.memref_slice %arg5[%dma_start3A_298, %multiple_of3A_284] : memref<16x1000000xf32, #tpu.memory_space<hbm>> -> memref<16x128xf32, #tpu.memory_space<hbm>>
        %dma_start3A_300 = arith.constant 0 : i32
        %dma_start3A_301 = arith.constant 640 : i32
        %dma_start3A_302 = tpu.memref_slice %arg10[%dma_start3A_300, %dma_start3A_301] : memref<16x3072xf32, #tpu.memory_space<vmem>> -> memref<16x128xf32, #tpu.memory_space<vmem>>
        %dma_start3A_303 = arith.constant 0 : i32
        %dma_start3A_304 = tpu.memref_slice %arg5[%dma_start3A_303, %multiple_of3A_284] : memref<16x1000000xf32, #tpu.memory_space<hbm>> -> memref<16x128xf32, #tpu.memory_space<hbm>>
        tpu.enqueue_dma source(%dma_start3A_304 : memref<16x128xf32, #tpu.memory_space<hbm>>) target(%dma_start3A_302 : memref<16x128xf32, #tpu.memory_space<vmem>>) target_semaphore(%arg17 : memref<!tpu.dma_semaphore, #tpu.memory_space<semaphore_mem>>)
        %slice3A_305 = vector.extract_strided_slice %get3A_101 {offsets = [6], sizes = [1], strides = [1]} : vector<16xi32> to vector<1xi32>
        %squeeze3A_306 = vector.extract %slice3A_305[0] : i32 from vector<1xi32>
        %shift_right_arithmetic3A_307 = arith.constant 7 : i32
        %shift_right_arithmetic3A_308 = arith.shrsi %squeeze3A_306, %shift_right_arithmetic3A_307 : i32
        %mul3A_309 = arith.constant 128 : i32
        %mul3A_310 = arith.muli %shift_right_arithmetic3A_308, %mul3A_309 : i32
        %multiple_of3A_311 = tpu.assume_multiple %mul3A_310, 128 : i32
        %slice3A_312 = vector.extract_strided_slice %get3A_105 {offsets = [6], sizes = [1], strides = [1]} : vector<16xi32> to vector<1xi32>
        %squeeze3A_313 = vector.extract %slice3A_312[0] : i32 from vector<1xi32>
        %shift_right_arithmetic3A_314 = arith.constant 7 : i32
        %shift_right_arithmetic3A_315 = arith.shrsi %squeeze3A_313, %shift_right_arithmetic3A_314 : i32
        %mul3A_316 = arith.constant 128 : i32
        %mul3A_317 = arith.muli %shift_right_arithmetic3A_315, %mul3A_316 : i32
        %multiple_of3A_318 = tpu.assume_multiple %mul3A_317, 128 : i32
        %dma_start3A_319 = arith.constant 0 : i32
        %dma_start3A_320 = arith.constant 768 : i32
        %dma_start3A_321 = tpu.memref_slice %arg9[%dma_start3A_319, %dma_start3A_320] : memref<16x3072xf32, #tpu.memory_space<vmem>> -> memref<16x128xf32, #tpu.memory_space<vmem>>
        %dma_start3A_322 = arith.constant 0 : i32
        %dma_start3A_323 = tpu.memref_slice %arg4[%dma_start3A_322, %multiple_of3A_311] : memref<16x1000000xf32, #tpu.memory_space<hbm>> -> memref<16x128xf32, #tpu.memory_space<hbm>>
        %dma_start3A_324 = arith.constant 0 : i32
        %dma_start3A_325 = arith.constant 768 : i32
        %dma_start3A_326 = tpu.memref_slice %arg9[%dma_start3A_324, %dma_start3A_325] : memref<16x3072xf32, #tpu.memory_space<vmem>> -> memref<16x128xf32, #tpu.memory_space<vmem>>
        %dma_start3A_327 = arith.constant 0 : i32
        %dma_start3A_328 = tpu.memref_slice %arg4[%dma_start3A_327, %multiple_of3A_311] : memref<16x1000000xf32, #tpu.memory_space<hbm>> -> memref<16x128xf32, #tpu.memory_space<hbm>>
        tpu.enqueue_dma source(%dma_start3A_328 : memref<16x128xf32, #tpu.memory_space<hbm>>) target(%dma_start3A_326 : memref<16x128xf32, #tpu.memory_space<vmem>>) target_semaphore(%arg14 : memref<!tpu.dma_semaphore, #tpu.memory_space<semaphore_mem>>)
        %dma_start3A_329 = arith.constant 0 : i32
        %dma_start3A_330 = arith.constant 768 : i32
        %dma_start3A_331 = tpu.memref_slice %arg10[%dma_start3A_329, %dma_start3A_330] : memref<16x3072xf32, #tpu.memory_space<vmem>> -> memref<16x128xf32, #tpu.memory_space<vmem>>
        %dma_start3A_332 = arith.constant 0 : i32
        %dma_start3A_333 = tpu.memref_slice %arg5[%dma_start3A_332, %multiple_of3A_318] : memref<16x1000000xf32, #tpu.memory_space<hbm>> -> memref<16x128xf32, #tpu.memory_space<hbm>>
        %dma_start3A_334 = arith.constant 0 : i32
        %dma_start3A_335 = arith.constant 768 : i32
        %dma_start3A_336 = tpu.memref_slice %arg10[%dma_start3A_334, %dma_start3A_335] : memref<16x3072xf32, #tpu.memory_space<vmem>> -> memref<16x128xf32, #tpu.memory_space<vmem>>
        %dma_start3A_337 = arith.constant 0 : i32
        %dma_start3A_338 = tpu.memref_slice %arg5[%dma_start3A_337, %multiple_of3A_318] : memref<16x1000000xf32, #tpu.memory_space<hbm>> -> memref<16x128xf32, #tpu.memory_space<hbm>>
        tpu.enqueue_dma source(%dma_start3A_338 : memref<16x128xf32, #tpu.memory_space<hbm>>) target(%dma_start3A_336 : memref<16x128xf32, #tpu.memory_space<vmem>>) target_semaphore(%arg17 : memref<!tpu.dma_semaphore, #tpu.memory_space<semaphore_mem>>)
        %slice3A_339 = vector.extract_strided_slice %get3A_101 {offsets = [7], sizes = [1], strides = [1]} : vector<16xi32> to vector<1xi32>
        %squeeze3A_340 = vector.extract %slice3A_339[0] : i32 from vector<1xi32>
        %shift_right_arithmetic3A_341 = arith.constant 7 : i32
        %shift_right_arithmetic3A_342 = arith.shrsi %squeeze3A_340, %shift_right_arithmetic3A_341 : i32
        %mul3A_343 = arith.constant 128 : i32
        %mul3A_344 = arith.muli %shift_right_arithmetic3A_342, %mul3A_343 : i32
        %multiple_of3A_345 = tpu.assume_multiple %mul3A_344, 128 : i32
        %slice3A_346 = vector.extract_strided_slice %get3A_105 {offsets = [7], sizes = [1], strides = [1]} : vector<16xi32> to vector<1xi32>
        %squeeze3A_347 = vector.extract %slice3A_346[0] : i32 from vector<1xi32>
        %shift_right_arithmetic3A_348 = arith.constant 7 : i32
        %shift_right_arithmetic3A_349 = arith.shrsi %squeeze3A_347, %shift_right_arithmetic3A_348 : i32
        %mul3A_350 = arith.constant 128 : i32
        %mul3A_351 = arith.muli %shift_right_arithmetic3A_349, %mul3A_350 : i32
        %multiple_of3A_352 = tpu.assume_multiple %mul3A_351, 128 : i32
        %dma_start3A_353 = arith.constant 0 : i32
        %dma_start3A_354 = arith.constant 896 : i32
        %dma_start3A_355 = tpu.memref_slice %arg9[%dma_start3A_353, %dma_start3A_354] : memref<16x3072xf32, #tpu.memory_space<vmem>> -> memref<16x128xf32, #tpu.memory_space<vmem>>
        %dma_start3A_356 = arith.constant 0 : i32
        %dma_start3A_357 = tpu.memref_slice %arg4[%dma_start3A_356, %multiple_of3A_345] : memref<16x1000000xf32, #tpu.memory_space<hbm>> -> memref<16x128xf32, #tpu.memory_space<hbm>>
        %dma_start3A_358 = arith.constant 0 : i32
        %dma_start3A_359 = arith.constant 896 : i32
        %dma_start3A_360 = tpu.memref_slice %arg9[%dma_start3A_358, %dma_start3A_359] : memref<16x3072xf32, #tpu.memory_space<vmem>> -> memref<16x128xf32, #tpu.memory_space<vmem>>
        %dma_start3A_361 = arith.constant 0 : i32
        %dma_start3A_362 = tpu.memref_slice %arg4[%dma_start3A_361, %multiple_of3A_345] : memref<16x1000000xf32, #tpu.memory_space<hbm>> -> memref<16x128xf32, #tpu.memory_space<hbm>>
        tpu.enqueue_dma source(%dma_start3A_362 : memref<16x128xf32, #tpu.memory_space<hbm>>) target(%dma_start3A_360 : memref<16x128xf32, #tpu.memory_space<vmem>>) target_semaphore(%arg14 : memref<!tpu.dma_semaphore, #tpu.memory_space<semaphore_mem>>)
        %dma_start3A_363 = arith.constant 0 : i32
        %dma_start3A_364 = arith.constant 896 : i32
        %dma_start3A_365 = tpu.memref_slice %arg10[%dma_start3A_363, %dma_start3A_364] : memref<16x3072xf32, #tpu.memory_space<vmem>> -> memref<16x128xf32, #tpu.memory_space<vmem>>
        %dma_start3A_366 = arith.constant 0 : i32
        %dma_start3A_367 = tpu.memref_slice %arg5[%dma_start3A_366, %multiple_of3A_352] : memref<16x1000000xf32, #tpu.memory_space<hbm>> -> memref<16x128xf32, #tpu.memory_space<hbm>>
        %dma_start3A_368 = arith.constant 0 : i32
        %dma_start3A_369 = arith.constant 896 : i32
        %dma_start3A_370 = tpu.memref_slice %arg10[%dma_start3A_368, %dma_start3A_369] : memref<16x3072xf32, #tpu.memory_space<vmem>> -> memref<16x128xf32, #tpu.memory_space<vmem>>
        %dma_start3A_371 = arith.constant 0 : i32
        %dma_start3A_372 = tpu.memref_slice %arg5[%dma_start3A_371, %multiple_of3A_352] : memref<16x1000000xf32, #tpu.memory_space<hbm>> -> memref<16x128xf32, #tpu.memory_space<hbm>>
        tpu.enqueue_dma source(%dma_start3A_372 : memref<16x128xf32, #tpu.memory_space<hbm>>) target(%dma_start3A_370 : memref<16x128xf32, #tpu.memory_space<vmem>>) target_semaphore(%arg17 : memref<!tpu.dma_semaphore, #tpu.memory_space<semaphore_mem>>)
      } else {
      }
      %eq3A_60 = arith.constant 0 : i32
      %eq3A_61 = arith.cmpi eq, %sub3A_55, %eq3A_60 : i32
      %ge3A = arith.constant 2 : i32
      %ge3A_62 = arith.cmpi sge, %scan3A_7, %ge3A : i32
      %and3A_63 = arith.andi %eq3A_61, %ge3A_62 : i1
      %convert_element_type3A_64 = arith.extui %and3A_63 : i1 to i32
      %cond3A_65 = arith.constant 0 : i32
      %cond3A_66 = arith.cmpi ne, %convert_element_type3A_64, %cond3A_65 : i32
      scf.if %cond3A_66 {
        %sub3A_99 = arith.constant 2 : i32
        %sub3A_100 = arith.subi %scan3A_7, %sub3A_99 : i32
        %dma_wait3A = arith.constant 0 : i32
        %dma_wait3A_101 = arith.constant 0 : i32
        %dma_wait3A_102 = tpu.memref_slice %arg9[%dma_wait3A, %dma_wait3A_101] : memref<16x3072xf32, #tpu.memory_space<vmem>> -> memref<16x1024xf32, #tpu.memory_space<vmem>>
        %dma_wait3A_103 = arith.constant 0 : i32
        %dma_wait3A_104 = arith.constant 0 : i32
        %dma_wait3A_105 = tpu.memref_slice %arg4[%dma_wait3A_103, %dma_wait3A_104] : memref<16x1000000xf32, #tpu.memory_space<hbm>> -> memref<16x1024xf32, #tpu.memory_space<hbm>>
        %dma_wait3A_106 = arith.constant 0 : i32
        %dma_wait3A_107 = arith.constant 0 : i32
        %dma_wait3A_108 = tpu.memref_slice %arg9[%dma_wait3A_106, %dma_wait3A_107] : memref<16x3072xf32, #tpu.memory_space<vmem>> -> memref<16x1024xf32, #tpu.memory_space<vmem>>
        %dma_wait3A_109 = arith.constant 0 : i32
        %dma_wait3A_110 = arith.constant 0 : i32
        %dma_wait3A_111 = tpu.memref_slice %arg4[%dma_wait3A_109, %dma_wait3A_110] : memref<16x1000000xf32, #tpu.memory_space<hbm>> -> memref<16x1024xf32, #tpu.memory_space<hbm>>
        tpu.wait_dma2 semaphore(%arg14 : memref<!tpu.dma_semaphore, #tpu.memory_space<semaphore_mem>>) src(%dma_wait3A_111 : memref<16x1024xf32, #tpu.memory_space<hbm>>) dst(%dma_wait3A_108 : memref<16x1024xf32, #tpu.memory_space<vmem>>)
        %dma_wait3A_112 = arith.constant 0 : i32
        %dma_wait3A_113 = arith.constant 0 : i32
        %dma_wait3A_114 = tpu.memref_slice %arg10[%dma_wait3A_112, %dma_wait3A_113] : memref<16x3072xf32, #tpu.memory_space<vmem>> -> memref<16x1024xf32, #tpu.memory_space<vmem>>
        %dma_wait3A_115 = arith.constant 0 : i32
        %dma_wait3A_116 = arith.constant 0 : i32
        %dma_wait3A_117 = tpu.memref_slice %arg5[%dma_wait3A_115, %dma_wait3A_116] : memref<16x1000000xf32, #tpu.memory_space<hbm>> -> memref<16x1024xf32, #tpu.memory_space<hbm>>
        %dma_wait3A_118 = arith.constant 0 : i32
        %dma_wait3A_119 = arith.constant 0 : i32
        %dma_wait3A_120 = tpu.memref_slice %arg10[%dma_wait3A_118, %dma_wait3A_119] : memref<16x3072xf32, #tpu.memory_space<vmem>> -> memref<16x1024xf32, #tpu.memory_space<vmem>>
        %dma_wait3A_121 = arith.constant 0 : i32
        %dma_wait3A_122 = arith.constant 0 : i32
        %dma_wait3A_123 = tpu.memref_slice %arg5[%dma_wait3A_121, %dma_wait3A_122] : memref<16x1000000xf32, #tpu.memory_space<hbm>> -> memref<16x1024xf32, #tpu.memory_space<hbm>>
        tpu.wait_dma2 semaphore(%arg17 : memref<!tpu.dma_semaphore, #tpu.memory_space<semaphore_mem>>) src(%dma_wait3A_123 : memref<16x1024xf32, #tpu.memory_space<hbm>>) dst(%dma_wait3A_120 : memref<16x1024xf32, #tpu.memory_space<vmem>>)
        %mul3A_124 = arith.constant 8 : i32
        %mul3A_125 = arith.muli %sub3A_100, %mul3A_124 : i32
        %get3A = arith.index_cast %mul3A_125 : i32 to index
        %get3A_126 = tpu.vector_load %arg7[%get3A] {strides = array<i32>} : memref<528xi32, #tpu.memory_space<vmem>>, vector<16xi32>,
        %mul3A_127 = arith.constant 8 : i32
        %mul3A_128 = arith.muli %sub3A_100, %mul3A_127 : i32
        %get3A_129 = arith.index_cast %mul3A_128 : i32 to index
        %get3A_130 = tpu.vector_load %arg8[%get3A_129] {strides = array<i32>} : memref<528xi32, #tpu.memory_space<vmem>>, vector<16xi32>,
        %and3A_131 = arith.constant 1 : i32
        %and3A_132 = arith.andi %sub3A_100, %and3A_131 : i32
        %slice3A = vector.extract_strided_slice %get3A_126 {offsets = [0], sizes = [1], strides = [1]} : vector<16xi32> to vector<1xi32>
        %squeeze3A = vector.extract %slice3A[0] : i32 from vector<1xi32>
        %and3A_133 = arith.constant 127 : i32
        %and3A_134 = arith.andi %squeeze3A, %and3A_133 : i32
        %add3A_135 = arith.constant 0 : i32
        %add3A_136 = arith.addi %and3A_134, %add3A_135 : i32
        %broadcast_in_dim3A = vector.broadcast %add3A_136 : i32 to vector<16xi32>
        %slice3A_137 = vector.extract_strided_slice %get3A_130 {offsets = [0], sizes = [1], strides = [1]} : vector<16xi32> to vector<1xi32>
        %squeeze3A_138 = vector.extract %slice3A_137[0] : i32 from vector<1xi32>
        %and3A_139 = arith.constant 127 : i32
        %and3A_140 = arith.andi %squeeze3A_138, %and3A_139 : i32
        %add3A_141 = arith.constant 0 : i32
        %add3A_142 = arith.addi %and3A_140, %add3A_141 : i32
        %broadcast_in_dim3A_143 = vector.broadcast %add3A_142 : i32 to vector<16xi32>
        %gather3A = tpu.vector_load_idx %arg9[%iota3A, %broadcast_in_dim3A] : memref<16x3072xf32, #tpu.memory_space<vmem>>[vector<16xi32>, vector<16xi32>], vector<16xf32>,
        %gather3A_144 = tpu.vector_load_idx %arg10[%iota3A, %broadcast_in_dim3A_143] : memref<16x3072xf32, #tpu.memory_space<vmem>>[vector<16xi32>, vector<16xi32>], vector<16xf32>,
        %broadcast_in_dim3A_145 = arith.constant 0 : i32
        %broadcast_in_dim3A_146 = vector.broadcast %broadcast_in_dim3A_145 : i32 to vector<16xi32>
        %shift_left3A = arith.constant 3 : i32
        %shift_left3A_147 = arith.shli %and3A_132, %shift_left3A : i32
        %add3A_148 = vector.broadcast %shift_left3A_147 : i32 to vector<16xi32>
        %add3A_149 = arith.addi %broadcast_in_dim3A_146, %add3A_148 : vector<16xi32>
        tpu.vector_store_idx %arg11[%iota3A, %add3A_149], %gather3A : memref<16x16xf32, #tpu.memory_space<vmem>>[vector<16xi32>, vector<16xi32>], vector<16xf32>,
        tpu.vector_store_idx %arg12[%iota3A, %add3A_149], %gather3A_144 : memref<16x16xf32, #tpu.memory_space<vmem>>[vector<16xi32>, vector<16xi32>], vector<16xf32>,
        %slice3A_150 = vector.extract_strided_slice %get3A_126 {offsets = [1], sizes = [1], strides = [1]} : vector<16xi32> to vector<1xi32>
        %squeeze3A_151 = vector.extract %slice3A_150[0] : i32 from vector<1xi32>
        %and3A_152 = arith.constant 127 : i32
        %and3A_153 = arith.andi %squeeze3A_151, %and3A_152 : i32
        %add3A_154 = arith.constant 128 : i32
        %add3A_155 = arith.addi %and3A_153, %add3A_154 : i32
        %broadcast_in_dim3A_156 = vector.broadcast %add3A_155 : i32 to vector<16xi32>
        %slice3A_157 = vector.extract_strided_slice %get3A_130 {offsets = [1], sizes = [1], strides = [1]} : vector<16xi32> to vector<1xi32>
        %squeeze3A_158 = vector.extract %slice3A_157[0] : i32 from vector<1xi32>
        %and3A_159 = arith.constant 127 : i32
        %and3A_160 = arith.andi %squeeze3A_158, %and3A_159 : i32
        %add3A_161 = arith.constant 128 : i32
        %add3A_162 = arith.addi %and3A_160, %add3A_161 : i32
        %broadcast_in_dim3A_163 = vector.broadcast %add3A_162 : i32 to vector<16xi32>
        %gather3A_164 = tpu.vector_load_idx %arg9[%iota3A, %broadcast_in_dim3A_156] : memref<16x3072xf32, #tpu.memory_space<vmem>>[vector<16xi32>, vector<16xi32>], vector<16xf32>,
        %gather3A_165 = tpu.vector_load_idx %arg10[%iota3A, %broadcast_in_dim3A_163] : memref<16x3072xf32, #tpu.memory_space<vmem>>[vector<16xi32>, vector<16xi32>], vector<16xf32>,
        %broadcast_in_dim3A_166 = arith.constant 1 : i32
        %broadcast_in_dim3A_167 = vector.broadcast %broadcast_in_dim3A_166 : i32 to vector<16xi32>
        %shift_left3A_168 = arith.constant 3 : i32
        %shift_left3A_169 = arith.shli %and3A_132, %shift_left3A_168 : i32
        %add3A_170 = vector.broadcast %shift_left3A_169 : i32 to vector<16xi32>
        %add3A_171 = arith.addi %broadcast_in_dim3A_167, %add3A_170 : vector<16xi32>
        tpu.vector_store_idx %arg11[%iota3A, %add3A_171], %gather3A_164 : memref<16x16xf32, #tpu.memory_space<vmem>>[vector<16xi32>, vector<16xi32>], vector<16xf32>,
        tpu.vector_store_idx %arg12[%iota3A, %add3A_171], %gather3A_165 : memref<16x16xf32, #tpu.memory_space<vmem>>[vector<16xi32>, vector<16xi32>], vector<16xf32>,
        %slice3A_172 = vector.extract_strided_slice %get3A_126 {offsets = [2], sizes = [1], strides = [1]} : vector<16xi32> to vector<1xi32>
        %squeeze3A_173 = vector.extract %slice3A_172[0] : i32 from vector<1xi32>
        %and3A_174 = arith.constant 127 : i32
        %and3A_175 = arith.andi %squeeze3A_173, %and3A_174 : i32
        %add3A_176 = arith.constant 256 : i32
        %add3A_177 = arith.addi %and3A_175, %add3A_176 : i32
        %broadcast_in_dim3A_178 = vector.broadcast %add3A_177 : i32 to vector<16xi32>
        %slice3A_179 = vector.extract_strided_slice %get3A_130 {offsets = [2], sizes = [1], strides = [1]} : vector<16xi32> to vector<1xi32>
        %squeeze3A_180 = vector.extract %slice3A_179[0] : i32 from vector<1xi32>
        %and3A_181 = arith.constant 127 : i32
        %and3A_182 = arith.andi %squeeze3A_180, %and3A_181 : i32
        %add3A_183 = arith.constant 256 : i32
        %add3A_184 = arith.addi %and3A_182, %add3A_183 : i32
        %broadcast_in_dim3A_185 = vector.broadcast %add3A_184 : i32 to vector<16xi32>
        %gather3A_186 = tpu.vector_load_idx %arg9[%iota3A, %broadcast_in_dim3A_178] : memref<16x3072xf32, #tpu.memory_space<vmem>>[vector<16xi32>, vector<16xi32>], vector<16xf32>,
        %gather3A_187 = tpu.vector_load_idx %arg10[%iota3A, %broadcast_in_dim3A_185] : memref<16x3072xf32, #tpu.memory_space<vmem>>[vector<16xi32>, vector<16xi32>], vector<16xf32>,
        %broadcast_in_dim3A_188 = arith.constant 2 : i32
        %broadcast_in_dim3A_189 = vector.broadcast %broadcast_in_dim3A_188 : i32 to vector<16xi32>
        %shift_left3A_190 = arith.constant 3 : i32
        %shift_left3A_191 = arith.shli %and3A_132, %shift_left3A_190 : i32
        %add3A_192 = vector.broadcast %shift_left3A_191 : i32 to vector<16xi32>
        %add3A_193 = arith.addi %broadcast_in_dim3A_189, %add3A_192 : vector<16xi32>
        tpu.vector_store_idx %arg11[%iota3A, %add3A_193], %gather3A_186 : memref<16x16xf32, #tpu.memory_space<vmem>>[vector<16xi32>, vector<16xi32>], vector<16xf32>,
        tpu.vector_store_idx %arg12[%iota3A, %add3A_193], %gather3A_187 : memref<16x16xf32, #tpu.memory_space<vmem>>[vector<16xi32>, vector<16xi32>], vector<16xf32>,
        %slice3A_194 = vector.extract_strided_slice %get3A_126 {offsets = [3], sizes = [1], strides = [1]} : vector<16xi32> to vector<1xi32>
        %squeeze3A_195 = vector.extract %slice3A_194[0] : i32 from vector<1xi32>
        %and3A_196 = arith.constant 127 : i32
        %and3A_197 = arith.andi %squeeze3A_195, %and3A_196 : i32
        %add3A_198 = arith.constant 384 : i32
        %add3A_199 = arith.addi %and3A_197, %add3A_198 : i32
        %broadcast_in_dim3A_200 = vector.broadcast %add3A_199 : i32 to vector<16xi32>
        %slice3A_201 = vector.extract_strided_slice %get3A_130 {offsets = [3], sizes = [1], strides = [1]} : vector<16xi32> to vector<1xi32>
        %squeeze3A_202 = vector.extract %slice3A_201[0] : i32 from vector<1xi32>
        %and3A_203 = arith.constant 127 : i32
        %and3A_204 = arith.andi %squeeze3A_202, %and3A_203 : i32
        %add3A_205 = arith.constant 384 : i32
        %add3A_206 = arith.addi %and3A_204, %add3A_205 : i32
        %broadcast_in_dim3A_207 = vector.broadcast %add3A_206 : i32 to vector<16xi32>
        %gather3A_208 = tpu.vector_load_idx %arg9[%iota3A, %broadcast_in_dim3A_200] : memref<16x3072xf32, #tpu.memory_space<vmem>>[vector<16xi32>, vector<16xi32>], vector<16xf32>,
        %gather3A_209 = tpu.vector_load_idx %arg10[%iota3A, %broadcast_in_dim3A_207] : memref<16x3072xf32, #tpu.memory_space<vmem>>[vector<16xi32>, vector<16xi32>], vector<16xf32>,
        %broadcast_in_dim3A_210 = arith.constant 3 : i32
        %broadcast_in_dim3A_211 = vector.broadcast %broadcast_in_dim3A_210 : i32 to vector<16xi32>
        %shift_left3A_212 = arith.constant 3 : i32
        %shift_left3A_213 = arith.shli %and3A_132, %shift_left3A_212 : i32
        %add3A_214 = vector.broadcast %shift_left3A_213 : i32 to vector<16xi32>
        %add3A_215 = arith.addi %broadcast_in_dim3A_211, %add3A_214 : vector<16xi32>
        tpu.vector_store_idx %arg11[%iota3A, %add3A_215], %gather3A_208 : memref<16x16xf32, #tpu.memory_space<vmem>>[vector<16xi32>, vector<16xi32>], vector<16xf32>,
        tpu.vector_store_idx %arg12[%iota3A, %add3A_215], %gather3A_209 : memref<16x16xf32, #tpu.memory_space<vmem>>[vector<16xi32>, vector<16xi32>], vector<16xf32>,
        %slice3A_216 = vector.extract_strided_slice %get3A_126 {offsets = [4], sizes = [1], strides = [1]} : vector<16xi32> to vector<1xi32>
        %squeeze3A_217 = vector.extract %slice3A_216[0] : i32 from vector<1xi32>
        %and3A_218 = arith.constant 127 : i32
        %and3A_219 = arith.andi %squeeze3A_217, %and3A_218 : i32
        %add3A_220 = arith.constant 512 : i32
        %add3A_221 = arith.addi %and3A_219, %add3A_220 : i32
        %broadcast_in_dim3A_222 = vector.broadcast %add3A_221 : i32 to vector<16xi32>
        %slice3A_223 = vector.extract_strided_slice %get3A_130 {offsets = [4], sizes = [1], strides = [1]} : vector<16xi32> to vector<1xi32>
        %squeeze3A_224 = vector.extract %slice3A_223[0] : i32 from vector<1xi32>
        %and3A_225 = arith.constant 127 : i32
        %and3A_226 = arith.andi %squeeze3A_224, %and3A_225 : i32
        %add3A_227 = arith.constant 512 : i32
        %add3A_228 = arith.addi %and3A_226, %add3A_227 : i32
        %broadcast_in_dim3A_229 = vector.broadcast %add3A_228 : i32 to vector<16xi32>
        %gather3A_230 = tpu.vector_load_idx %arg9[%iota3A, %broadcast_in_dim3A_222] : memref<16x3072xf32, #tpu.memory_space<vmem>>[vector<16xi32>, vector<16xi32>], vector<16xf32>,
        %gather3A_231 = tpu.vector_load_idx %arg10[%iota3A, %broadcast_in_dim3A_229] : memref<16x3072xf32, #tpu.memory_space<vmem>>[vector<16xi32>, vector<16xi32>], vector<16xf32>,
        %broadcast_in_dim3A_232 = arith.constant 4 : i32
        %broadcast_in_dim3A_233 = vector.broadcast %broadcast_in_dim3A_232 : i32 to vector<16xi32>
        %shift_left3A_234 = arith.constant 3 : i32
        %shift_left3A_235 = arith.shli %and3A_132, %shift_left3A_234 : i32
        %add3A_236 = vector.broadcast %shift_left3A_235 : i32 to vector<16xi32>
        %add3A_237 = arith.addi %broadcast_in_dim3A_233, %add3A_236 : vector<16xi32>
        tpu.vector_store_idx %arg11[%iota3A, %add3A_237], %gather3A_230 : memref<16x16xf32, #tpu.memory_space<vmem>>[vector<16xi32>, vector<16xi32>], vector<16xf32>,
        tpu.vector_store_idx %arg12[%iota3A, %add3A_237], %gather3A_231 : memref<16x16xf32, #tpu.memory_space<vmem>>[vector<16xi32>, vector<16xi32>], vector<16xf32>,
        %slice3A_238 = vector.extract_strided_slice %get3A_126 {offsets = [5], sizes = [1], strides = [1]} : vector<16xi32> to vector<1xi32>
        %squeeze3A_239 = vector.extract %slice3A_238[0] : i32 from vector<1xi32>
        %and3A_240 = arith.constant 127 : i32
        %and3A_241 = arith.andi %squeeze3A_239, %and3A_240 : i32
        %add3A_242 = arith.constant 640 : i32
        %add3A_243 = arith.addi %and3A_241, %add3A_242 : i32
        %broadcast_in_dim3A_244 = vector.broadcast %add3A_243 : i32 to vector<16xi32>
        %slice3A_245 = vector.extract_strided_slice %get3A_130 {offsets = [5], sizes = [1], strides = [1]} : vector<16xi32> to vector<1xi32>
        %squeeze3A_246 = vector.extract %slice3A_245[0] : i32 from vector<1xi32>
        %and3A_247 = arith.constant 127 : i32
        %and3A_248 = arith.andi %squeeze3A_246, %and3A_247 : i32
        %add3A_249 = arith.constant 640 : i32
        %add3A_250 = arith.addi %and3A_248, %add3A_249 : i32
        %broadcast_in_dim3A_251 = vector.broadcast %add3A_250 : i32 to vector<16xi32>
        %gather3A_252 = tpu.vector_load_idx %arg9[%iota3A, %broadcast_in_dim3A_244] : memref<16x3072xf32, #tpu.memory_space<vmem>>[vector<16xi32>, vector<16xi32>], vector<16xf32>,
        %gather3A_253 = tpu.vector_load_idx %arg10[%iota3A, %broadcast_in_dim3A_251] : memref<16x3072xf32, #tpu.memory_space<vmem>>[vector<16xi32>, vector<16xi32>], vector<16xf32>,
        %broadcast_in_dim3A_254 = arith.constant 5 : i32
        %broadcast_in_dim3A_255 = vector.broadcast %broadcast_in_dim3A_254 : i32 to vector<16xi32>
        %shift_left3A_256 = arith.constant 3 : i32
        %shift_left3A_257 = arith.shli %and3A_132, %shift_left3A_256 : i32
        %add3A_258 = vector.broadcast %shift_left3A_257 : i32 to vector<16xi32>
        %add3A_259 = arith.addi %broadcast_in_dim3A_255, %add3A_258 : vector<16xi32>
        tpu.vector_store_idx %arg11[%iota3A, %add3A_259], %gather3A_252 : memref<16x16xf32, #tpu.memory_space<vmem>>[vector<16xi32>, vector<16xi32>], vector<16xf32>,
        tpu.vector_store_idx %arg12[%iota3A, %add3A_259], %gather3A_253 : memref<16x16xf32, #tpu.memory_space<vmem>>[vector<16xi32>, vector<16xi32>], vector<16xf32>,
        %slice3A_260 = vector.extract_strided_slice %get3A_126 {offsets = [6], sizes = [1], strides = [1]} : vector<16xi32> to vector<1xi32>
        %squeeze3A_261 = vector.extract %slice3A_260[0] : i32 from vector<1xi32>
        %and3A_262 = arith.constant 127 : i32
        %and3A_263 = arith.andi %squeeze3A_261, %and3A_262 : i32
        %add3A_264 = arith.constant 768 : i32
        %add3A_265 = arith.addi %and3A_263, %add3A_264 : i32
        %broadcast_in_dim3A_266 = vector.broadcast %add3A_265 : i32 to vector<16xi32>
        %slice3A_267 = vector.extract_strided_slice %get3A_130 {offsets = [6], sizes = [1], strides = [1]} : vector<16xi32> to vector<1xi32>
        %squeeze3A_268 = vector.extract %slice3A_267[0] : i32 from vector<1xi32>
        %and3A_269 = arith.constant 127 : i32
        %and3A_270 = arith.andi %squeeze3A_268, %and3A_269 : i32
        %add3A_271 = arith.constant 768 : i32
        %add3A_272 = arith.addi %and3A_270, %add3A_271 : i32
        %broadcast_in_dim3A_273 = vector.broadcast %add3A_272 : i32 to vector<16xi32>
        %gather3A_274 = tpu.vector_load_idx %arg9[%iota3A, %broadcast_in_dim3A_266] : memref<16x3072xf32, #tpu.memory_space<vmem>>[vector<16xi32>, vector<16xi32>], vector<16xf32>,
        %gather3A_275 = tpu.vector_load_idx %arg10[%iota3A, %broadcast_in_dim3A_273] : memref<16x3072xf32, #tpu.memory_space<vmem>>[vector<16xi32>, vector<16xi32>], vector<16xf32>,
        %broadcast_in_dim3A_276 = arith.constant 6 : i32
        %broadcast_in_dim3A_277 = vector.broadcast %broadcast_in_dim3A_276 : i32 to vector<16xi32>
        %shift_left3A_278 = arith.constant 3 : i32
        %shift_left3A_279 = arith.shli %and3A_132, %shift_left3A_278 : i32
        %add3A_280 = vector.broadcast %shift_left3A_279 : i32 to vector<16xi32>
        %add3A_281 = arith.addi %broadcast_in_dim3A_277, %add3A_280 : vector<16xi32>
        tpu.vector_store_idx %arg11[%iota3A, %add3A_281], %gather3A_274 : memref<16x16xf32, #tpu.memory_space<vmem>>[vector<16xi32>, vector<16xi32>], vector<16xf32>,
        tpu.vector_store_idx %arg12[%iota3A, %add3A_281], %gather3A_275 : memref<16x16xf32, #tpu.memory_space<vmem>>[vector<16xi32>, vector<16xi32>], vector<16xf32>,
        %slice3A_282 = vector.extract_strided_slice %get3A_126 {offsets = [7], sizes = [1], strides = [1]} : vector<16xi32> to vector<1xi32>
        %squeeze3A_283 = vector.extract %slice3A_282[0] : i32 from vector<1xi32>
        %and3A_284 = arith.constant 127 : i32
        %and3A_285 = arith.andi %squeeze3A_283, %and3A_284 : i32
        %add3A_286 = arith.constant 896 : i32
        %add3A_287 = arith.addi %and3A_285, %add3A_286 : i32
        %broadcast_in_dim3A_288 = vector.broadcast %add3A_287 : i32 to vector<16xi32>
        %slice3A_289 = vector.extract_strided_slice %get3A_130 {offsets = [7], sizes = [1], strides = [1]} : vector<16xi32> to vector<1xi32>
        %squeeze3A_290 = vector.extract %slice3A_289[0] : i32 from vector<1xi32>
        %and3A_291 = arith.constant 127 : i32
        %and3A_292 = arith.andi %squeeze3A_290, %and3A_291 : i32
        %add3A_293 = arith.constant 896 : i32
        %add3A_294 = arith.addi %and3A_292, %add3A_293 : i32
        %broadcast_in_dim3A_295 = vector.broadcast %add3A_294 : i32 to vector<16xi32>
        %gather3A_296 = tpu.vector_load_idx %arg9[%iota3A, %broadcast_in_dim3A_288] : memref<16x3072xf32, #tpu.memory_space<vmem>>[vector<16xi32>, vector<16xi32>], vector<16xf32>,
        %gather3A_297 = tpu.vector_load_idx %arg10[%iota3A, %broadcast_in_dim3A_295] : memref<16x3072xf32, #tpu.memory_space<vmem>>[vector<16xi32>, vector<16xi32>], vector<16xf32>,
        %broadcast_in_dim3A_298 = arith.constant 7 : i32
        %broadcast_in_dim3A_299 = vector.broadcast %broadcast_in_dim3A_298 : i32 to vector<16xi32>
        %shift_left3A_300 = arith.constant 3 : i32
        %shift_left3A_301 = arith.shli %and3A_132, %shift_left3A_300 : i32
        %add3A_302 = vector.broadcast %shift_left3A_301 : i32 to vector<16xi32>
        %add3A_303 = arith.addi %broadcast_in_dim3A_299, %add3A_302 : vector<16xi32>
        tpu.vector_store_idx %arg11[%iota3A, %add3A_303], %gather3A_296 : memref<16x16xf32, #tpu.memory_space<vmem>>[vector<16xi32>, vector<16xi32>], vector<16xf32>,
        tpu.vector_store_idx %arg12[%iota3A, %add3A_303], %gather3A_297 : memref<16x16xf32, #tpu.memory_space<vmem>>[vector<16xi32>, vector<16xi32>], vector<16xf32>,
        %eq3A_304 = arith.constant 1 : i32
        %eq3A_305 = arith.cmpi eq, %and3A_132, %eq3A_304 : i32
        %convert_element_type3A_306 = arith.extui %eq3A_305 : i1 to i32
        %cond3A_307 = arith.constant 0 : i32
        %cond3A_308 = arith.cmpi ne, %convert_element_type3A_306, %cond3A_307 : i32
        scf.if %cond3A_308 {
          %broadcast_in_dim3A_309 = arith.constant 0.000000e+00 : f32
          %broadcast_in_dim3A_310 = vector.broadcast %broadcast_in_dim3A_309 : f32 to vector<16xf32>
          %get3A_311 = arith.constant 0 : i32
          %get3A_312 = arith.index_cast %get3A_311 : i32 to index
          %get3A_313 = arith.constant 0 : index
          %get3A_314 = tpu.vector_load %arg11[%get3A_312, %get3A_313] {strides = array<i32>} : memref<16x16xf32, #tpu.memory_space<vmem>>, vector<16xf32>,
          %get3A_315 = arith.constant 0 : i32
          %get3A_316 = arith.index_cast %get3A_315 : i32 to index
          %get3A_317 = arith.constant 0 : index
          %get3A_318 = tpu.vector_load %arg12[%get3A_316, %get3A_317] {strides = array<i32>} : memref<16x16xf32, #tpu.memory_space<vmem>>, vector<16xf32>,
          %mul3A_319 = arith.mulf %get3A_314, %get3A_318 : vector<16xf32>
          %add3A_320 = arith.addf %broadcast_in_dim3A_310, %mul3A_319 : vector<16xf32>
          %get3A_321 = arith.constant 1 : i32
          %get3A_322 = arith.index_cast %get3A_321 : i32 to index
          %get3A_323 = arith.constant 0 : index
          %get3A_324 = tpu.vector_load %arg11[%get3A_322, %get3A_323] {strides = array<i32>} : memref<16x16xf32, #tpu.memory_space<vmem>>, vector<16xf32>,
          %get3A_325 = arith.constant 1 : i32
          %get3A_326 = arith.index_cast %get3A_325 : i32 to index
          %get3A_327 = arith.constant 0 : index
          %get3A_328 = tpu.vector_load %arg12[%get3A_326, %get3A_327] {strides = array<i32>} : memref<16x16xf32, #tpu.memory_space<vmem>>, vector<16xf32>,
          %mul3A_329 = arith.mulf %get3A_324, %get3A_328 : vector<16xf32>
          %add3A_330 = arith.addf %add3A_320, %mul3A_329 : vector<16xf32>
          %get3A_331 = arith.constant 2 : i32
          %get3A_332 = arith.index_cast %get3A_331 : i32 to index
          %get3A_333 = arith.constant 0 : index
          %get3A_334 = tpu.vector_load %arg11[%get3A_332, %get3A_333] {strides = array<i32>} : memref<16x16xf32, #tpu.memory_space<vmem>>, vector<16xf32>,
          %get3A_335 = arith.constant 2 : i32
          %get3A_336 = arith.index_cast %get3A_335 : i32 to index
          %get3A_337 = arith.constant 0 : index
          %get3A_338 = tpu.vector_load %arg12[%get3A_336, %get3A_337] {strides = array<i32>} : memref<16x16xf32, #tpu.memory_space<vmem>>, vector<16xf32>,
          %mul3A_339 = arith.mulf %get3A_334, %get3A_338 : vector<16xf32>
          %add3A_340 = arith.addf %add3A_330, %mul3A_339 : vector<16xf32>
          %get3A_341 = arith.constant 3 : i32
          %get3A_342 = arith.index_cast %get3A_341 : i32 to index
          %get3A_343 = arith.constant 0 : index
          %get3A_344 = tpu.vector_load %arg11[%get3A_342, %get3A_343] {strides = array<i32>} : memref<16x16xf32, #tpu.memory_space<vmem>>, vector<16xf32>,
          %get3A_345 = arith.constant 3 : i32
          %get3A_346 = arith.index_cast %get3A_345 : i32 to index
          %get3A_347 = arith.constant 0 : index
          %get3A_348 = tpu.vector_load %arg12[%get3A_346, %get3A_347] {strides = array<i32>} : memref<16x16xf32, #tpu.memory_space<vmem>>, vector<16xf32>,
          %mul3A_349 = arith.mulf %get3A_344, %get3A_348 : vector<16xf32>
          %add3A_350 = arith.addf %add3A_340, %mul3A_349 : vector<16xf32>
          %get3A_351 = arith.constant 4 : i32
          %get3A_352 = arith.index_cast %get3A_351 : i32 to index
          %get3A_353 = arith.constant 0 : index
          %get3A_354 = tpu.vector_load %arg11[%get3A_352, %get3A_353] {strides = array<i32>} : memref<16x16xf32, #tpu.memory_space<vmem>>, vector<16xf32>,
          %get3A_355 = arith.constant 4 : i32
          %get3A_356 = arith.index_cast %get3A_355 : i32 to index
          %get3A_357 = arith.constant 0 : index
          %get3A_358 = tpu.vector_load %arg12[%get3A_356, %get3A_357] {strides = array<i32>} : memref<16x16xf32, #tpu.memory_space<vmem>>, vector<16xf32>,
          %mul3A_359 = arith.mulf %get3A_354, %get3A_358 : vector<16xf32>
          %add3A_360 = arith.addf %add3A_350, %mul3A_359 : vector<16xf32>
          %get3A_361 = arith.constant 5 : i32
          %get3A_362 = arith.index_cast %get3A_361 : i32 to index
          %get3A_363 = arith.constant 0 : index
          %get3A_364 = tpu.vector_load %arg11[%get3A_362, %get3A_363] {strides = array<i32>} : memref<16x16xf32, #tpu.memory_space<vmem>>, vector<16xf32>,
          %get3A_365 = arith.constant 5 : i32
          %get3A_366 = arith.index_cast %get3A_365 : i32 to index
          %get3A_367 = arith.constant 0 : index
          %get3A_368 = tpu.vector_load %arg12[%get3A_366, %get3A_367] {strides = array<i32>} : memref<16x16xf32, #tpu.memory_space<vmem>>, vector<16xf32>,
          %mul3A_369 = arith.mulf %get3A_364, %get3A_368 : vector<16xf32>
          %add3A_370 = arith.addf %add3A_360, %mul3A_369 : vector<16xf32>
          %get3A_371 = arith.constant 6 : i32
          %get3A_372 = arith.index_cast %get3A_371 : i32 to index
          %get3A_373 = arith.constant 0 : index
          %get3A_374 = tpu.vector_load %arg11[%get3A_372, %get3A_373] {strides = array<i32>} : memref<16x16xf32, #tpu.memory_space<vmem>>, vector<16xf32>,
          %get3A_375 = arith.constant 6 : i32
          %get3A_376 = arith.index_cast %get3A_375 : i32 to index
          %get3A_377 = arith.constant 0 : index
          %get3A_378 = tpu.vector_load %arg12[%get3A_376, %get3A_377] {strides = array<i32>} : memref<16x16xf32, #tpu.memory_space<vmem>>, vector<16xf32>,
          %mul3A_379 = arith.mulf %get3A_374, %get3A_378 : vector<16xf32>
          %add3A_380 = arith.addf %add3A_370, %mul3A_379 : vector<16xf32>
          %get3A_381 = arith.constant 7 : i32
          %get3A_382 = arith.index_cast %get3A_381 : i32 to index
          %get3A_383 = arith.constant 0 : index
          %get3A_384 = tpu.vector_load %arg11[%get3A_382, %get3A_383] {strides = array<i32>} : memref<16x16xf32, #tpu.memory_space<vmem>>, vector<16xf32>,
          %get3A_385 = arith.constant 7 : i32
          %get3A_386 = arith.index_cast %get3A_385 : i32 to index
          %get3A_387 = arith.constant 0 : index
          %get3A_388 = tpu.vector_load %arg12[%get3A_386, %get3A_387] {strides = array<i32>} : memref<16x16xf32, #tpu.memory_space<vmem>>, vector<16xf32>,
          %mul3A_389 = arith.mulf %get3A_384, %get3A_388 : vector<16xf32>
          %add3A_390 = arith.addf %add3A_380, %mul3A_389 : vector<16xf32>
          %get3A_391 = arith.constant 8 : i32
          %get3A_392 = arith.index_cast %get3A_391 : i32 to index
          %get3A_393 = arith.constant 0 : index
          %get3A_394 = tpu.vector_load %arg11[%get3A_392, %get3A_393] {strides = array<i32>} : memref<16x16xf32, #tpu.memory_space<vmem>>, vector<16xf32>,
          %get3A_395 = arith.constant 8 : i32
          %get3A_396 = arith.index_cast %get3A_395 : i32 to index
          %get3A_397 = arith.constant 0 : index
          %get3A_398 = tpu.vector_load %arg12[%get3A_396, %get3A_397] {strides = array<i32>} : memref<16x16xf32, #tpu.memory_space<vmem>>, vector<16xf32>,
          %mul3A_399 = arith.mulf %get3A_394, %get3A_398 : vector<16xf32>
          %add3A_400 = arith.addf %add3A_390, %mul3A_399 : vector<16xf32>
          %get3A_401 = arith.constant 9 : i32
          %get3A_402 = arith.index_cast %get3A_401 : i32 to index
          %get3A_403 = arith.constant 0 : index
          %get3A_404 = tpu.vector_load %arg11[%get3A_402, %get3A_403] {strides = array<i32>} : memref<16x16xf32, #tpu.memory_space<vmem>>, vector<16xf32>,
          %get3A_405 = arith.constant 9 : i32
          %get3A_406 = arith.index_cast %get3A_405 : i32 to index
          %get3A_407 = arith.constant 0 : index
          %get3A_408 = tpu.vector_load %arg12[%get3A_406, %get3A_407] {strides = array<i32>} : memref<16x16xf32, #tpu.memory_space<vmem>>, vector<16xf32>,
          %mul3A_409 = arith.mulf %get3A_404, %get3A_408 : vector<16xf32>
          %add3A_410 = arith.addf %add3A_400, %mul3A_409 : vector<16xf32>
          %get3A_411 = arith.constant 10 : i32
          %get3A_412 = arith.index_cast %get3A_411 : i32 to index
          %get3A_413 = arith.constant 0 : index
          %get3A_414 = tpu.vector_load %arg11[%get3A_412, %get3A_413] {strides = array<i32>} : memref<16x16xf32, #tpu.memory_space<vmem>>, vector<16xf32>,
          %get3A_415 = arith.constant 10 : i32
          %get3A_416 = arith.index_cast %get3A_415 : i32 to index
          %get3A_417 = arith.constant 0 : index
          %get3A_418 = tpu.vector_load %arg12[%get3A_416, %get3A_417] {strides = array<i32>} : memref<16x16xf32, #tpu.memory_space<vmem>>, vector<16xf32>,
          %mul3A_419 = arith.mulf %get3A_414, %get3A_418 : vector<16xf32>
          %add3A_420 = arith.addf %add3A_410, %mul3A_419 : vector<16xf32>
          %get3A_421 = arith.constant 11 : i32
          %get3A_422 = arith.index_cast %get3A_421 : i32 to index
          %get3A_423 = arith.constant 0 : index
          %get3A_424 = tpu.vector_load %arg11[%get3A_422, %get3A_423] {strides = array<i32>} : memref<16x16xf32, #tpu.memory_space<vmem>>, vector<16xf32>,
          %get3A_425 = arith.constant 11 : i32
          %get3A_426 = arith.index_cast %get3A_425 : i32 to index
          %get3A_427 = arith.constant 0 : index
          %get3A_428 = tpu.vector_load %arg12[%get3A_426, %get3A_427] {strides = array<i32>} : memref<16x16xf32, #tpu.memory_space<vmem>>, vector<16xf32>,
          %mul3A_429 = arith.mulf %get3A_424, %get3A_428 : vector<16xf32>
          %add3A_430 = arith.addf %add3A_420, %mul3A_429 : vector<16xf32>
          %get3A_431 = arith.constant 12 : i32
          %get3A_432 = arith.index_cast %get3A_431 : i32 to index
          %get3A_433 = arith.constant 0 : index
          %get3A_434 = tpu.vector_load %arg11[%get3A_432, %get3A_433] {strides = array<i32>} : memref<16x16xf32, #tpu.memory_space<vmem>>, vector<16xf32>,
          %get3A_435 = arith.constant 12 : i32
          %get3A_436 = arith.index_cast %get3A_435 : i32 to index
          %get3A_437 = arith.constant 0 : index
          %get3A_438 = tpu.vector_load %arg12[%get3A_436, %get3A_437] {strides = array<i32>} : memref<16x16xf32, #tpu.memory_space<vmem>>, vector<16xf32>,
          %mul3A_439 = arith.mulf %get3A_434, %get3A_438 : vector<16xf32>
          %add3A_440 = arith.addf %add3A_430, %mul3A_439 : vector<16xf32>
          %get3A_441 = arith.constant 13 : i32
          %get3A_442 = arith.index_cast %get3A_441 : i32 to index
          %get3A_443 = arith.constant 0 : index
          %get3A_444 = tpu.vector_load %arg11[%get3A_442, %get3A_443] {strides = array<i32>} : memref<16x16xf32, #tpu.memory_space<vmem>>, vector<16xf32>,
          %get3A_445 = arith.constant 13 : i32
          %get3A_446 = arith.index_cast %get3A_445 : i32 to index
          %get3A_447 = arith.constant 0 : index
          %get3A_448 = tpu.vector_load %arg12[%get3A_446, %get3A_447] {strides = array<i32>} : memref<16x16xf32, #tpu.memory_space<vmem>>, vector<16xf32>,
          %mul3A_449 = arith.mulf %get3A_444, %get3A_448 : vector<16xf32>
          %add3A_450 = arith.addf %add3A_440, %mul3A_449 : vector<16xf32>
          %get3A_451 = arith.constant 14 : i32
          %get3A_452 = arith.index_cast %get3A_451 : i32 to index
          %get3A_453 = arith.constant 0 : index
          %get3A_454 = tpu.vector_load %arg11[%get3A_452, %get3A_453] {strides = array<i32>} : memref<16x16xf32, #tpu.memory_space<vmem>>, vector<16xf32>,
          %get3A_455 = arith.constant 14 : i32
          %get3A_456 = arith.index_cast %get3A_455 : i32 to index
          %get3A_457 = arith.constant 0 : index
          %get3A_458 = tpu.vector_load %arg12[%get3A_456, %get3A_457] {strides = array<i32>} : memref<16x16xf32, #tpu.memory_space<vmem>>, vector<16xf32>,
          %mul3A_459 = arith.mulf %get3A_454, %get3A_458 : vector<16xf32>
          %add3A_460 = arith.addf %add3A_450, %mul3A_459 : vector<16xf32>
          %get3A_461 = arith.constant 15 : i32
          %get3A_462 = arith.index_cast %get3A_461 : i32 to index
          %get3A_463 = arith.constant 0 : index
          %get3A_464 = tpu.vector_load %arg11[%get3A_462, %get3A_463] {strides = array<i32>} : memref<16x16xf32, #tpu.memory_space<vmem>>, vector<16xf32>,
          %get3A_465 = arith.constant 15 : i32
          %get3A_466 = arith.index_cast %get3A_465 : i32 to index
          %get3A_467 = arith.constant 0 : index
          %get3A_468 = tpu.vector_load %arg12[%get3A_466, %get3A_467] {strides = array<i32>} : memref<16x16xf32, #tpu.memory_space<vmem>>, vector<16xf32>,
          %mul3A_469 = arith.mulf %get3A_464, %get3A_468 : vector<16xf32>
          %add3A_470 = arith.addf %add3A_460, %mul3A_469 : vector<16xf32>
          %shift_right_arithmetic3A = arith.constant 1 : i32
          %shift_right_arithmetic3A_471 = arith.shrsi %sub3A_100, %shift_right_arithmetic3A : i32
          %mul3A_472 = arith.constant 16 : i32
          %mul3A_473 = arith.muli %shift_right_arithmetic3A_471, %mul3A_472 : i32
          %swap3A = arith.index_cast %mul3A_473 : i32 to index
          %swap3A_474 = tpu.vector_load %arg13[%swap3A] {strides = array<i32>} : memref<512xf32, #tpu.memory_space<vmem>>, vector<16xf32>,
          tpu.vector_store %arg13[%swap3A], %add3A_470 {strides = array<i32>} : memref<512xf32, #tpu.memory_space<vmem>>, vector<16xf32>,
        } else {
        }
      } else {
      }
      %eq3A_67 = arith.constant 1 : i32
      %eq3A_68 = arith.cmpi eq, %sub3A_26, %eq3A_67 : i32
      %lt3A_69 = arith.constant 64 : i32
      %lt3A_70 = arith.cmpi slt, %scan3A_7, %lt3A_69 : i32
      %and3A_71 = arith.andi %eq3A_68, %lt3A_70 : i1
      %convert_element_type3A_72 = arith.extui %and3A_71 : i1 to i32
      %cond3A_73 = arith.constant 0 : i32
      %cond3A_74 = arith.cmpi ne, %convert_element_type3A_72, %cond3A_73 : i32
      scf.if %cond3A_74 {
        %mul3A_99 = arith.constant 8 : i32
        %mul3A_100 = arith.muli %scan3A_7, %mul3A_99 : i32
        %get3A = arith.index_cast %mul3A_100 : i32 to index
        %get3A_101 = tpu.vector_load %arg7[%get3A] {strides = array<i32>} : memref<528xi32, #tpu.memory_space<vmem>>, vector<16xi32>,
        %mul3A_102 = arith.constant 8 : i32
        %mul3A_103 = arith.muli %scan3A_7, %mul3A_102 : i32
        %get3A_104 = arith.index_cast %mul3A_103 : i32 to index
        %get3A_105 = tpu.vector_load %arg8[%get3A_104] {strides = array<i32>} : memref<528xi32, #tpu.memory_space<vmem>>, vector<16xi32>,
        %slice3A = vector.extract_strided_slice %get3A_101 {offsets = [0], sizes = [1], strides = [1]} : vector<16xi32> to vector<1xi32>
        %squeeze3A = vector.extract %slice3A[0] : i32 from vector<1xi32>
        %shift_right_arithmetic3A = arith.constant 7 : i32
        %shift_right_arithmetic3A_106 = arith.shrsi %squeeze3A, %shift_right_arithmetic3A : i32
        %mul3A_107 = arith.constant 128 : i32
        %mul3A_108 = arith.muli %shift_right_arithmetic3A_106, %mul3A_107 : i32
        %multiple_of3A = tpu.assume_multiple %mul3A_108, 128 : i32
        %slice3A_109 = vector.extract_strided_slice %get3A_105 {offsets = [0], sizes = [1], strides = [1]} : vector<16xi32> to vector<1xi32>
        %squeeze3A_110 = vector.extract %slice3A_109[0] : i32 from vector<1xi32>
        %shift_right_arithmetic3A_111 = arith.constant 7 : i32
        %shift_right_arithmetic3A_112 = arith.shrsi %squeeze3A_110, %shift_right_arithmetic3A_111 : i32
        %mul3A_113 = arith.constant 128 : i32
        %mul3A_114 = arith.muli %shift_right_arithmetic3A_112, %mul3A_113 : i32
        %multiple_of3A_115 = tpu.assume_multiple %mul3A_114, 128 : i32
        %dma_start3A = arith.constant 0 : i32
        %dma_start3A_116 = arith.constant 1024 : i32
        %dma_start3A_117 = tpu.memref_slice %arg9[%dma_start3A, %dma_start3A_116] : memref<16x3072xf32, #tpu.memory_space<vmem>> -> memref<16x128xf32, #tpu.memory_space<vmem>>
        %dma_start3A_118 = arith.constant 0 : i32
        %dma_start3A_119 = tpu.memref_slice %arg4[%dma_start3A_118, %multiple_of3A] : memref<16x1000000xf32, #tpu.memory_space<hbm>> -> memref<16x128xf32, #tpu.memory_space<hbm>>
        %dma_start3A_120 = arith.constant 0 : i32
        %dma_start3A_121 = arith.constant 1024 : i32
        %dma_start3A_122 = tpu.memref_slice %arg9[%dma_start3A_120, %dma_start3A_121] : memref<16x3072xf32, #tpu.memory_space<vmem>> -> memref<16x128xf32, #tpu.memory_space<vmem>>
        %dma_start3A_123 = arith.constant 0 : i32
        %dma_start3A_124 = tpu.memref_slice %arg4[%dma_start3A_123, %multiple_of3A] : memref<16x1000000xf32, #tpu.memory_space<hbm>> -> memref<16x128xf32, #tpu.memory_space<hbm>>
        tpu.enqueue_dma source(%dma_start3A_124 : memref<16x128xf32, #tpu.memory_space<hbm>>) target(%dma_start3A_122 : memref<16x128xf32, #tpu.memory_space<vmem>>) target_semaphore(%arg15 : memref<!tpu.dma_semaphore, #tpu.memory_space<semaphore_mem>>)
        %dma_start3A_125 = arith.constant 0 : i32
        %dma_start3A_126 = arith.constant 1024 : i32
        %dma_start3A_127 = tpu.memref_slice %arg10[%dma_start3A_125, %dma_start3A_126] : memref<16x3072xf32, #tpu.memory_space<vmem>> -> memref<16x128xf32, #tpu.memory_space<vmem>>
        %dma_start3A_128 = arith.constant 0 : i32
        %dma_start3A_129 = tpu.memref_slice %arg5[%dma_start3A_128, %multiple_of3A_115] : memref<16x1000000xf32, #tpu.memory_space<hbm>> -> memref<16x128xf32, #tpu.memory_space<hbm>>
        %dma_start3A_130 = arith.constant 0 : i32
        %dma_start3A_131 = arith.constant 1024 : i32
        %dma_start3A_132 = tpu.memref_slice %arg10[%dma_start3A_130, %dma_start3A_131] : memref<16x3072xf32, #tpu.memory_space<vmem>> -> memref<16x128xf32, #tpu.memory_space<vmem>>
        %dma_start3A_133 = arith.constant 0 : i32
        %dma_start3A_134 = tpu.memref_slice %arg5[%dma_start3A_133, %multiple_of3A_115] : memref<16x1000000xf32, #tpu.memory_space<hbm>> -> memref<16x128xf32, #tpu.memory_space<hbm>>
        tpu.enqueue_dma source(%dma_start3A_134 : memref<16x128xf32, #tpu.memory_space<hbm>>) target(%dma_start3A_132 : memref<16x128xf32, #tpu.memory_space<vmem>>) target_semaphore(%arg18 : memref<!tpu.dma_semaphore, #tpu.memory_space<semaphore_mem>>)
        %slice3A_135 = vector.extract_strided_slice %get3A_101 {offsets = [1], sizes = [1], strides = [1]} : vector<16xi32> to vector<1xi32>
        %squeeze3A_136 = vector.extract %slice3A_135[0] : i32 from vector<1xi32>
        %shift_right_arithmetic3A_137 = arith.constant 7 : i32
        %shift_right_arithmetic3A_138 = arith.shrsi %squeeze3A_136, %shift_right_arithmetic3A_137 : i32
        %mul3A_139 = arith.constant 128 : i32
        %mul3A_140 = arith.muli %shift_right_arithmetic3A_138, %mul3A_139 : i32
        %multiple_of3A_141 = tpu.assume_multiple %mul3A_140, 128 : i32
        %slice3A_142 = vector.extract_strided_slice %get3A_105 {offsets = [1], sizes = [1], strides = [1]} : vector<16xi32> to vector<1xi32>
        %squeeze3A_143 = vector.extract %slice3A_142[0] : i32 from vector<1xi32>
        %shift_right_arithmetic3A_144 = arith.constant 7 : i32
        %shift_right_arithmetic3A_145 = arith.shrsi %squeeze3A_143, %shift_right_arithmetic3A_144 : i32
        %mul3A_146 = arith.constant 128 : i32
        %mul3A_147 = arith.muli %shift_right_arithmetic3A_145, %mul3A_146 : i32
        %multiple_of3A_148 = tpu.assume_multiple %mul3A_147, 128 : i32
        %dma_start3A_149 = arith.constant 0 : i32
        %dma_start3A_150 = arith.constant 1152 : i32
        %dma_start3A_151 = tpu.memref_slice %arg9[%dma_start3A_149, %dma_start3A_150] : memref<16x3072xf32, #tpu.memory_space<vmem>> -> memref<16x128xf32, #tpu.memory_space<vmem>>
        %dma_start3A_152 = arith.constant 0 : i32
        %dma_start3A_153 = tpu.memref_slice %arg4[%dma_start3A_152, %multiple_of3A_141] : memref<16x1000000xf32, #tpu.memory_space<hbm>> -> memref<16x128xf32, #tpu.memory_space<hbm>>
        %dma_start3A_154 = arith.constant 0 : i32
        %dma_start3A_155 = arith.constant 1152 : i32
        %dma_start3A_156 = tpu.memref_slice %arg9[%dma_start3A_154, %dma_start3A_155] : memref<16x3072xf32, #tpu.memory_space<vmem>> -> memref<16x128xf32, #tpu.memory_space<vmem>>
        %dma_start3A_157 = arith.constant 0 : i32
        %dma_start3A_158 = tpu.memref_slice %arg4[%dma_start3A_157, %multiple_of3A_141] : memref<16x1000000xf32, #tpu.memory_space<hbm>> -> memref<16x128xf32, #tpu.memory_space<hbm>>
        tpu.enqueue_dma source(%dma_start3A_158 : memref<16x128xf32, #tpu.memory_space<hbm>>) target(%dma_start3A_156 : memref<16x128xf32, #tpu.memory_space<vmem>>) target_semaphore(%arg15 : memref<!tpu.dma_semaphore, #tpu.memory_space<semaphore_mem>>)
        %dma_start3A_159 = arith.constant 0 : i32
        %dma_start3A_160 = arith.constant 1152 : i32
        %dma_start3A_161 = tpu.memref_slice %arg10[%dma_start3A_159, %dma_start3A_160] : memref<16x3072xf32, #tpu.memory_space<vmem>> -> memref<16x128xf32, #tpu.memory_space<vmem>>
        %dma_start3A_162 = arith.constant 0 : i32
        %dma_start3A_163 = tpu.memref_slice %arg5[%dma_start3A_162, %multiple_of3A_148] : memref<16x1000000xf32, #tpu.memory_space<hbm>> -> memref<16x128xf32, #tpu.memory_space<hbm>>
        %dma_start3A_164 = arith.constant 0 : i32
        %dma_start3A_165 = arith.constant 1152 : i32
        %dma_start3A_166 = tpu.memref_slice %arg10[%dma_start3A_164, %dma_start3A_165] : memref<16x3072xf32, #tpu.memory_space<vmem>> -> memref<16x128xf32, #tpu.memory_space<vmem>>
        %dma_start3A_167 = arith.constant 0 : i32
        %dma_start3A_168 = tpu.memref_slice %arg5[%dma_start3A_167, %multiple_of3A_148] : memref<16x1000000xf32, #tpu.memory_space<hbm>> -> memref<16x128xf32, #tpu.memory_space<hbm>>
        tpu.enqueue_dma source(%dma_start3A_168 : memref<16x128xf32, #tpu.memory_space<hbm>>) target(%dma_start3A_166 : memref<16x128xf32, #tpu.memory_space<vmem>>) target_semaphore(%arg18 : memref<!tpu.dma_semaphore, #tpu.memory_space<semaphore_mem>>)
        %slice3A_169 = vector.extract_strided_slice %get3A_101 {offsets = [2], sizes = [1], strides = [1]} : vector<16xi32> to vector<1xi32>
        %squeeze3A_170 = vector.extract %slice3A_169[0] : i32 from vector<1xi32>
        %shift_right_arithmetic3A_171 = arith.constant 7 : i32
        %shift_right_arithmetic3A_172 = arith.shrsi %squeeze3A_170, %shift_right_arithmetic3A_171 : i32
        %mul3A_173 = arith.constant 128 : i32
        %mul3A_174 = arith.muli %shift_right_arithmetic3A_172, %mul3A_173 : i32
        %multiple_of3A_175 = tpu.assume_multiple %mul3A_174, 128 : i32
        %slice3A_176 = vector.extract_strided_slice %get3A_105 {offsets = [2], sizes = [1], strides = [1]} : vector<16xi32> to vector<1xi32>
        %squeeze3A_177 = vector.extract %slice3A_176[0] : i32 from vector<1xi32>
        %shift_right_arithmetic3A_178 = arith.constant 7 : i32
        %shift_right_arithmetic3A_179 = arith.shrsi %squeeze3A_177, %shift_right_arithmetic3A_178 : i32
        %mul3A_180 = arith.constant 128 : i32
        %mul3A_181 = arith.muli %shift_right_arithmetic3A_179, %mul3A_180 : i32
        %multiple_of3A_182 = tpu.assume_multiple %mul3A_181, 128 : i32
        %dma_start3A_183 = arith.constant 0 : i32
        %dma_start3A_184 = arith.constant 1280 : i32
        %dma_start3A_185 = tpu.memref_slice %arg9[%dma_start3A_183, %dma_start3A_184] : memref<16x3072xf32, #tpu.memory_space<vmem>> -> memref<16x128xf32, #tpu.memory_space<vmem>>
        %dma_start3A_186 = arith.constant 0 : i32
        %dma_start3A_187 = tpu.memref_slice %arg4[%dma_start3A_186, %multiple_of3A_175] : memref<16x1000000xf32, #tpu.memory_space<hbm>> -> memref<16x128xf32, #tpu.memory_space<hbm>>
        %dma_start3A_188 = arith.constant 0 : i32
        %dma_start3A_189 = arith.constant 1280 : i32
        %dma_start3A_190 = tpu.memref_slice %arg9[%dma_start3A_188, %dma_start3A_189] : memref<16x3072xf32, #tpu.memory_space<vmem>> -> memref<16x128xf32, #tpu.memory_space<vmem>>
        %dma_start3A_191 = arith.constant 0 : i32
        %dma_start3A_192 = tpu.memref_slice %arg4[%dma_start3A_191, %multiple_of3A_175] : memref<16x1000000xf32, #tpu.memory_space<hbm>> -> memref<16x128xf32, #tpu.memory_space<hbm>>
        tpu.enqueue_dma source(%dma_start3A_192 : memref<16x128xf32, #tpu.memory_space<hbm>>) target(%dma_start3A_190 : memref<16x128xf32, #tpu.memory_space<vmem>>) target_semaphore(%arg15 : memref<!tpu.dma_semaphore, #tpu.memory_space<semaphore_mem>>)
        %dma_start3A_193 = arith.constant 0 : i32
        %dma_start3A_194 = arith.constant 1280 : i32
        %dma_start3A_195 = tpu.memref_slice %arg10[%dma_start3A_193, %dma_start3A_194] : memref<16x3072xf32, #tpu.memory_space<vmem>> -> memref<16x128xf32, #tpu.memory_space<vmem>>
        %dma_start3A_196 = arith.constant 0 : i32
        %dma_start3A_197 = tpu.memref_slice %arg5[%dma_start3A_196, %multiple_of3A_182] : memref<16x1000000xf32, #tpu.memory_space<hbm>> -> memref<16x128xf32, #tpu.memory_space<hbm>>
        %dma_start3A_198 = arith.constant 0 : i32
        %dma_start3A_199 = arith.constant 1280 : i32
        %dma_start3A_200 = tpu.memref_slice %arg10[%dma_start3A_198, %dma_start3A_199] : memref<16x3072xf32, #tpu.memory_space<vmem>> -> memref<16x128xf32, #tpu.memory_space<vmem>>
        %dma_start3A_201 = arith.constant 0 : i32
        %dma_start3A_202 = tpu.memref_slice %arg5[%dma_start3A_201, %multiple_of3A_182] : memref<16x1000000xf32, #tpu.memory_space<hbm>> -> memref<16x128xf32, #tpu.memory_space<hbm>>
        tpu.enqueue_dma source(%dma_start3A_202 : memref<16x128xf32, #tpu.memory_space<hbm>>) target(%dma_start3A_200 : memref<16x128xf32, #tpu.memory_space<vmem>>) target_semaphore(%arg18 : memref<!tpu.dma_semaphore, #tpu.memory_space<semaphore_mem>>)
        %slice3A_203 = vector.extract_strided_slice %get3A_101 {offsets = [3], sizes = [1], strides = [1]} : vector<16xi32> to vector<1xi32>
        %squeeze3A_204 = vector.extract %slice3A_203[0] : i32 from vector<1xi32>
        %shift_right_arithmetic3A_205 = arith.constant 7 : i32
        %shift_right_arithmetic3A_206 = arith.shrsi %squeeze3A_204, %shift_right_arithmetic3A_205 : i32
        %mul3A_207 = arith.constant 128 : i32
        %mul3A_208 = arith.muli %shift_right_arithmetic3A_206, %mul3A_207 : i32
        %multiple_of3A_209 = tpu.assume_multiple %mul3A_208, 128 : i32
        %slice3A_210 = vector.extract_strided_slice %get3A_105 {offsets = [3], sizes = [1], strides = [1]} : vector<16xi32> to vector<1xi32>
        %squeeze3A_211 = vector.extract %slice3A_210[0] : i32 from vector<1xi32>
        %shift_right_arithmetic3A_212 = arith.constant 7 : i32
        %shift_right_arithmetic3A_213 = arith.shrsi %squeeze3A_211, %shift_right_arithmetic3A_212 : i32
        %mul3A_214 = arith.constant 128 : i32
        %mul3A_215 = arith.muli %shift_right_arithmetic3A_213, %mul3A_214 : i32
        %multiple_of3A_216 = tpu.assume_multiple %mul3A_215, 128 : i32
        %dma_start3A_217 = arith.constant 0 : i32
        %dma_start3A_218 = arith.constant 1408 : i32
        %dma_start3A_219 = tpu.memref_slice %arg9[%dma_start3A_217, %dma_start3A_218] : memref<16x3072xf32, #tpu.memory_space<vmem>> -> memref<16x128xf32, #tpu.memory_space<vmem>>
        %dma_start3A_220 = arith.constant 0 : i32
        %dma_start3A_221 = tpu.memref_slice %arg4[%dma_start3A_220, %multiple_of3A_209] : memref<16x1000000xf32, #tpu.memory_space<hbm>> -> memref<16x128xf32, #tpu.memory_space<hbm>>
        %dma_start3A_222 = arith.constant 0 : i32
        %dma_start3A_223 = arith.constant 1408 : i32
        %dma_start3A_224 = tpu.memref_slice %arg9[%dma_start3A_222, %dma_start3A_223] : memref<16x3072xf32, #tpu.memory_space<vmem>> -> memref<16x128xf32, #tpu.memory_space<vmem>>
        %dma_start3A_225 = arith.constant 0 : i32
        %dma_start3A_226 = tpu.memref_slice %arg4[%dma_start3A_225, %multiple_of3A_209] : memref<16x1000000xf32, #tpu.memory_space<hbm>> -> memref<16x128xf32, #tpu.memory_space<hbm>>
        tpu.enqueue_dma source(%dma_start3A_226 : memref<16x128xf32, #tpu.memory_space<hbm>>) target(%dma_start3A_224 : memref<16x128xf32, #tpu.memory_space<vmem>>) target_semaphore(%arg15 : memref<!tpu.dma_semaphore, #tpu.memory_space<semaphore_mem>>)
        %dma_start3A_227 = arith.constant 0 : i32
        %dma_start3A_228 = arith.constant 1408 : i32
        %dma_start3A_229 = tpu.memref_slice %arg10[%dma_start3A_227, %dma_start3A_228] : memref<16x3072xf32, #tpu.memory_space<vmem>> -> memref<16x128xf32, #tpu.memory_space<vmem>>
        %dma_start3A_230 = arith.constant 0 : i32
        %dma_start3A_231 = tpu.memref_slice %arg5[%dma_start3A_230, %multiple_of3A_216] : memref<16x1000000xf32, #tpu.memory_space<hbm>> -> memref<16x128xf32, #tpu.memory_space<hbm>>
        %dma_start3A_232 = arith.constant 0 : i32
        %dma_start3A_233 = arith.constant 1408 : i32
        %dma_start3A_234 = tpu.memref_slice %arg10[%dma_start3A_232, %dma_start3A_233] : memref<16x3072xf32, #tpu.memory_space<vmem>> -> memref<16x128xf32, #tpu.memory_space<vmem>>
        %dma_start3A_235 = arith.constant 0 : i32
        %dma_start3A_236 = tpu.memref_slice %arg5[%dma_start3A_235, %multiple_of3A_216] : memref<16x1000000xf32, #tpu.memory_space<hbm>> -> memref<16x128xf32, #tpu.memory_space<hbm>>
        tpu.enqueue_dma source(%dma_start3A_236 : memref<16x128xf32, #tpu.memory_space<hbm>>) target(%dma_start3A_234 : memref<16x128xf32, #tpu.memory_space<vmem>>) target_semaphore(%arg18 : memref<!tpu.dma_semaphore, #tpu.memory_space<semaphore_mem>>)
        %slice3A_237 = vector.extract_strided_slice %get3A_101 {offsets = [4], sizes = [1], strides = [1]} : vector<16xi32> to vector<1xi32>
        %squeeze3A_238 = vector.extract %slice3A_237[0] : i32 from vector<1xi32>
        %shift_right_arithmetic3A_239 = arith.constant 7 : i32
        %shift_right_arithmetic3A_240 = arith.shrsi %squeeze3A_238, %shift_right_arithmetic3A_239 : i32
        %mul3A_241 = arith.constant 128 : i32
        %mul3A_242 = arith.muli %shift_right_arithmetic3A_240, %mul3A_241 : i32
        %multiple_of3A_243 = tpu.assume_multiple %mul3A_242, 128 : i32
        %slice3A_244 = vector.extract_strided_slice %get3A_105 {offsets = [4], sizes = [1], strides = [1]} : vector<16xi32> to vector<1xi32>
        %squeeze3A_245 = vector.extract %slice3A_244[0] : i32 from vector<1xi32>
        %shift_right_arithmetic3A_246 = arith.constant 7 : i32
        %shift_right_arithmetic3A_247 = arith.shrsi %squeeze3A_245, %shift_right_arithmetic3A_246 : i32
        %mul3A_248 = arith.constant 128 : i32
        %mul3A_249 = arith.muli %shift_right_arithmetic3A_247, %mul3A_248 : i32
        %multiple_of3A_250 = tpu.assume_multiple %mul3A_249, 128 : i32
        %dma_start3A_251 = arith.constant 0 : i32
        %dma_start3A_252 = arith.constant 1536 : i32
        %dma_start3A_253 = tpu.memref_slice %arg9[%dma_start3A_251, %dma_start3A_252] : memref<16x3072xf32, #tpu.memory_space<vmem>> -> memref<16x128xf32, #tpu.memory_space<vmem>>
        %dma_start3A_254 = arith.constant 0 : i32
        %dma_start3A_255 = tpu.memref_slice %arg4[%dma_start3A_254, %multiple_of3A_243] : memref<16x1000000xf32, #tpu.memory_space<hbm>> -> memref<16x128xf32, #tpu.memory_space<hbm>>
        %dma_start3A_256 = arith.constant 0 : i32
        %dma_start3A_257 = arith.constant 1536 : i32
        %dma_start3A_258 = tpu.memref_slice %arg9[%dma_start3A_256, %dma_start3A_257] : memref<16x3072xf32, #tpu.memory_space<vmem>> -> memref<16x128xf32, #tpu.memory_space<vmem>>
        %dma_start3A_259 = arith.constant 0 : i32
        %dma_start3A_260 = tpu.memref_slice %arg4[%dma_start3A_259, %multiple_of3A_243] : memref<16x1000000xf32, #tpu.memory_space<hbm>> -> memref<16x128xf32, #tpu.memory_space<hbm>>
        tpu.enqueue_dma source(%dma_start3A_260 : memref<16x128xf32, #tpu.memory_space<hbm>>) target(%dma_start3A_258 : memref<16x128xf32, #tpu.memory_space<vmem>>) target_semaphore(%arg15 : memref<!tpu.dma_semaphore, #tpu.memory_space<semaphore_mem>>)
        %dma_start3A_261 = arith.constant 0 : i32
        %dma_start3A_262 = arith.constant 1536 : i32
        %dma_start3A_263 = tpu.memref_slice %arg10[%dma_start3A_261, %dma_start3A_262] : memref<16x3072xf32, #tpu.memory_space<vmem>> -> memref<16x128xf32, #tpu.memory_space<vmem>>
        %dma_start3A_264 = arith.constant 0 : i32
        %dma_start3A_265 = tpu.memref_slice %arg5[%dma_start3A_264, %multiple_of3A_250] : memref<16x1000000xf32, #tpu.memory_space<hbm>> -> memref<16x128xf32, #tpu.memory_space<hbm>>
        %dma_start3A_266 = arith.constant 0 : i32
        %dma_start3A_267 = arith.constant 1536 : i32
        %dma_start3A_268 = tpu.memref_slice %arg10[%dma_start3A_266, %dma_start3A_267] : memref<16x3072xf32, #tpu.memory_space<vmem>> -> memref<16x128xf32, #tpu.memory_space<vmem>>
        %dma_start3A_269 = arith.constant 0 : i32
        %dma_start3A_270 = tpu.memref_slice %arg5[%dma_start3A_269, %multiple_of3A_250] : memref<16x1000000xf32, #tpu.memory_space<hbm>> -> memref<16x128xf32, #tpu.memory_space<hbm>>
        tpu.enqueue_dma source(%dma_start3A_270 : memref<16x128xf32, #tpu.memory_space<hbm>>) target(%dma_start3A_268 : memref<16x128xf32, #tpu.memory_space<vmem>>) target_semaphore(%arg18 : memref<!tpu.dma_semaphore, #tpu.memory_space<semaphore_mem>>)
        %slice3A_271 = vector.extract_strided_slice %get3A_101 {offsets = [5], sizes = [1], strides = [1]} : vector<16xi32> to vector<1xi32>
        %squeeze3A_272 = vector.extract %slice3A_271[0] : i32 from vector<1xi32>
        %shift_right_arithmetic3A_273 = arith.constant 7 : i32
        %shift_right_arithmetic3A_274 = arith.shrsi %squeeze3A_272, %shift_right_arithmetic3A_273 : i32
        %mul3A_275 = arith.constant 128 : i32
        %mul3A_276 = arith.muli %shift_right_arithmetic3A_274, %mul3A_275 : i32
        %multiple_of3A_277 = tpu.assume_multiple %mul3A_276, 128 : i32
        %slice3A_278 = vector.extract_strided_slice %get3A_105 {offsets = [5], sizes = [1], strides = [1]} : vector<16xi32> to vector<1xi32>
        %squeeze3A_279 = vector.extract %slice3A_278[0] : i32 from vector<1xi32>
        %shift_right_arithmetic3A_280 = arith.constant 7 : i32
        %shift_right_arithmetic3A_281 = arith.shrsi %squeeze3A_279, %shift_right_arithmetic3A_280 : i32
        %mul3A_282 = arith.constant 128 : i32
        %mul3A_283 = arith.muli %shift_right_arithmetic3A_281, %mul3A_282 : i32
        %multiple_of3A_284 = tpu.assume_multiple %mul3A_283, 128 : i32
        %dma_start3A_285 = arith.constant 0 : i32
        %dma_start3A_286 = arith.constant 1664 : i32
        %dma_start3A_287 = tpu.memref_slice %arg9[%dma_start3A_285, %dma_start3A_286] : memref<16x3072xf32, #tpu.memory_space<vmem>> -> memref<16x128xf32, #tpu.memory_space<vmem>>
        %dma_start3A_288 = arith.constant 0 : i32
        %dma_start3A_289 = tpu.memref_slice %arg4[%dma_start3A_288, %multiple_of3A_277] : memref<16x1000000xf32, #tpu.memory_space<hbm>> -> memref<16x128xf32, #tpu.memory_space<hbm>>
        %dma_start3A_290 = arith.constant 0 : i32
        %dma_start3A_291 = arith.constant 1664 : i32
        %dma_start3A_292 = tpu.memref_slice %arg9[%dma_start3A_290, %dma_start3A_291] : memref<16x3072xf32, #tpu.memory_space<vmem>> -> memref<16x128xf32, #tpu.memory_space<vmem>>
        %dma_start3A_293 = arith.constant 0 : i32
        %dma_start3A_294 = tpu.memref_slice %arg4[%dma_start3A_293, %multiple_of3A_277] : memref<16x1000000xf32, #tpu.memory_space<hbm>> -> memref<16x128xf32, #tpu.memory_space<hbm>>
        tpu.enqueue_dma source(%dma_start3A_294 : memref<16x128xf32, #tpu.memory_space<hbm>>) target(%dma_start3A_292 : memref<16x128xf32, #tpu.memory_space<vmem>>) target_semaphore(%arg15 : memref<!tpu.dma_semaphore, #tpu.memory_space<semaphore_mem>>)
        %dma_start3A_295 = arith.constant 0 : i32
        %dma_start3A_296 = arith.constant 1664 : i32
        %dma_start3A_297 = tpu.memref_slice %arg10[%dma_start3A_295, %dma_start3A_296] : memref<16x3072xf32, #tpu.memory_space<vmem>> -> memref<16x128xf32, #tpu.memory_space<vmem>>
        %dma_start3A_298 = arith.constant 0 : i32
        %dma_start3A_299 = tpu.memref_slice %arg5[%dma_start3A_298, %multiple_of3A_284] : memref<16x1000000xf32, #tpu.memory_space<hbm>> -> memref<16x128xf32, #tpu.memory_space<hbm>>
        %dma_start3A_300 = arith.constant 0 : i32
        %dma_start3A_301 = arith.constant 1664 : i32
        %dma_start3A_302 = tpu.memref_slice %arg10[%dma_start3A_300, %dma_start3A_301] : memref<16x3072xf32, #tpu.memory_space<vmem>> -> memref<16x128xf32, #tpu.memory_space<vmem>>
        %dma_start3A_303 = arith.constant 0 : i32
        %dma_start3A_304 = tpu.memref_slice %arg5[%dma_start3A_303, %multiple_of3A_284] : memref<16x1000000xf32, #tpu.memory_space<hbm>> -> memref<16x128xf32, #tpu.memory_space<hbm>>
        tpu.enqueue_dma source(%dma_start3A_304 : memref<16x128xf32, #tpu.memory_space<hbm>>) target(%dma_start3A_302 : memref<16x128xf32, #tpu.memory_space<vmem>>) target_semaphore(%arg18 : memref<!tpu.dma_semaphore, #tpu.memory_space<semaphore_mem>>)
        %slice3A_305 = vector.extract_strided_slice %get3A_101 {offsets = [6], sizes = [1], strides = [1]} : vector<16xi32> to vector<1xi32>
        %squeeze3A_306 = vector.extract %slice3A_305[0] : i32 from vector<1xi32>
        %shift_right_arithmetic3A_307 = arith.constant 7 : i32
        %shift_right_arithmetic3A_308 = arith.shrsi %squeeze3A_306, %shift_right_arithmetic3A_307 : i32
        %mul3A_309 = arith.constant 128 : i32
        %mul3A_310 = arith.muli %shift_right_arithmetic3A_308, %mul3A_309 : i32
        %multiple_of3A_311 = tpu.assume_multiple %mul3A_310, 128 : i32
        %slice3A_312 = vector.extract_strided_slice %get3A_105 {offsets = [6], sizes = [1], strides = [1]} : vector<16xi32> to vector<1xi32>
        %squeeze3A_313 = vector.extract %slice3A_312[0] : i32 from vector<1xi32>
        %shift_right_arithmetic3A_314 = arith.constant 7 : i32
        %shift_right_arithmetic3A_315 = arith.shrsi %squeeze3A_313, %shift_right_arithmetic3A_314 : i32
        %mul3A_316 = arith.constant 128 : i32
        %mul3A_317 = arith.muli %shift_right_arithmetic3A_315, %mul3A_316 : i32
        %multiple_of3A_318 = tpu.assume_multiple %mul3A_317, 128 : i32
        %dma_start3A_319 = arith.constant 0 : i32
        %dma_start3A_320 = arith.constant 1792 : i32
        %dma_start3A_321 = tpu.memref_slice %arg9[%dma_start3A_319, %dma_start3A_320] : memref<16x3072xf32, #tpu.memory_space<vmem>> -> memref<16x128xf32, #tpu.memory_space<vmem>>
        %dma_start3A_322 = arith.constant 0 : i32
        %dma_start3A_323 = tpu.memref_slice %arg4[%dma_start3A_322, %multiple_of3A_311] : memref<16x1000000xf32, #tpu.memory_space<hbm>> -> memref<16x128xf32, #tpu.memory_space<hbm>>
        %dma_start3A_324 = arith.constant 0 : i32
        %dma_start3A_325 = arith.constant 1792 : i32
        %dma_start3A_326 = tpu.memref_slice %arg9[%dma_start3A_324, %dma_start3A_325] : memref<16x3072xf32, #tpu.memory_space<vmem>> -> memref<16x128xf32, #tpu.memory_space<vmem>>
        %dma_start3A_327 = arith.constant 0 : i32
        %dma_start3A_328 = tpu.memref_slice %arg4[%dma_start3A_327, %multiple_of3A_311] : memref<16x1000000xf32, #tpu.memory_space<hbm>> -> memref<16x128xf32, #tpu.memory_space<hbm>>
        tpu.enqueue_dma source(%dma_start3A_328 : memref<16x128xf32, #tpu.memory_space<hbm>>) target(%dma_start3A_326 : memref<16x128xf32, #tpu.memory_space<vmem>>) target_semaphore(%arg15 : memref<!tpu.dma_semaphore, #tpu.memory_space<semaphore_mem>>)
        %dma_start3A_329 = arith.constant 0 : i32
        %dma_start3A_330 = arith.constant 1792 : i32
        %dma_start3A_331 = tpu.memref_slice %arg10[%dma_start3A_329, %dma_start3A_330] : memref<16x3072xf32, #tpu.memory_space<vmem>> -> memref<16x128xf32, #tpu.memory_space<vmem>>
        %dma_start3A_332 = arith.constant 0 : i32
        %dma_start3A_333 = tpu.memref_slice %arg5[%dma_start3A_332, %multiple_of3A_318] : memref<16x1000000xf32, #tpu.memory_space<hbm>> -> memref<16x128xf32, #tpu.memory_space<hbm>>
        %dma_start3A_334 = arith.constant 0 : i32
        %dma_start3A_335 = arith.constant 1792 : i32
        %dma_start3A_336 = tpu.memref_slice %arg10[%dma_start3A_334, %dma_start3A_335] : memref<16x3072xf32, #tpu.memory_space<vmem>> -> memref<16x128xf32, #tpu.memory_space<vmem>>
        %dma_start3A_337 = arith.constant 0 : i32
        %dma_start3A_338 = tpu.memref_slice %arg5[%dma_start3A_337, %multiple_of3A_318] : memref<16x1000000xf32, #tpu.memory_space<hbm>> -> memref<16x128xf32, #tpu.memory_space<hbm>>
        tpu.enqueue_dma source(%dma_start3A_338 : memref<16x128xf32, #tpu.memory_space<hbm>>) target(%dma_start3A_336 : memref<16x128xf32, #tpu.memory_space<vmem>>) target_semaphore(%arg18 : memref<!tpu.dma_semaphore, #tpu.memory_space<semaphore_mem>>)
        %slice3A_339 = vector.extract_strided_slice %get3A_101 {offsets = [7], sizes = [1], strides = [1]} : vector<16xi32> to vector<1xi32>
        %squeeze3A_340 = vector.extract %slice3A_339[0] : i32 from vector<1xi32>
        %shift_right_arithmetic3A_341 = arith.constant 7 : i32
        %shift_right_arithmetic3A_342 = arith.shrsi %squeeze3A_340, %shift_right_arithmetic3A_341 : i32
        %mul3A_343 = arith.constant 128 : i32
        %mul3A_344 = arith.muli %shift_right_arithmetic3A_342, %mul3A_343 : i32
        %multiple_of3A_345 = tpu.assume_multiple %mul3A_344, 128 : i32
        %slice3A_346 = vector.extract_strided_slice %get3A_105 {offsets = [7], sizes = [1], strides = [1]} : vector<16xi32> to vector<1xi32>
        %squeeze3A_347 = vector.extract %slice3A_346[0] : i32 from vector<1xi32>
        %shift_right_arithmetic3A_348 = arith.constant 7 : i32
        %shift_right_arithmetic3A_349 = arith.shrsi %squeeze3A_347, %shift_right_arithmetic3A_348 : i32
        %mul3A_350 = arith.constant 128 : i32
        %mul3A_351 = arith.muli %shift_right_arithmetic3A_349, %mul3A_350 : i32
        %multiple_of3A_352 = tpu.assume_multiple %mul3A_351, 128 : i32
        %dma_start3A_353 = arith.constant 0 : i32
        %dma_start3A_354 = arith.constant 1920 : i32
        %dma_start3A_355 = tpu.memref_slice %arg9[%dma_start3A_353, %dma_start3A_354] : memref<16x3072xf32, #tpu.memory_space<vmem>> -> memref<16x128xf32, #tpu.memory_space<vmem>>
        %dma_start3A_356 = arith.constant 0 : i32
        %dma_start3A_357 = tpu.memref_slice %arg4[%dma_start3A_356, %multiple_of3A_345] : memref<16x1000000xf32, #tpu.memory_space<hbm>> -> memref<16x128xf32, #tpu.memory_space<hbm>>
        %dma_start3A_358 = arith.constant 0 : i32
        %dma_start3A_359 = arith.constant 1920 : i32
        %dma_start3A_360 = tpu.memref_slice %arg9[%dma_start3A_358, %dma_start3A_359] : memref<16x3072xf32, #tpu.memory_space<vmem>> -> memref<16x128xf32, #tpu.memory_space<vmem>>
        %dma_start3A_361 = arith.constant 0 : i32
        %dma_start3A_362 = tpu.memref_slice %arg4[%dma_start3A_361, %multiple_of3A_345] : memref<16x1000000xf32, #tpu.memory_space<hbm>> -> memref<16x128xf32, #tpu.memory_space<hbm>>
        tpu.enqueue_dma source(%dma_start3A_362 : memref<16x128xf32, #tpu.memory_space<hbm>>) target(%dma_start3A_360 : memref<16x128xf32, #tpu.memory_space<vmem>>) target_semaphore(%arg15 : memref<!tpu.dma_semaphore, #tpu.memory_space<semaphore_mem>>)
        %dma_start3A_363 = arith.constant 0 : i32
        %dma_start3A_364 = arith.constant 1920 : i32
        %dma_start3A_365 = tpu.memref_slice %arg10[%dma_start3A_363, %dma_start3A_364] : memref<16x3072xf32, #tpu.memory_space<vmem>> -> memref<16x128xf32, #tpu.memory_space<vmem>>
        %dma_start3A_366 = arith.constant 0 : i32
        %dma_start3A_367 = tpu.memref_slice %arg5[%dma_start3A_366, %multiple_of3A_352] : memref<16x1000000xf32, #tpu.memory_space<hbm>> -> memref<16x128xf32, #tpu.memory_space<hbm>>
        %dma_start3A_368 = arith.constant 0 : i32
        %dma_start3A_369 = arith.constant 1920 : i32
        %dma_start3A_370 = tpu.memref_slice %arg10[%dma_start3A_368, %dma_start3A_369] : memref<16x3072xf32, #tpu.memory_space<vmem>> -> memref<16x128xf32, #tpu.memory_space<vmem>>
        %dma_start3A_371 = arith.constant 0 : i32
        %dma_start3A_372 = tpu.memref_slice %arg5[%dma_start3A_371, %multiple_of3A_352] : memref<16x1000000xf32, #tpu.memory_space<hbm>> -> memref<16x128xf32, #tpu.memory_space<hbm>>
        tpu.enqueue_dma source(%dma_start3A_372 : memref<16x128xf32, #tpu.memory_space<hbm>>) target(%dma_start3A_370 : memref<16x128xf32, #tpu.memory_space<vmem>>) target_semaphore(%arg18 : memref<!tpu.dma_semaphore, #tpu.memory_space<semaphore_mem>>)
      } else {
      }
      %eq3A_75 = arith.constant 1 : i32
      %eq3A_76 = arith.cmpi eq, %sub3A_55, %eq3A_75 : i32
      %ge3A_77 = arith.constant 2 : i32
      %ge3A_78 = arith.cmpi sge, %scan3A_7, %ge3A_77 : i32
      %and3A_79 = arith.andi %eq3A_76, %ge3A_78 : i1
      %convert_element_type3A_80 = arith.extui %and3A_79 : i1 to i32
      %cond3A_81 = arith.constant 0 : i32
      %cond3A_82 = arith.cmpi ne, %convert_element_type3A_80, %cond3A_81 : i32
      scf.if %cond3A_82 {
        %sub3A_99 = arith.constant 2 : i32
        %sub3A_100 = arith.subi %scan3A_7, %sub3A_99 : i32
        %dma_wait3A = arith.constant 0 : i32
        %dma_wait3A_101 = arith.constant 0 : i32
        %dma_wait3A_102 = tpu.memref_slice %arg9[%dma_wait3A, %dma_wait3A_101] : memref<16x3072xf32, #tpu.memory_space<vmem>> -> memref<16x1024xf32, #tpu.memory_space<vmem>>
        %dma_wait3A_103 = arith.constant 0 : i32
        %dma_wait3A_104 = arith.constant 0 : i32
        %dma_wait3A_105 = tpu.memref_slice %arg4[%dma_wait3A_103, %dma_wait3A_104] : memref<16x1000000xf32, #tpu.memory_space<hbm>> -> memref<16x1024xf32, #tpu.memory_space<hbm>>
        %dma_wait3A_106 = arith.constant 0 : i32
        %dma_wait3A_107 = arith.constant 0 : i32
        %dma_wait3A_108 = tpu.memref_slice %arg9[%dma_wait3A_106, %dma_wait3A_107] : memref<16x3072xf32, #tpu.memory_space<vmem>> -> memref<16x1024xf32, #tpu.memory_space<vmem>>
        %dma_wait3A_109 = arith.constant 0 : i32
        %dma_wait3A_110 = arith.constant 0 : i32
        %dma_wait3A_111 = tpu.memref_slice %arg4[%dma_wait3A_109, %dma_wait3A_110] : memref<16x1000000xf32, #tpu.memory_space<hbm>> -> memref<16x1024xf32, #tpu.memory_space<hbm>>
        tpu.wait_dma2 semaphore(%arg15 : memref<!tpu.dma_semaphore, #tpu.memory_space<semaphore_mem>>) src(%dma_wait3A_111 : memref<16x1024xf32, #tpu.memory_space<hbm>>) dst(%dma_wait3A_108 : memref<16x1024xf32, #tpu.memory_space<vmem>>)
        %dma_wait3A_112 = arith.constant 0 : i32
        %dma_wait3A_113 = arith.constant 0 : i32
        %dma_wait3A_114 = tpu.memref_slice %arg10[%dma_wait3A_112, %dma_wait3A_113] : memref<16x3072xf32, #tpu.memory_space<vmem>> -> memref<16x1024xf32, #tpu.memory_space<vmem>>
        %dma_wait3A_115 = arith.constant 0 : i32
        %dma_wait3A_116 = arith.constant 0 : i32
        %dma_wait3A_117 = tpu.memref_slice %arg5[%dma_wait3A_115, %dma_wait3A_116] : memref<16x1000000xf32, #tpu.memory_space<hbm>> -> memref<16x1024xf32, #tpu.memory_space<hbm>>
        %dma_wait3A_118 = arith.constant 0 : i32
        %dma_wait3A_119 = arith.constant 0 : i32
        %dma_wait3A_120 = tpu.memref_slice %arg10[%dma_wait3A_118, %dma_wait3A_119] : memref<16x3072xf32, #tpu.memory_space<vmem>> -> memref<16x1024xf32, #tpu.memory_space<vmem>>
        %dma_wait3A_121 = arith.constant 0 : i32
        %dma_wait3A_122 = arith.constant 0 : i32
        %dma_wait3A_123 = tpu.memref_slice %arg5[%dma_wait3A_121, %dma_wait3A_122] : memref<16x1000000xf32, #tpu.memory_space<hbm>> -> memref<16x1024xf32, #tpu.memory_space<hbm>>
        tpu.wait_dma2 semaphore(%arg18 : memref<!tpu.dma_semaphore, #tpu.memory_space<semaphore_mem>>) src(%dma_wait3A_123 : memref<16x1024xf32, #tpu.memory_space<hbm>>) dst(%dma_wait3A_120 : memref<16x1024xf32, #tpu.memory_space<vmem>>)
        %mul3A_124 = arith.constant 8 : i32
        %mul3A_125 = arith.muli %sub3A_100, %mul3A_124 : i32
        %get3A = arith.index_cast %mul3A_125 : i32 to index
        %get3A_126 = tpu.vector_load %arg7[%get3A] {strides = array<i32>} : memref<528xi32, #tpu.memory_space<vmem>>, vector<16xi32>,
        %mul3A_127 = arith.constant 8 : i32
        %mul3A_128 = arith.muli %sub3A_100, %mul3A_127 : i32
        %get3A_129 = arith.index_cast %mul3A_128 : i32 to index
        %get3A_130 = tpu.vector_load %arg8[%get3A_129] {strides = array<i32>} : memref<528xi32, #tpu.memory_space<vmem>>, vector<16xi32>,
        %and3A_131 = arith.constant 1 : i32
        %and3A_132 = arith.andi %sub3A_100, %and3A_131 : i32
        %slice3A = vector.extract_strided_slice %get3A_126 {offsets = [0], sizes = [1], strides = [1]} : vector<16xi32> to vector<1xi32>
        %squeeze3A = vector.extract %slice3A[0] : i32 from vector<1xi32>
        %and3A_133 = arith.constant 127 : i32
        %and3A_134 = arith.andi %squeeze3A, %and3A_133 : i32
        %add3A_135 = arith.constant 1024 : i32
        %add3A_136 = arith.addi %and3A_134, %add3A_135 : i32
        %broadcast_in_dim3A = vector.broadcast %add3A_136 : i32 to vector<16xi32>
        %slice3A_137 = vector.extract_strided_slice %get3A_130 {offsets = [0], sizes = [1], strides = [1]} : vector<16xi32> to vector<1xi32>
        %squeeze3A_138 = vector.extract %slice3A_137[0] : i32 from vector<1xi32>
        %and3A_139 = arith.constant 127 : i32
        %and3A_140 = arith.andi %squeeze3A_138, %and3A_139 : i32
        %add3A_141 = arith.constant 1024 : i32
        %add3A_142 = arith.addi %and3A_140, %add3A_141 : i32
        %broadcast_in_dim3A_143 = vector.broadcast %add3A_142 : i32 to vector<16xi32>
        %gather3A = tpu.vector_load_idx %arg9[%iota3A, %broadcast_in_dim3A] : memref<16x3072xf32, #tpu.memory_space<vmem>>[vector<16xi32>, vector<16xi32>], vector<16xf32>,
        %gather3A_144 = tpu.vector_load_idx %arg10[%iota3A, %broadcast_in_dim3A_143] : memref<16x3072xf32, #tpu.memory_space<vmem>>[vector<16xi32>, vector<16xi32>], vector<16xf32>,
        %broadcast_in_dim3A_145 = arith.constant 0 : i32
        %broadcast_in_dim3A_146 = vector.broadcast %broadcast_in_dim3A_145 : i32 to vector<16xi32>
        %shift_left3A = arith.constant 3 : i32
        %shift_left3A_147 = arith.shli %and3A_132, %shift_left3A : i32
        %add3A_148 = vector.broadcast %shift_left3A_147 : i32 to vector<16xi32>
        %add3A_149 = arith.addi %broadcast_in_dim3A_146, %add3A_148 : vector<16xi32>
        tpu.vector_store_idx %arg11[%iota3A, %add3A_149], %gather3A : memref<16x16xf32, #tpu.memory_space<vmem>>[vector<16xi32>, vector<16xi32>], vector<16xf32>,
        tpu.vector_store_idx %arg12[%iota3A, %add3A_149], %gather3A_144 : memref<16x16xf32, #tpu.memory_space<vmem>>[vector<16xi32>, vector<16xi32>], vector<16xf32>,
        %slice3A_150 = vector.extract_strided_slice %get3A_126 {offsets = [1], sizes = [1], strides = [1]} : vector<16xi32> to vector<1xi32>
        %squeeze3A_151 = vector.extract %slice3A_150[0] : i32 from vector<1xi32>
        %and3A_152 = arith.constant 127 : i32
        %and3A_153 = arith.andi %squeeze3A_151, %and3A_152 : i32
        %add3A_154 = arith.constant 1152 : i32
        %add3A_155 = arith.addi %and3A_153, %add3A_154 : i32
        %broadcast_in_dim3A_156 = vector.broadcast %add3A_155 : i32 to vector<16xi32>
        %slice3A_157 = vector.extract_strided_slice %get3A_130 {offsets = [1], sizes = [1], strides = [1]} : vector<16xi32> to vector<1xi32>
        %squeeze3A_158 = vector.extract %slice3A_157[0] : i32 from vector<1xi32>
        %and3A_159 = arith.constant 127 : i32
        %and3A_160 = arith.andi %squeeze3A_158, %and3A_159 : i32
        %add3A_161 = arith.constant 1152 : i32
        %add3A_162 = arith.addi %and3A_160, %add3A_161 : i32
        %broadcast_in_dim3A_163 = vector.broadcast %add3A_162 : i32 to vector<16xi32>
        %gather3A_164 = tpu.vector_load_idx %arg9[%iota3A, %broadcast_in_dim3A_156] : memref<16x3072xf32, #tpu.memory_space<vmem>>[vector<16xi32>, vector<16xi32>], vector<16xf32>,
        %gather3A_165 = tpu.vector_load_idx %arg10[%iota3A, %broadcast_in_dim3A_163] : memref<16x3072xf32, #tpu.memory_space<vmem>>[vector<16xi32>, vector<16xi32>], vector<16xf32>,
        %broadcast_in_dim3A_166 = arith.constant 1 : i32
        %broadcast_in_dim3A_167 = vector.broadcast %broadcast_in_dim3A_166 : i32 to vector<16xi32>
        %shift_left3A_168 = arith.constant 3 : i32
        %shift_left3A_169 = arith.shli %and3A_132, %shift_left3A_168 : i32
        %add3A_170 = vector.broadcast %shift_left3A_169 : i32 to vector<16xi32>
        %add3A_171 = arith.addi %broadcast_in_dim3A_167, %add3A_170 : vector<16xi32>
        tpu.vector_store_idx %arg11[%iota3A, %add3A_171], %gather3A_164 : memref<16x16xf32, #tpu.memory_space<vmem>>[vector<16xi32>, vector<16xi32>], vector<16xf32>,
        tpu.vector_store_idx %arg12[%iota3A, %add3A_171], %gather3A_165 : memref<16x16xf32, #tpu.memory_space<vmem>>[vector<16xi32>, vector<16xi32>], vector<16xf32>,
        %slice3A_172 = vector.extract_strided_slice %get3A_126 {offsets = [2], sizes = [1], strides = [1]} : vector<16xi32> to vector<1xi32>
        %squeeze3A_173 = vector.extract %slice3A_172[0] : i32 from vector<1xi32>
        %and3A_174 = arith.constant 127 : i32
        %and3A_175 = arith.andi %squeeze3A_173, %and3A_174 : i32
        %add3A_176 = arith.constant 1280 : i32
        %add3A_177 = arith.addi %and3A_175, %add3A_176 : i32
        %broadcast_in_dim3A_178 = vector.broadcast %add3A_177 : i32 to vector<16xi32>
        %slice3A_179 = vector.extract_strided_slice %get3A_130 {offsets = [2], sizes = [1], strides = [1]} : vector<16xi32> to vector<1xi32>
        %squeeze3A_180 = vector.extract %slice3A_179[0] : i32 from vector<1xi32>
        %and3A_181 = arith.constant 127 : i32
        %and3A_182 = arith.andi %squeeze3A_180, %and3A_181 : i32
        %add3A_183 = arith.constant 1280 : i32
        %add3A_184 = arith.addi %and3A_182, %add3A_183 : i32
        %broadcast_in_dim3A_185 = vector.broadcast %add3A_184 : i32 to vector<16xi32>
        %gather3A_186 = tpu.vector_load_idx %arg9[%iota3A, %broadcast_in_dim3A_178] : memref<16x3072xf32, #tpu.memory_space<vmem>>[vector<16xi32>, vector<16xi32>], vector<16xf32>,
        %gather3A_187 = tpu.vector_load_idx %arg10[%iota3A, %broadcast_in_dim3A_185] : memref<16x3072xf32, #tpu.memory_space<vmem>>[vector<16xi32>, vector<16xi32>], vector<16xf32>,
        %broadcast_in_dim3A_188 = arith.constant 2 : i32
        %broadcast_in_dim3A_189 = vector.broadcast %broadcast_in_dim3A_188 : i32 to vector<16xi32>
        %shift_left3A_190 = arith.constant 3 : i32
        %shift_left3A_191 = arith.shli %and3A_132, %shift_left3A_190 : i32
        %add3A_192 = vector.broadcast %shift_left3A_191 : i32 to vector<16xi32>
        %add3A_193 = arith.addi %broadcast_in_dim3A_189, %add3A_192 : vector<16xi32>
        tpu.vector_store_idx %arg11[%iota3A, %add3A_193], %gather3A_186 : memref<16x16xf32, #tpu.memory_space<vmem>>[vector<16xi32>, vector<16xi32>], vector<16xf32>,
        tpu.vector_store_idx %arg12[%iota3A, %add3A_193], %gather3A_187 : memref<16x16xf32, #tpu.memory_space<vmem>>[vector<16xi32>, vector<16xi32>], vector<16xf32>,
        %slice3A_194 = vector.extract_strided_slice %get3A_126 {offsets = [3], sizes = [1], strides = [1]} : vector<16xi32> to vector<1xi32>
        %squeeze3A_195 = vector.extract %slice3A_194[0] : i32 from vector<1xi32>
        %and3A_196 = arith.constant 127 : i32
        %and3A_197 = arith.andi %squeeze3A_195, %and3A_196 : i32
        %add3A_198 = arith.constant 1408 : i32
        %add3A_199 = arith.addi %and3A_197, %add3A_198 : i32
        %broadcast_in_dim3A_200 = vector.broadcast %add3A_199 : i32 to vector<16xi32>
        %slice3A_201 = vector.extract_strided_slice %get3A_130 {offsets = [3], sizes = [1], strides = [1]} : vector<16xi32> to vector<1xi32>
        %squeeze3A_202 = vector.extract %slice3A_201[0] : i32 from vector<1xi32>
        %and3A_203 = arith.constant 127 : i32
        %and3A_204 = arith.andi %squeeze3A_202, %and3A_203 : i32
        %add3A_205 = arith.constant 1408 : i32
        %add3A_206 = arith.addi %and3A_204, %add3A_205 : i32
        %broadcast_in_dim3A_207 = vector.broadcast %add3A_206 : i32 to vector<16xi32>
        %gather3A_208 = tpu.vector_load_idx %arg9[%iota3A, %broadcast_in_dim3A_200] : memref<16x3072xf32, #tpu.memory_space<vmem>>[vector<16xi32>, vector<16xi32>], vector<16xf32>,
        %gather3A_209 = tpu.vector_load_idx %arg10[%iota3A, %broadcast_in_dim3A_207] : memref<16x3072xf32, #tpu.memory_space<vmem>>[vector<16xi32>, vector<16xi32>], vector<16xf32>,
        %broadcast_in_dim3A_210 = arith.constant 3 : i32
        %broadcast_in_dim3A_211 = vector.broadcast %broadcast_in_dim3A_210 : i32 to vector<16xi32>
        %shift_left3A_212 = arith.constant 3 : i32
        %shift_left3A_213 = arith.shli %and3A_132, %shift_left3A_212 : i32
        %add3A_214 = vector.broadcast %shift_left3A_213 : i32 to vector<16xi32>
        %add3A_215 = arith.addi %broadcast_in_dim3A_211, %add3A_214 : vector<16xi32>
        tpu.vector_store_idx %arg11[%iota3A, %add3A_215], %gather3A_208 : memref<16x16xf32, #tpu.memory_space<vmem>>[vector<16xi32>, vector<16xi32>], vector<16xf32>,
        tpu.vector_store_idx %arg12[%iota3A, %add3A_215], %gather3A_209 : memref<16x16xf32, #tpu.memory_space<vmem>>[vector<16xi32>, vector<16xi32>], vector<16xf32>,
        %slice3A_216 = vector.extract_strided_slice %get3A_126 {offsets = [4], sizes = [1], strides = [1]} : vector<16xi32> to vector<1xi32>
        %squeeze3A_217 = vector.extract %slice3A_216[0] : i32 from vector<1xi32>
        %and3A_218 = arith.constant 127 : i32
        %and3A_219 = arith.andi %squeeze3A_217, %and3A_218 : i32
        %add3A_220 = arith.constant 1536 : i32
        %add3A_221 = arith.addi %and3A_219, %add3A_220 : i32
        %broadcast_in_dim3A_222 = vector.broadcast %add3A_221 : i32 to vector<16xi32>
        %slice3A_223 = vector.extract_strided_slice %get3A_130 {offsets = [4], sizes = [1], strides = [1]} : vector<16xi32> to vector<1xi32>
        %squeeze3A_224 = vector.extract %slice3A_223[0] : i32 from vector<1xi32>
        %and3A_225 = arith.constant 127 : i32
        %and3A_226 = arith.andi %squeeze3A_224, %and3A_225 : i32
        %add3A_227 = arith.constant 1536 : i32
        %add3A_228 = arith.addi %and3A_226, %add3A_227 : i32
        %broadcast_in_dim3A_229 = vector.broadcast %add3A_228 : i32 to vector<16xi32>
        %gather3A_230 = tpu.vector_load_idx %arg9[%iota3A, %broadcast_in_dim3A_222] : memref<16x3072xf32, #tpu.memory_space<vmem>>[vector<16xi32>, vector<16xi32>], vector<16xf32>,
        %gather3A_231 = tpu.vector_load_idx %arg10[%iota3A, %broadcast_in_dim3A_229] : memref<16x3072xf32, #tpu.memory_space<vmem>>[vector<16xi32>, vector<16xi32>], vector<16xf32>,
        %broadcast_in_dim3A_232 = arith.constant 4 : i32
        %broadcast_in_dim3A_233 = vector.broadcast %broadcast_in_dim3A_232 : i32 to vector<16xi32>
        %shift_left3A_234 = arith.constant 3 : i32
        %shift_left3A_235 = arith.shli %and3A_132, %shift_left3A_234 : i32
        %add3A_236 = vector.broadcast %shift_left3A_235 : i32 to vector<16xi32>
        %add3A_237 = arith.addi %broadcast_in_dim3A_233, %add3A_236 : vector<16xi32>
        tpu.vector_store_idx %arg11[%iota3A, %add3A_237], %gather3A_230 : memref<16x16xf32, #tpu.memory_space<vmem>>[vector<16xi32>, vector<16xi32>], vector<16xf32>,
        tpu.vector_store_idx %arg12[%iota3A, %add3A_237], %gather3A_231 : memref<16x16xf32, #tpu.memory_space<vmem>>[vector<16xi32>, vector<16xi32>], vector<16xf32>,
        %slice3A_238 = vector.extract_strided_slice %get3A_126 {offsets = [5], sizes = [1], strides = [1]} : vector<16xi32> to vector<1xi32>
        %squeeze3A_239 = vector.extract %slice3A_238[0] : i32 from vector<1xi32>
        %and3A_240 = arith.constant 127 : i32
        %and3A_241 = arith.andi %squeeze3A_239, %and3A_240 : i32
        %add3A_242 = arith.constant 1664 : i32
        %add3A_243 = arith.addi %and3A_241, %add3A_242 : i32
        %broadcast_in_dim3A_244 = vector.broadcast %add3A_243 : i32 to vector<16xi32>
        %slice3A_245 = vector.extract_strided_slice %get3A_130 {offsets = [5], sizes = [1], strides = [1]} : vector<16xi32> to vector<1xi32>
        %squeeze3A_246 = vector.extract %slice3A_245[0] : i32 from vector<1xi32>
        %and3A_247 = arith.constant 127 : i32
        %and3A_248 = arith.andi %squeeze3A_246, %and3A_247 : i32
        %add3A_249 = arith.constant 1664 : i32
        %add3A_250 = arith.addi %and3A_248, %add3A_249 : i32
        %broadcast_in_dim3A_251 = vector.broadcast %add3A_250 : i32 to vector<16xi32>
        %gather3A_252 = tpu.vector_load_idx %arg9[%iota3A, %broadcast_in_dim3A_244] : memref<16x3072xf32, #tpu.memory_space<vmem>>[vector<16xi32>, vector<16xi32>], vector<16xf32>,
        %gather3A_253 = tpu.vector_load_idx %arg10[%iota3A, %broadcast_in_dim3A_251] : memref<16x3072xf32, #tpu.memory_space<vmem>>[vector<16xi32>, vector<16xi32>], vector<16xf32>,
        %broadcast_in_dim3A_254 = arith.constant 5 : i32
        %broadcast_in_dim3A_255 = vector.broadcast %broadcast_in_dim3A_254 : i32 to vector<16xi32>
        %shift_left3A_256 = arith.constant 3 : i32
        %shift_left3A_257 = arith.shli %and3A_132, %shift_left3A_256 : i32
        %add3A_258 = vector.broadcast %shift_left3A_257 : i32 to vector<16xi32>
        %add3A_259 = arith.addi %broadcast_in_dim3A_255, %add3A_258 : vector<16xi32>
        tpu.vector_store_idx %arg11[%iota3A, %add3A_259], %gather3A_252 : memref<16x16xf32, #tpu.memory_space<vmem>>[vector<16xi32>, vector<16xi32>], vector<16xf32>,
        tpu.vector_store_idx %arg12[%iota3A, %add3A_259], %gather3A_253 : memref<16x16xf32, #tpu.memory_space<vmem>>[vector<16xi32>, vector<16xi32>], vector<16xf32>,
        %slice3A_260 = vector.extract_strided_slice %get3A_126 {offsets = [6], sizes = [1], strides = [1]} : vector<16xi32> to vector<1xi32>
        %squeeze3A_261 = vector.extract %slice3A_260[0] : i32 from vector<1xi32>
        %and3A_262 = arith.constant 127 : i32
        %and3A_263 = arith.andi %squeeze3A_261, %and3A_262 : i32
        %add3A_264 = arith.constant 1792 : i32
        %add3A_265 = arith.addi %and3A_263, %add3A_264 : i32
        %broadcast_in_dim3A_266 = vector.broadcast %add3A_265 : i32 to vector<16xi32>
        %slice3A_267 = vector.extract_strided_slice %get3A_130 {offsets = [6], sizes = [1], strides = [1]} : vector<16xi32> to vector<1xi32>
        %squeeze3A_268 = vector.extract %slice3A_267[0] : i32 from vector<1xi32>
        %and3A_269 = arith.constant 127 : i32
        %and3A_270 = arith.andi %squeeze3A_268, %and3A_269 : i32
        %add3A_271 = arith.constant 1792 : i32
        %add3A_272 = arith.addi %and3A_270, %add3A_271 : i32
        %broadcast_in_dim3A_273 = vector.broadcast %add3A_272 : i32 to vector<16xi32>
        %gather3A_274 = tpu.vector_load_idx %arg9[%iota3A, %broadcast_in_dim3A_266] : memref<16x3072xf32, #tpu.memory_space<vmem>>[vector<16xi32>, vector<16xi32>], vector<16xf32>,
        %gather3A_275 = tpu.vector_load_idx %arg10[%iota3A, %broadcast_in_dim3A_273] : memref<16x3072xf32, #tpu.memory_space<vmem>>[vector<16xi32>, vector<16xi32>], vector<16xf32>,
        %broadcast_in_dim3A_276 = arith.constant 6 : i32
        %broadcast_in_dim3A_277 = vector.broadcast %broadcast_in_dim3A_276 : i32 to vector<16xi32>
        %shift_left3A_278 = arith.constant 3 : i32
        %shift_left3A_279 = arith.shli %and3A_132, %shift_left3A_278 : i32
        %add3A_280 = vector.broadcast %shift_left3A_279 : i32 to vector<16xi32>
        %add3A_281 = arith.addi %broadcast_in_dim3A_277, %add3A_280 : vector<16xi32>
        tpu.vector_store_idx %arg11[%iota3A, %add3A_281], %gather3A_274 : memref<16x16xf32, #tpu.memory_space<vmem>>[vector<16xi32>, vector<16xi32>], vector<16xf32>,
        tpu.vector_store_idx %arg12[%iota3A, %add3A_281], %gather3A_275 : memref<16x16xf32, #tpu.memory_space<vmem>>[vector<16xi32>, vector<16xi32>], vector<16xf32>,
        %slice3A_282 = vector.extract_strided_slice %get3A_126 {offsets = [7], sizes = [1], strides = [1]} : vector<16xi32> to vector<1xi32>
        %squeeze3A_283 = vector.extract %slice3A_282[0] : i32 from vector<1xi32>
        %and3A_284 = arith.constant 127 : i32
        %and3A_285 = arith.andi %squeeze3A_283, %and3A_284 : i32
        %add3A_286 = arith.constant 1920 : i32
        %add3A_287 = arith.addi %and3A_285, %add3A_286 : i32
        %broadcast_in_dim3A_288 = vector.broadcast %add3A_287 : i32 to vector<16xi32>
        %slice3A_289 = vector.extract_strided_slice %get3A_130 {offsets = [7], sizes = [1], strides = [1]} : vector<16xi32> to vector<1xi32>
        %squeeze3A_290 = vector.extract %slice3A_289[0] : i32 from vector<1xi32>
        %and3A_291 = arith.constant 127 : i32
        %and3A_292 = arith.andi %squeeze3A_290, %and3A_291 : i32
        %add3A_293 = arith.constant 1920 : i32
        %add3A_294 = arith.addi %and3A_292, %add3A_293 : i32
        %broadcast_in_dim3A_295 = vector.broadcast %add3A_294 : i32 to vector<16xi32>
        %gather3A_296 = tpu.vector_load_idx %arg9[%iota3A, %broadcast_in_dim3A_288] : memref<16x3072xf32, #tpu.memory_space<vmem>>[vector<16xi32>, vector<16xi32>], vector<16xf32>,
        %gather3A_297 = tpu.vector_load_idx %arg10[%iota3A, %broadcast_in_dim3A_295] : memref<16x3072xf32, #tpu.memory_space<vmem>>[vector<16xi32>, vector<16xi32>], vector<16xf32>,
        %broadcast_in_dim3A_298 = arith.constant 7 : i32
        %broadcast_in_dim3A_299 = vector.broadcast %broadcast_in_dim3A_298 : i32 to vector<16xi32>
        %shift_left3A_300 = arith.constant 3 : i32
        %shift_left3A_301 = arith.shli %and3A_132, %shift_left3A_300 : i32
        %add3A_302 = vector.broadcast %shift_left3A_301 : i32 to vector<16xi32>
        %add3A_303 = arith.addi %broadcast_in_dim3A_299, %add3A_302 : vector<16xi32>
        tpu.vector_store_idx %arg11[%iota3A, %add3A_303], %gather3A_296 : memref<16x16xf32, #tpu.memory_space<vmem>>[vector<16xi32>, vector<16xi32>], vector<16xf32>,
        tpu.vector_store_idx %arg12[%iota3A, %add3A_303], %gather3A_297 : memref<16x16xf32, #tpu.memory_space<vmem>>[vector<16xi32>, vector<16xi32>], vector<16xf32>,
        %eq3A_304 = arith.constant 1 : i32
        %eq3A_305 = arith.cmpi eq, %and3A_132, %eq3A_304 : i32
        %convert_element_type3A_306 = arith.extui %eq3A_305 : i1 to i32
        %cond3A_307 = arith.constant 0 : i32
        %cond3A_308 = arith.cmpi ne, %convert_element_type3A_306, %cond3A_307 : i32
        scf.if %cond3A_308 {
          %broadcast_in_dim3A_309 = arith.constant 0.000000e+00 : f32
          %broadcast_in_dim3A_310 = vector.broadcast %broadcast_in_dim3A_309 : f32 to vector<16xf32>
          %get3A_311 = arith.constant 0 : i32
          %get3A_312 = arith.index_cast %get3A_311 : i32 to index
          %get3A_313 = arith.constant 0 : index
          %get3A_314 = tpu.vector_load %arg11[%get3A_312, %get3A_313] {strides = array<i32>} : memref<16x16xf32, #tpu.memory_space<vmem>>, vector<16xf32>,
          %get3A_315 = arith.constant 0 : i32
          %get3A_316 = arith.index_cast %get3A_315 : i32 to index
          %get3A_317 = arith.constant 0 : index
          %get3A_318 = tpu.vector_load %arg12[%get3A_316, %get3A_317] {strides = array<i32>} : memref<16x16xf32, #tpu.memory_space<vmem>>, vector<16xf32>,
          %mul3A_319 = arith.mulf %get3A_314, %get3A_318 : vector<16xf32>
          %add3A_320 = arith.addf %broadcast_in_dim3A_310, %mul3A_319 : vector<16xf32>
          %get3A_321 = arith.constant 1 : i32
          %get3A_322 = arith.index_cast %get3A_321 : i32 to index
          %get3A_323 = arith.constant 0 : index
          %get3A_324 = tpu.vector_load %arg11[%get3A_322, %get3A_323] {strides = array<i32>} : memref<16x16xf32, #tpu.memory_space<vmem>>, vector<16xf32>,
          %get3A_325 = arith.constant 1 : i32
          %get3A_326 = arith.index_cast %get3A_325 : i32 to index
          %get3A_327 = arith.constant 0 : index
          %get3A_328 = tpu.vector_load %arg12[%get3A_326, %get3A_327] {strides = array<i32>} : memref<16x16xf32, #tpu.memory_space<vmem>>, vector<16xf32>,
          %mul3A_329 = arith.mulf %get3A_324, %get3A_328 : vector<16xf32>
          %add3A_330 = arith.addf %add3A_320, %mul3A_329 : vector<16xf32>
          %get3A_331 = arith.constant 2 : i32
          %get3A_332 = arith.index_cast %get3A_331 : i32 to index
          %get3A_333 = arith.constant 0 : index
          %get3A_334 = tpu.vector_load %arg11[%get3A_332, %get3A_333] {strides = array<i32>} : memref<16x16xf32, #tpu.memory_space<vmem>>, vector<16xf32>,
          %get3A_335 = arith.constant 2 : i32
          %get3A_336 = arith.index_cast %get3A_335 : i32 to index
          %get3A_337 = arith.constant 0 : index
          %get3A_338 = tpu.vector_load %arg12[%get3A_336, %get3A_337] {strides = array<i32>} : memref<16x16xf32, #tpu.memory_space<vmem>>, vector<16xf32>,
          %mul3A_339 = arith.mulf %get3A_334, %get3A_338 : vector<16xf32>
          %add3A_340 = arith.addf %add3A_330, %mul3A_339 : vector<16xf32>
          %get3A_341 = arith.constant 3 : i32
          %get3A_342 = arith.index_cast %get3A_341 : i32 to index
          %get3A_343 = arith.constant 0 : index
          %get3A_344 = tpu.vector_load %arg11[%get3A_342, %get3A_343] {strides = array<i32>} : memref<16x16xf32, #tpu.memory_space<vmem>>, vector<16xf32>,
          %get3A_345 = arith.constant 3 : i32
          %get3A_346 = arith.index_cast %get3A_345 : i32 to index
          %get3A_347 = arith.constant 0 : index
          %get3A_348 = tpu.vector_load %arg12[%get3A_346, %get3A_347] {strides = array<i32>} : memref<16x16xf32, #tpu.memory_space<vmem>>, vector<16xf32>,
          %mul3A_349 = arith.mulf %get3A_344, %get3A_348 : vector<16xf32>
          %add3A_350 = arith.addf %add3A_340, %mul3A_349 : vector<16xf32>
          %get3A_351 = arith.constant 4 : i32
          %get3A_352 = arith.index_cast %get3A_351 : i32 to index
          %get3A_353 = arith.constant 0 : index
          %get3A_354 = tpu.vector_load %arg11[%get3A_352, %get3A_353] {strides = array<i32>} : memref<16x16xf32, #tpu.memory_space<vmem>>, vector<16xf32>,
          %get3A_355 = arith.constant 4 : i32
          %get3A_356 = arith.index_cast %get3A_355 : i32 to index
          %get3A_357 = arith.constant 0 : index
          %get3A_358 = tpu.vector_load %arg12[%get3A_356, %get3A_357] {strides = array<i32>} : memref<16x16xf32, #tpu.memory_space<vmem>>, vector<16xf32>,
          %mul3A_359 = arith.mulf %get3A_354, %get3A_358 : vector<16xf32>
          %add3A_360 = arith.addf %add3A_350, %mul3A_359 : vector<16xf32>
          %get3A_361 = arith.constant 5 : i32
          %get3A_362 = arith.index_cast %get3A_361 : i32 to index
          %get3A_363 = arith.constant 0 : index
          %get3A_364 = tpu.vector_load %arg11[%get3A_362, %get3A_363] {strides = array<i32>} : memref<16x16xf32, #tpu.memory_space<vmem>>, vector<16xf32>,
          %get3A_365 = arith.constant 5 : i32
          %get3A_366 = arith.index_cast %get3A_365 : i32 to index
          %get3A_367 = arith.constant 0 : index
          %get3A_368 = tpu.vector_load %arg12[%get3A_366, %get3A_367] {strides = array<i32>} : memref<16x16xf32, #tpu.memory_space<vmem>>, vector<16xf32>,
          %mul3A_369 = arith.mulf %get3A_364, %get3A_368 : vector<16xf32>
          %add3A_370 = arith.addf %add3A_360, %mul3A_369 : vector<16xf32>
          %get3A_371 = arith.constant 6 : i32
          %get3A_372 = arith.index_cast %get3A_371 : i32 to index
          %get3A_373 = arith.constant 0 : index
          %get3A_374 = tpu.vector_load %arg11[%get3A_372, %get3A_373] {strides = array<i32>} : memref<16x16xf32, #tpu.memory_space<vmem>>, vector<16xf32>,
          %get3A_375 = arith.constant 6 : i32
          %get3A_376 = arith.index_cast %get3A_375 : i32 to index
          %get3A_377 = arith.constant 0 : index
          %get3A_378 = tpu.vector_load %arg12[%get3A_376, %get3A_377] {strides = array<i32>} : memref<16x16xf32, #tpu.memory_space<vmem>>, vector<16xf32>,
          %mul3A_379 = arith.mulf %get3A_374, %get3A_378 : vector<16xf32>
          %add3A_380 = arith.addf %add3A_370, %mul3A_379 : vector<16xf32>
          %get3A_381 = arith.constant 7 : i32
          %get3A_382 = arith.index_cast %get3A_381 : i32 to index
          %get3A_383 = arith.constant 0 : index
          %get3A_384 = tpu.vector_load %arg11[%get3A_382, %get3A_383] {strides = array<i32>} : memref<16x16xf32, #tpu.memory_space<vmem>>, vector<16xf32>,
          %get3A_385 = arith.constant 7 : i32
          %get3A_386 = arith.index_cast %get3A_385 : i32 to index
          %get3A_387 = arith.constant 0 : index
          %get3A_388 = tpu.vector_load %arg12[%get3A_386, %get3A_387] {strides = array<i32>} : memref<16x16xf32, #tpu.memory_space<vmem>>, vector<16xf32>,
          %mul3A_389 = arith.mulf %get3A_384, %get3A_388 : vector<16xf32>
          %add3A_390 = arith.addf %add3A_380, %mul3A_389 : vector<16xf32>
          %get3A_391 = arith.constant 8 : i32
          %get3A_392 = arith.index_cast %get3A_391 : i32 to index
          %get3A_393 = arith.constant 0 : index
          %get3A_394 = tpu.vector_load %arg11[%get3A_392, %get3A_393] {strides = array<i32>} : memref<16x16xf32, #tpu.memory_space<vmem>>, vector<16xf32>,
          %get3A_395 = arith.constant 8 : i32
          %get3A_396 = arith.index_cast %get3A_395 : i32 to index
          %get3A_397 = arith.constant 0 : index
          %get3A_398 = tpu.vector_load %arg12[%get3A_396, %get3A_397] {strides = array<i32>} : memref<16x16xf32, #tpu.memory_space<vmem>>, vector<16xf32>,
          %mul3A_399 = arith.mulf %get3A_394, %get3A_398 : vector<16xf32>
          %add3A_400 = arith.addf %add3A_390, %mul3A_399 : vector<16xf32>
          %get3A_401 = arith.constant 9 : i32
          %get3A_402 = arith.index_cast %get3A_401 : i32 to index
          %get3A_403 = arith.constant 0 : index
          %get3A_404 = tpu.vector_load %arg11[%get3A_402, %get3A_403] {strides = array<i32>} : memref<16x16xf32, #tpu.memory_space<vmem>>, vector<16xf32>,
          %get3A_405 = arith.constant 9 : i32
          %get3A_406 = arith.index_cast %get3A_405 : i32 to index
          %get3A_407 = arith.constant 0 : index
          %get3A_408 = tpu.vector_load %arg12[%get3A_406, %get3A_407] {strides = array<i32>} : memref<16x16xf32, #tpu.memory_space<vmem>>, vector<16xf32>,
          %mul3A_409 = arith.mulf %get3A_404, %get3A_408 : vector<16xf32>
          %add3A_410 = arith.addf %add3A_400, %mul3A_409 : vector<16xf32>
          %get3A_411 = arith.constant 10 : i32
          %get3A_412 = arith.index_cast %get3A_411 : i32 to index
          %get3A_413 = arith.constant 0 : index
          %get3A_414 = tpu.vector_load %arg11[%get3A_412, %get3A_413] {strides = array<i32>} : memref<16x16xf32, #tpu.memory_space<vmem>>, vector<16xf32>,
          %get3A_415 = arith.constant 10 : i32
          %get3A_416 = arith.index_cast %get3A_415 : i32 to index
          %get3A_417 = arith.constant 0 : index
          %get3A_418 = tpu.vector_load %arg12[%get3A_416, %get3A_417] {strides = array<i32>} : memref<16x16xf32, #tpu.memory_space<vmem>>, vector<16xf32>,
          %mul3A_419 = arith.mulf %get3A_414, %get3A_418 : vector<16xf32>
          %add3A_420 = arith.addf %add3A_410, %mul3A_419 : vector<16xf32>
          %get3A_421 = arith.constant 11 : i32
          %get3A_422 = arith.index_cast %get3A_421 : i32 to index
          %get3A_423 = arith.constant 0 : index
          %get3A_424 = tpu.vector_load %arg11[%get3A_422, %get3A_423] {strides = array<i32>} : memref<16x16xf32, #tpu.memory_space<vmem>>, vector<16xf32>,
          %get3A_425 = arith.constant 11 : i32
          %get3A_426 = arith.index_cast %get3A_425 : i32 to index
          %get3A_427 = arith.constant 0 : index
          %get3A_428 = tpu.vector_load %arg12[%get3A_426, %get3A_427] {strides = array<i32>} : memref<16x16xf32, #tpu.memory_space<vmem>>, vector<16xf32>,
          %mul3A_429 = arith.mulf %get3A_424, %get3A_428 : vector<16xf32>
          %add3A_430 = arith.addf %add3A_420, %mul3A_429 : vector<16xf32>
          %get3A_431 = arith.constant 12 : i32
          %get3A_432 = arith.index_cast %get3A_431 : i32 to index
          %get3A_433 = arith.constant 0 : index
          %get3A_434 = tpu.vector_load %arg11[%get3A_432, %get3A_433] {strides = array<i32>} : memref<16x16xf32, #tpu.memory_space<vmem>>, vector<16xf32>,
          %get3A_435 = arith.constant 12 : i32
          %get3A_436 = arith.index_cast %get3A_435 : i32 to index
          %get3A_437 = arith.constant 0 : index
          %get3A_438 = tpu.vector_load %arg12[%get3A_436, %get3A_437] {strides = array<i32>} : memref<16x16xf32, #tpu.memory_space<vmem>>, vector<16xf32>,
          %mul3A_439 = arith.mulf %get3A_434, %get3A_438 : vector<16xf32>
          %add3A_440 = arith.addf %add3A_430, %mul3A_439 : vector<16xf32>
          %get3A_441 = arith.constant 13 : i32
          %get3A_442 = arith.index_cast %get3A_441 : i32 to index
          %get3A_443 = arith.constant 0 : index
          %get3A_444 = tpu.vector_load %arg11[%get3A_442, %get3A_443] {strides = array<i32>} : memref<16x16xf32, #tpu.memory_space<vmem>>, vector<16xf32>,
          %get3A_445 = arith.constant 13 : i32
          %get3A_446 = arith.index_cast %get3A_445 : i32 to index
          %get3A_447 = arith.constant 0 : index
          %get3A_448 = tpu.vector_load %arg12[%get3A_446, %get3A_447] {strides = array<i32>} : memref<16x16xf32, #tpu.memory_space<vmem>>, vector<16xf32>,
          %mul3A_449 = arith.mulf %get3A_444, %get3A_448 : vector<16xf32>
          %add3A_450 = arith.addf %add3A_440, %mul3A_449 : vector<16xf32>
          %get3A_451 = arith.constant 14 : i32
          %get3A_452 = arith.index_cast %get3A_451 : i32 to index
          %get3A_453 = arith.constant 0 : index
          %get3A_454 = tpu.vector_load %arg11[%get3A_452, %get3A_453] {strides = array<i32>} : memref<16x16xf32, #tpu.memory_space<vmem>>, vector<16xf32>,
          %get3A_455 = arith.constant 14 : i32
          %get3A_456 = arith.index_cast %get3A_455 : i32 to index
          %get3A_457 = arith.constant 0 : index
          %get3A_458 = tpu.vector_load %arg12[%get3A_456, %get3A_457] {strides = array<i32>} : memref<16x16xf32, #tpu.memory_space<vmem>>, vector<16xf32>,
          %mul3A_459 = arith.mulf %get3A_454, %get3A_458 : vector<16xf32>
          %add3A_460 = arith.addf %add3A_450, %mul3A_459 : vector<16xf32>
          %get3A_461 = arith.constant 15 : i32
          %get3A_462 = arith.index_cast %get3A_461 : i32 to index
          %get3A_463 = arith.constant 0 : index
          %get3A_464 = tpu.vector_load %arg11[%get3A_462, %get3A_463] {strides = array<i32>} : memref<16x16xf32, #tpu.memory_space<vmem>>, vector<16xf32>,
          %get3A_465 = arith.constant 15 : i32
          %get3A_466 = arith.index_cast %get3A_465 : i32 to index
          %get3A_467 = arith.constant 0 : index
          %get3A_468 = tpu.vector_load %arg12[%get3A_466, %get3A_467] {strides = array<i32>} : memref<16x16xf32, #tpu.memory_space<vmem>>, vector<16xf32>,
          %mul3A_469 = arith.mulf %get3A_464, %get3A_468 : vector<16xf32>
          %add3A_470 = arith.addf %add3A_460, %mul3A_469 : vector<16xf32>
          %shift_right_arithmetic3A = arith.constant 1 : i32
          %shift_right_arithmetic3A_471 = arith.shrsi %sub3A_100, %shift_right_arithmetic3A : i32
          %mul3A_472 = arith.constant 16 : i32
          %mul3A_473 = arith.muli %shift_right_arithmetic3A_471, %mul3A_472 : i32
          %swap3A = arith.index_cast %mul3A_473 : i32 to index
          %swap3A_474 = tpu.vector_load %arg13[%swap3A] {strides = array<i32>} : memref<512xf32, #tpu.memory_space<vmem>>, vector<16xf32>,
          tpu.vector_store %arg13[%swap3A], %add3A_470 {strides = array<i32>} : memref<512xf32, #tpu.memory_space<vmem>>, vector<16xf32>,
        } else {
        }
      } else {
      }
      %eq3A_83 = arith.constant 2 : i32
      %eq3A_84 = arith.cmpi eq, %sub3A_26, %eq3A_83 : i32
      %lt3A_85 = arith.constant 64 : i32
      %lt3A_86 = arith.cmpi slt, %scan3A_7, %lt3A_85 : i32
      %and3A_87 = arith.andi %eq3A_84, %lt3A_86 : i1
      %convert_element_type3A_88 = arith.extui %and3A_87 : i1 to i32
      %cond3A_89 = arith.constant 0 : i32
      %cond3A_90 = arith.cmpi ne, %convert_element_type3A_88, %cond3A_89 : i32
      scf.if %cond3A_90 {
        %mul3A_99 = arith.constant 8 : i32
        %mul3A_100 = arith.muli %scan3A_7, %mul3A_99 : i32
        %get3A = arith.index_cast %mul3A_100 : i32 to index
        %get3A_101 = tpu.vector_load %arg7[%get3A] {strides = array<i32>} : memref<528xi32, #tpu.memory_space<vmem>>, vector<16xi32>,
        %mul3A_102 = arith.constant 8 : i32
        %mul3A_103 = arith.muli %scan3A_7, %mul3A_102 : i32
        %get3A_104 = arith.index_cast %mul3A_103 : i32 to index
        %get3A_105 = tpu.vector_load %arg8[%get3A_104] {strides = array<i32>} : memref<528xi32, #tpu.memory_space<vmem>>, vector<16xi32>,
        %slice3A = vector.extract_strided_slice %get3A_101 {offsets = [0], sizes = [1], strides = [1]} : vector<16xi32> to vector<1xi32>
        %squeeze3A = vector.extract %slice3A[0] : i32 from vector<1xi32>
        %shift_right_arithmetic3A = arith.constant 7 : i32
        %shift_right_arithmetic3A_106 = arith.shrsi %squeeze3A, %shift_right_arithmetic3A : i32
        %mul3A_107 = arith.constant 128 : i32
        %mul3A_108 = arith.muli %shift_right_arithmetic3A_106, %mul3A_107 : i32
        %multiple_of3A = tpu.assume_multiple %mul3A_108, 128 : i32
        %slice3A_109 = vector.extract_strided_slice %get3A_105 {offsets = [0], sizes = [1], strides = [1]} : vector<16xi32> to vector<1xi32>
        %squeeze3A_110 = vector.extract %slice3A_109[0] : i32 from vector<1xi32>
        %shift_right_arithmetic3A_111 = arith.constant 7 : i32
        %shift_right_arithmetic3A_112 = arith.shrsi %squeeze3A_110, %shift_right_arithmetic3A_111 : i32
        %mul3A_113 = arith.constant 128 : i32
        %mul3A_114 = arith.muli %shift_right_arithmetic3A_112, %mul3A_113 : i32
        %multiple_of3A_115 = tpu.assume_multiple %mul3A_114, 128 : i32
        %dma_start3A = arith.constant 0 : i32
        %dma_start3A_116 = arith.constant 2048 : i32
        %dma_start3A_117 = tpu.memref_slice %arg9[%dma_start3A, %dma_start3A_116] : memref<16x3072xf32, #tpu.memory_space<vmem>> -> memref<16x128xf32, #tpu.memory_space<vmem>>
        %dma_start3A_118 = arith.constant 0 : i32
        %dma_start3A_119 = tpu.memref_slice %arg4[%dma_start3A_118, %multiple_of3A] : memref<16x1000000xf32, #tpu.memory_space<hbm>> -> memref<16x128xf32, #tpu.memory_space<hbm>>
        %dma_start3A_120 = arith.constant 0 : i32
        %dma_start3A_121 = arith.constant 2048 : i32
        %dma_start3A_122 = tpu.memref_slice %arg9[%dma_start3A_120, %dma_start3A_121] : memref<16x3072xf32, #tpu.memory_space<vmem>> -> memref<16x128xf32, #tpu.memory_space<vmem>>
        %dma_start3A_123 = arith.constant 0 : i32
        %dma_start3A_124 = tpu.memref_slice %arg4[%dma_start3A_123, %multiple_of3A] : memref<16x1000000xf32, #tpu.memory_space<hbm>> -> memref<16x128xf32, #tpu.memory_space<hbm>>
        tpu.enqueue_dma source(%dma_start3A_124 : memref<16x128xf32, #tpu.memory_space<hbm>>) target(%dma_start3A_122 : memref<16x128xf32, #tpu.memory_space<vmem>>) target_semaphore(%arg16 : memref<!tpu.dma_semaphore, #tpu.memory_space<semaphore_mem>>)
        %dma_start3A_125 = arith.constant 0 : i32
        %dma_start3A_126 = arith.constant 2048 : i32
        %dma_start3A_127 = tpu.memref_slice %arg10[%dma_start3A_125, %dma_start3A_126] : memref<16x3072xf32, #tpu.memory_space<vmem>> -> memref<16x128xf32, #tpu.memory_space<vmem>>
        %dma_start3A_128 = arith.constant 0 : i32
        %dma_start3A_129 = tpu.memref_slice %arg5[%dma_start3A_128, %multiple_of3A_115] : memref<16x1000000xf32, #tpu.memory_space<hbm>> -> memref<16x128xf32, #tpu.memory_space<hbm>>
        %dma_start3A_130 = arith.constant 0 : i32
        %dma_start3A_131 = arith.constant 2048 : i32
        %dma_start3A_132 = tpu.memref_slice %arg10[%dma_start3A_130, %dma_start3A_131] : memref<16x3072xf32, #tpu.memory_space<vmem>> -> memref<16x128xf32, #tpu.memory_space<vmem>>
        %dma_start3A_133 = arith.constant 0 : i32
        %dma_start3A_134 = tpu.memref_slice %arg5[%dma_start3A_133, %multiple_of3A_115] : memref<16x1000000xf32, #tpu.memory_space<hbm>> -> memref<16x128xf32, #tpu.memory_space<hbm>>
        tpu.enqueue_dma source(%dma_start3A_134 : memref<16x128xf32, #tpu.memory_space<hbm>>) target(%dma_start3A_132 : memref<16x128xf32, #tpu.memory_space<vmem>>) target_semaphore(%arg19 : memref<!tpu.dma_semaphore, #tpu.memory_space<semaphore_mem>>)
        %slice3A_135 = vector.extract_strided_slice %get3A_101 {offsets = [1], sizes = [1], strides = [1]} : vector<16xi32> to vector<1xi32>
        %squeeze3A_136 = vector.extract %slice3A_135[0] : i32 from vector<1xi32>
        %shift_right_arithmetic3A_137 = arith.constant 7 : i32
        %shift_right_arithmetic3A_138 = arith.shrsi %squeeze3A_136, %shift_right_arithmetic3A_137 : i32
        %mul3A_139 = arith.constant 128 : i32
        %mul3A_140 = arith.muli %shift_right_arithmetic3A_138, %mul3A_139 : i32
        %multiple_of3A_141 = tpu.assume_multiple %mul3A_140, 128 : i32
        %slice3A_142 = vector.extract_strided_slice %get3A_105 {offsets = [1], sizes = [1], strides = [1]} : vector<16xi32> to vector<1xi32>
        %squeeze3A_143 = vector.extract %slice3A_142[0] : i32 from vector<1xi32>
        %shift_right_arithmetic3A_144 = arith.constant 7 : i32
        %shift_right_arithmetic3A_145 = arith.shrsi %squeeze3A_143, %shift_right_arithmetic3A_144 : i32
        %mul3A_146 = arith.constant 128 : i32
        %mul3A_147 = arith.muli %shift_right_arithmetic3A_145, %mul3A_146 : i32
        %multiple_of3A_148 = tpu.assume_multiple %mul3A_147, 128 : i32
        %dma_start3A_149 = arith.constant 0 : i32
        %dma_start3A_150 = arith.constant 2176 : i32
        %dma_start3A_151 = tpu.memref_slice %arg9[%dma_start3A_149, %dma_start3A_150] : memref<16x3072xf32, #tpu.memory_space<vmem>> -> memref<16x128xf32, #tpu.memory_space<vmem>>
        %dma_start3A_152 = arith.constant 0 : i32
        %dma_start3A_153 = tpu.memref_slice %arg4[%dma_start3A_152, %multiple_of3A_141] : memref<16x1000000xf32, #tpu.memory_space<hbm>> -> memref<16x128xf32, #tpu.memory_space<hbm>>
        %dma_start3A_154 = arith.constant 0 : i32
        %dma_start3A_155 = arith.constant 2176 : i32
        %dma_start3A_156 = tpu.memref_slice %arg9[%dma_start3A_154, %dma_start3A_155] : memref<16x3072xf32, #tpu.memory_space<vmem>> -> memref<16x128xf32, #tpu.memory_space<vmem>>
        %dma_start3A_157 = arith.constant 0 : i32
        %dma_start3A_158 = tpu.memref_slice %arg4[%dma_start3A_157, %multiple_of3A_141] : memref<16x1000000xf32, #tpu.memory_space<hbm>> -> memref<16x128xf32, #tpu.memory_space<hbm>>
        tpu.enqueue_dma source(%dma_start3A_158 : memref<16x128xf32, #tpu.memory_space<hbm>>) target(%dma_start3A_156 : memref<16x128xf32, #tpu.memory_space<vmem>>) target_semaphore(%arg16 : memref<!tpu.dma_semaphore, #tpu.memory_space<semaphore_mem>>)
        %dma_start3A_159 = arith.constant 0 : i32
        %dma_start3A_160 = arith.constant 2176 : i32
        %dma_start3A_161 = tpu.memref_slice %arg10[%dma_start3A_159, %dma_start3A_160] : memref<16x3072xf32, #tpu.memory_space<vmem>> -> memref<16x128xf32, #tpu.memory_space<vmem>>
        %dma_start3A_162 = arith.constant 0 : i32
        %dma_start3A_163 = tpu.memref_slice %arg5[%dma_start3A_162, %multiple_of3A_148] : memref<16x1000000xf32, #tpu.memory_space<hbm>> -> memref<16x128xf32, #tpu.memory_space<hbm>>
        %dma_start3A_164 = arith.constant 0 : i32
        %dma_start3A_165 = arith.constant 2176 : i32
        %dma_start3A_166 = tpu.memref_slice %arg10[%dma_start3A_164, %dma_start3A_165] : memref<16x3072xf32, #tpu.memory_space<vmem>> -> memref<16x128xf32, #tpu.memory_space<vmem>>
        %dma_start3A_167 = arith.constant 0 : i32
        %dma_start3A_168 = tpu.memref_slice %arg5[%dma_start3A_167, %multiple_of3A_148] : memref<16x1000000xf32, #tpu.memory_space<hbm>> -> memref<16x128xf32, #tpu.memory_space<hbm>>
        tpu.enqueue_dma source(%dma_start3A_168 : memref<16x128xf32, #tpu.memory_space<hbm>>) target(%dma_start3A_166 : memref<16x128xf32, #tpu.memory_space<vmem>>) target_semaphore(%arg19 : memref<!tpu.dma_semaphore, #tpu.memory_space<semaphore_mem>>)
        %slice3A_169 = vector.extract_strided_slice %get3A_101 {offsets = [2], sizes = [1], strides = [1]} : vector<16xi32> to vector<1xi32>
        %squeeze3A_170 = vector.extract %slice3A_169[0] : i32 from vector<1xi32>
        %shift_right_arithmetic3A_171 = arith.constant 7 : i32
        %shift_right_arithmetic3A_172 = arith.shrsi %squeeze3A_170, %shift_right_arithmetic3A_171 : i32
        %mul3A_173 = arith.constant 128 : i32
        %mul3A_174 = arith.muli %shift_right_arithmetic3A_172, %mul3A_173 : i32
        %multiple_of3A_175 = tpu.assume_multiple %mul3A_174, 128 : i32
        %slice3A_176 = vector.extract_strided_slice %get3A_105 {offsets = [2], sizes = [1], strides = [1]} : vector<16xi32> to vector<1xi32>
        %squeeze3A_177 = vector.extract %slice3A_176[0] : i32 from vector<1xi32>
        %shift_right_arithmetic3A_178 = arith.constant 7 : i32
        %shift_right_arithmetic3A_179 = arith.shrsi %squeeze3A_177, %shift_right_arithmetic3A_178 : i32
        %mul3A_180 = arith.constant 128 : i32
        %mul3A_181 = arith.muli %shift_right_arithmetic3A_179, %mul3A_180 : i32
        %multiple_of3A_182 = tpu.assume_multiple %mul3A_181, 128 : i32
        %dma_start3A_183 = arith.constant 0 : i32
        %dma_start3A_184 = arith.constant 2304 : i32
        %dma_start3A_185 = tpu.memref_slice %arg9[%dma_start3A_183, %dma_start3A_184] : memref<16x3072xf32, #tpu.memory_space<vmem>> -> memref<16x128xf32, #tpu.memory_space<vmem>>
        %dma_start3A_186 = arith.constant 0 : i32
        %dma_start3A_187 = tpu.memref_slice %arg4[%dma_start3A_186, %multiple_of3A_175] : memref<16x1000000xf32, #tpu.memory_space<hbm>> -> memref<16x128xf32, #tpu.memory_space<hbm>>
        %dma_start3A_188 = arith.constant 0 : i32
        %dma_start3A_189 = arith.constant 2304 : i32
        %dma_start3A_190 = tpu.memref_slice %arg9[%dma_start3A_188, %dma_start3A_189] : memref<16x3072xf32, #tpu.memory_space<vmem>> -> memref<16x128xf32, #tpu.memory_space<vmem>>
        %dma_start3A_191 = arith.constant 0 : i32
        %dma_start3A_192 = tpu.memref_slice %arg4[%dma_start3A_191, %multiple_of3A_175] : memref<16x1000000xf32, #tpu.memory_space<hbm>> -> memref<16x128xf32, #tpu.memory_space<hbm>>
        tpu.enqueue_dma source(%dma_start3A_192 : memref<16x128xf32, #tpu.memory_space<hbm>>) target(%dma_start3A_190 : memref<16x128xf32, #tpu.memory_space<vmem>>) target_semaphore(%arg16 : memref<!tpu.dma_semaphore, #tpu.memory_space<semaphore_mem>>)
        %dma_start3A_193 = arith.constant 0 : i32
        %dma_start3A_194 = arith.constant 2304 : i32
        %dma_start3A_195 = tpu.memref_slice %arg10[%dma_start3A_193, %dma_start3A_194] : memref<16x3072xf32, #tpu.memory_space<vmem>> -> memref<16x128xf32, #tpu.memory_space<vmem>>
        %dma_start3A_196 = arith.constant 0 : i32
        %dma_start3A_197 = tpu.memref_slice %arg5[%dma_start3A_196, %multiple_of3A_182] : memref<16x1000000xf32, #tpu.memory_space<hbm>> -> memref<16x128xf32, #tpu.memory_space<hbm>>
        %dma_start3A_198 = arith.constant 0 : i32
        %dma_start3A_199 = arith.constant 2304 : i32
        %dma_start3A_200 = tpu.memref_slice %arg10[%dma_start3A_198, %dma_start3A_199] : memref<16x3072xf32, #tpu.memory_space<vmem>> -> memref<16x128xf32, #tpu.memory_space<vmem>>
        %dma_start3A_201 = arith.constant 0 : i32
        %dma_start3A_202 = tpu.memref_slice %arg5[%dma_start3A_201, %multiple_of3A_182] : memref<16x1000000xf32, #tpu.memory_space<hbm>> -> memref<16x128xf32, #tpu.memory_space<hbm>>
        tpu.enqueue_dma source(%dma_start3A_202 : memref<16x128xf32, #tpu.memory_space<hbm>>) target(%dma_start3A_200 : memref<16x128xf32, #tpu.memory_space<vmem>>) target_semaphore(%arg19 : memref<!tpu.dma_semaphore, #tpu.memory_space<semaphore_mem>>)
        %slice3A_203 = vector.extract_strided_slice %get3A_101 {offsets = [3], sizes = [1], strides = [1]} : vector<16xi32> to vector<1xi32>
        %squeeze3A_204 = vector.extract %slice3A_203[0] : i32 from vector<1xi32>
        %shift_right_arithmetic3A_205 = arith.constant 7 : i32
        %shift_right_arithmetic3A_206 = arith.shrsi %squeeze3A_204, %shift_right_arithmetic3A_205 : i32
        %mul3A_207 = arith.constant 128 : i32
        %mul3A_208 = arith.muli %shift_right_arithmetic3A_206, %mul3A_207 : i32
        %multiple_of3A_209 = tpu.assume_multiple %mul3A_208, 128 : i32
        %slice3A_210 = vector.extract_strided_slice %get3A_105 {offsets = [3], sizes = [1], strides = [1]} : vector<16xi32> to vector<1xi32>
        %squeeze3A_211 = vector.extract %slice3A_210[0] : i32 from vector<1xi32>
        %shift_right_arithmetic3A_212 = arith.constant 7 : i32
        %shift_right_arithmetic3A_213 = arith.shrsi %squeeze3A_211, %shift_right_arithmetic3A_212 : i32
        %mul3A_214 = arith.constant 128 : i32
        %mul3A_215 = arith.muli %shift_right_arithmetic3A_213, %mul3A_214 : i32
        %multiple_of3A_216 = tpu.assume_multiple %mul3A_215, 128 : i32
        %dma_start3A_217 = arith.constant 0 : i32
        %dma_start3A_218 = arith.constant 2432 : i32
        %dma_start3A_219 = tpu.memref_slice %arg9[%dma_start3A_217, %dma_start3A_218] : memref<16x3072xf32, #tpu.memory_space<vmem>> -> memref<16x128xf32, #tpu.memory_space<vmem>>
        %dma_start3A_220 = arith.constant 0 : i32
        %dma_start3A_221 = tpu.memref_slice %arg4[%dma_start3A_220, %multiple_of3A_209] : memref<16x1000000xf32, #tpu.memory_space<hbm>> -> memref<16x128xf32, #tpu.memory_space<hbm>>
        %dma_start3A_222 = arith.constant 0 : i32
        %dma_start3A_223 = arith.constant 2432 : i32
        %dma_start3A_224 = tpu.memref_slice %arg9[%dma_start3A_222, %dma_start3A_223] : memref<16x3072xf32, #tpu.memory_space<vmem>> -> memref<16x128xf32, #tpu.memory_space<vmem>>
        %dma_start3A_225 = arith.constant 0 : i32
        %dma_start3A_226 = tpu.memref_slice %arg4[%dma_start3A_225, %multiple_of3A_209] : memref<16x1000000xf32, #tpu.memory_space<hbm>> -> memref<16x128xf32, #tpu.memory_space<hbm>>
        tpu.enqueue_dma source(%dma_start3A_226 : memref<16x128xf32, #tpu.memory_space<hbm>>) target(%dma_start3A_224 : memref<16x128xf32, #tpu.memory_space<vmem>>) target_semaphore(%arg16 : memref<!tpu.dma_semaphore, #tpu.memory_space<semaphore_mem>>)
        %dma_start3A_227 = arith.constant 0 : i32
        %dma_start3A_228 = arith.constant 2432 : i32
        %dma_start3A_229 = tpu.memref_slice %arg10[%dma_start3A_227, %dma_start3A_228] : memref<16x3072xf32, #tpu.memory_space<vmem>> -> memref<16x128xf32, #tpu.memory_space<vmem>>
        %dma_start3A_230 = arith.constant 0 : i32
        %dma_start3A_231 = tpu.memref_slice %arg5[%dma_start3A_230, %multiple_of3A_216] : memref<16x1000000xf32, #tpu.memory_space<hbm>> -> memref<16x128xf32, #tpu.memory_space<hbm>>
        %dma_start3A_232 = arith.constant 0 : i32
        %dma_start3A_233 = arith.constant 2432 : i32
        %dma_start3A_234 = tpu.memref_slice %arg10[%dma_start3A_232, %dma_start3A_233] : memref<16x3072xf32, #tpu.memory_space<vmem>> -> memref<16x128xf32, #tpu.memory_space<vmem>>
        %dma_start3A_235 = arith.constant 0 : i32
        %dma_start3A_236 = tpu.memref_slice %arg5[%dma_start3A_235, %multiple_of3A_216] : memref<16x1000000xf32, #tpu.memory_space<hbm>> -> memref<16x128xf32, #tpu.memory_space<hbm>>
        tpu.enqueue_dma source(%dma_start3A_236 : memref<16x128xf32, #tpu.memory_space<hbm>>) target(%dma_start3A_234 : memref<16x128xf32, #tpu.memory_space<vmem>>) target_semaphore(%arg19 : memref<!tpu.dma_semaphore, #tpu.memory_space<semaphore_mem>>)
        %slice3A_237 = vector.extract_strided_slice %get3A_101 {offsets = [4], sizes = [1], strides = [1]} : vector<16xi32> to vector<1xi32>
        %squeeze3A_238 = vector.extract %slice3A_237[0] : i32 from vector<1xi32>
        %shift_right_arithmetic3A_239 = arith.constant 7 : i32
        %shift_right_arithmetic3A_240 = arith.shrsi %squeeze3A_238, %shift_right_arithmetic3A_239 : i32
        %mul3A_241 = arith.constant 128 : i32
        %mul3A_242 = arith.muli %shift_right_arithmetic3A_240, %mul3A_241 : i32
        %multiple_of3A_243 = tpu.assume_multiple %mul3A_242, 128 : i32
        %slice3A_244 = vector.extract_strided_slice %get3A_105 {offsets = [4], sizes = [1], strides = [1]} : vector<16xi32> to vector<1xi32>
        %squeeze3A_245 = vector.extract %slice3A_244[0] : i32 from vector<1xi32>
        %shift_right_arithmetic3A_246 = arith.constant 7 : i32
        %shift_right_arithmetic3A_247 = arith.shrsi %squeeze3A_245, %shift_right_arithmetic3A_246 : i32
        %mul3A_248 = arith.constant 128 : i32
        %mul3A_249 = arith.muli %shift_right_arithmetic3A_247, %mul3A_248 : i32
        %multiple_of3A_250 = tpu.assume_multiple %mul3A_249, 128 : i32
        %dma_start3A_251 = arith.constant 0 : i32
        %dma_start3A_252 = arith.constant 2560 : i32
        %dma_start3A_253 = tpu.memref_slice %arg9[%dma_start3A_251, %dma_start3A_252] : memref<16x3072xf32, #tpu.memory_space<vmem>> -> memref<16x128xf32, #tpu.memory_space<vmem>>
        %dma_start3A_254 = arith.constant 0 : i32
        %dma_start3A_255 = tpu.memref_slice %arg4[%dma_start3A_254, %multiple_of3A_243] : memref<16x1000000xf32, #tpu.memory_space<hbm>> -> memref<16x128xf32, #tpu.memory_space<hbm>>
        %dma_start3A_256 = arith.constant 0 : i32
        %dma_start3A_257 = arith.constant 2560 : i32
        %dma_start3A_258 = tpu.memref_slice %arg9[%dma_start3A_256, %dma_start3A_257] : memref<16x3072xf32, #tpu.memory_space<vmem>> -> memref<16x128xf32, #tpu.memory_space<vmem>>
        %dma_start3A_259 = arith.constant 0 : i32
        %dma_start3A_260 = tpu.memref_slice %arg4[%dma_start3A_259, %multiple_of3A_243] : memref<16x1000000xf32, #tpu.memory_space<hbm>> -> memref<16x128xf32, #tpu.memory_space<hbm>>
        tpu.enqueue_dma source(%dma_start3A_260 : memref<16x128xf32, #tpu.memory_space<hbm>>) target(%dma_start3A_258 : memref<16x128xf32, #tpu.memory_space<vmem>>) target_semaphore(%arg16 : memref<!tpu.dma_semaphore, #tpu.memory_space<semaphore_mem>>)
        %dma_start3A_261 = arith.constant 0 : i32
        %dma_start3A_262 = arith.constant 2560 : i32
        %dma_start3A_263 = tpu.memref_slice %arg10[%dma_start3A_261, %dma_start3A_262] : memref<16x3072xf32, #tpu.memory_space<vmem>> -> memref<16x128xf32, #tpu.memory_space<vmem>>
        %dma_start3A_264 = arith.constant 0 : i32
        %dma_start3A_265 = tpu.memref_slice %arg5[%dma_start3A_264, %multiple_of3A_250] : memref<16x1000000xf32, #tpu.memory_space<hbm>> -> memref<16x128xf32, #tpu.memory_space<hbm>>
        %dma_start3A_266 = arith.constant 0 : i32
        %dma_start3A_267 = arith.constant 2560 : i32
        %dma_start3A_268 = tpu.memref_slice %arg10[%dma_start3A_266, %dma_start3A_267] : memref<16x3072xf32, #tpu.memory_space<vmem>> -> memref<16x128xf32, #tpu.memory_space<vmem>>
        %dma_start3A_269 = arith.constant 0 : i32
        %dma_start3A_270 = tpu.memref_slice %arg5[%dma_start3A_269, %multiple_of3A_250] : memref<16x1000000xf32, #tpu.memory_space<hbm>> -> memref<16x128xf32, #tpu.memory_space<hbm>>
        tpu.enqueue_dma source(%dma_start3A_270 : memref<16x128xf32, #tpu.memory_space<hbm>>) target(%dma_start3A_268 : memref<16x128xf32, #tpu.memory_space<vmem>>) target_semaphore(%arg19 : memref<!tpu.dma_semaphore, #tpu.memory_space<semaphore_mem>>)
        %slice3A_271 = vector.extract_strided_slice %get3A_101 {offsets = [5], sizes = [1], strides = [1]} : vector<16xi32> to vector<1xi32>
        %squeeze3A_272 = vector.extract %slice3A_271[0] : i32 from vector<1xi32>
        %shift_right_arithmetic3A_273 = arith.constant 7 : i32
        %shift_right_arithmetic3A_274 = arith.shrsi %squeeze3A_272, %shift_right_arithmetic3A_273 : i32
        %mul3A_275 = arith.constant 128 : i32
        %mul3A_276 = arith.muli %shift_right_arithmetic3A_274, %mul3A_275 : i32
        %multiple_of3A_277 = tpu.assume_multiple %mul3A_276, 128 : i32
        %slice3A_278 = vector.extract_strided_slice %get3A_105 {offsets = [5], sizes = [1], strides = [1]} : vector<16xi32> to vector<1xi32>
        %squeeze3A_279 = vector.extract %slice3A_278[0] : i32 from vector<1xi32>
        %shift_right_arithmetic3A_280 = arith.constant 7 : i32
        %shift_right_arithmetic3A_281 = arith.shrsi %squeeze3A_279, %shift_right_arithmetic3A_280 : i32
        %mul3A_282 = arith.constant 128 : i32
        %mul3A_283 = arith.muli %shift_right_arithmetic3A_281, %mul3A_282 : i32
        %multiple_of3A_284 = tpu.assume_multiple %mul3A_283, 128 : i32
        %dma_start3A_285 = arith.constant 0 : i32
        %dma_start3A_286 = arith.constant 2688 : i32
        %dma_start3A_287 = tpu.memref_slice %arg9[%dma_start3A_285, %dma_start3A_286] : memref<16x3072xf32, #tpu.memory_space<vmem>> -> memref<16x128xf32, #tpu.memory_space<vmem>>
        %dma_start3A_288 = arith.constant 0 : i32
        %dma_start3A_289 = tpu.memref_slice %arg4[%dma_start3A_288, %multiple_of3A_277] : memref<16x1000000xf32, #tpu.memory_space<hbm>> -> memref<16x128xf32, #tpu.memory_space<hbm>>
        %dma_start3A_290 = arith.constant 0 : i32
        %dma_start3A_291 = arith.constant 2688 : i32
        %dma_start3A_292 = tpu.memref_slice %arg9[%dma_start3A_290, %dma_start3A_291] : memref<16x3072xf32, #tpu.memory_space<vmem>> -> memref<16x128xf32, #tpu.memory_space<vmem>>
        %dma_start3A_293 = arith.constant 0 : i32
        %dma_start3A_294 = tpu.memref_slice %arg4[%dma_start3A_293, %multiple_of3A_277] : memref<16x1000000xf32, #tpu.memory_space<hbm>> -> memref<16x128xf32, #tpu.memory_space<hbm>>
        tpu.enqueue_dma source(%dma_start3A_294 : memref<16x128xf32, #tpu.memory_space<hbm>>) target(%dma_start3A_292 : memref<16x128xf32, #tpu.memory_space<vmem>>) target_semaphore(%arg16 : memref<!tpu.dma_semaphore, #tpu.memory_space<semaphore_mem>>)
        %dma_start3A_295 = arith.constant 0 : i32
        %dma_start3A_296 = arith.constant 2688 : i32
        %dma_start3A_297 = tpu.memref_slice %arg10[%dma_start3A_295, %dma_start3A_296] : memref<16x3072xf32, #tpu.memory_space<vmem>> -> memref<16x128xf32, #tpu.memory_space<vmem>>
        %dma_start3A_298 = arith.constant 0 : i32
        %dma_start3A_299 = tpu.memref_slice %arg5[%dma_start3A_298, %multiple_of3A_284] : memref<16x1000000xf32, #tpu.memory_space<hbm>> -> memref<16x128xf32, #tpu.memory_space<hbm>>
        %dma_start3A_300 = arith.constant 0 : i32
        %dma_start3A_301 = arith.constant 2688 : i32
        %dma_start3A_302 = tpu.memref_slice %arg10[%dma_start3A_300, %dma_start3A_301] : memref<16x3072xf32, #tpu.memory_space<vmem>> -> memref<16x128xf32, #tpu.memory_space<vmem>>
        %dma_start3A_303 = arith.constant 0 : i32
        %dma_start3A_304 = tpu.memref_slice %arg5[%dma_start3A_303, %multiple_of3A_284] : memref<16x1000000xf32, #tpu.memory_space<hbm>> -> memref<16x128xf32, #tpu.memory_space<hbm>>
        tpu.enqueue_dma source(%dma_start3A_304 : memref<16x128xf32, #tpu.memory_space<hbm>>) target(%dma_start3A_302 : memref<16x128xf32, #tpu.memory_space<vmem>>) target_semaphore(%arg19 : memref<!tpu.dma_semaphore, #tpu.memory_space<semaphore_mem>>)
        %slice3A_305 = vector.extract_strided_slice %get3A_101 {offsets = [6], sizes = [1], strides = [1]} : vector<16xi32> to vector<1xi32>
        %squeeze3A_306 = vector.extract %slice3A_305[0] : i32 from vector<1xi32>
        %shift_right_arithmetic3A_307 = arith.constant 7 : i32
        %shift_right_arithmetic3A_308 = arith.shrsi %squeeze3A_306, %shift_right_arithmetic3A_307 : i32
        %mul3A_309 = arith.constant 128 : i32
        %mul3A_310 = arith.muli %shift_right_arithmetic3A_308, %mul3A_309 : i32
        %multiple_of3A_311 = tpu.assume_multiple %mul3A_310, 128 : i32
        %slice3A_312 = vector.extract_strided_slice %get3A_105 {offsets = [6], sizes = [1], strides = [1]} : vector<16xi32> to vector<1xi32>
        %squeeze3A_313 = vector.extract %slice3A_312[0] : i32 from vector<1xi32>
        %shift_right_arithmetic3A_314 = arith.constant 7 : i32
        %shift_right_arithmetic3A_315 = arith.shrsi %squeeze3A_313, %shift_right_arithmetic3A_314 : i32
        %mul3A_316 = arith.constant 128 : i32
        %mul3A_317 = arith.muli %shift_right_arithmetic3A_315, %mul3A_316 : i32
        %multiple_of3A_318 = tpu.assume_multiple %mul3A_317, 128 : i32
        %dma_start3A_319 = arith.constant 0 : i32
        %dma_start3A_320 = arith.constant 2816 : i32
        %dma_start3A_321 = tpu.memref_slice %arg9[%dma_start3A_319, %dma_start3A_320] : memref<16x3072xf32, #tpu.memory_space<vmem>> -> memref<16x128xf32, #tpu.memory_space<vmem>>
        %dma_start3A_322 = arith.constant 0 : i32
        %dma_start3A_323 = tpu.memref_slice %arg4[%dma_start3A_322, %multiple_of3A_311] : memref<16x1000000xf32, #tpu.memory_space<hbm>> -> memref<16x128xf32, #tpu.memory_space<hbm>>
        %dma_start3A_324 = arith.constant 0 : i32
        %dma_start3A_325 = arith.constant 2816 : i32
        %dma_start3A_326 = tpu.memref_slice %arg9[%dma_start3A_324, %dma_start3A_325] : memref<16x3072xf32, #tpu.memory_space<vmem>> -> memref<16x128xf32, #tpu.memory_space<vmem>>
        %dma_start3A_327 = arith.constant 0 : i32
        %dma_start3A_328 = tpu.memref_slice %arg4[%dma_start3A_327, %multiple_of3A_311] : memref<16x1000000xf32, #tpu.memory_space<hbm>> -> memref<16x128xf32, #tpu.memory_space<hbm>>
        tpu.enqueue_dma source(%dma_start3A_328 : memref<16x128xf32, #tpu.memory_space<hbm>>) target(%dma_start3A_326 : memref<16x128xf32, #tpu.memory_space<vmem>>) target_semaphore(%arg16 : memref<!tpu.dma_semaphore, #tpu.memory_space<semaphore_mem>>)
        %dma_start3A_329 = arith.constant 0 : i32
        %dma_start3A_330 = arith.constant 2816 : i32
        %dma_start3A_331 = tpu.memref_slice %arg10[%dma_start3A_329, %dma_start3A_330] : memref<16x3072xf32, #tpu.memory_space<vmem>> -> memref<16x128xf32, #tpu.memory_space<vmem>>
        %dma_start3A_332 = arith.constant 0 : i32
        %dma_start3A_333 = tpu.memref_slice %arg5[%dma_start3A_332, %multiple_of3A_318] : memref<16x1000000xf32, #tpu.memory_space<hbm>> -> memref<16x128xf32, #tpu.memory_space<hbm>>
        %dma_start3A_334 = arith.constant 0 : i32
        %dma_start3A_335 = arith.constant 2816 : i32
        %dma_start3A_336 = tpu.memref_slice %arg10[%dma_start3A_334, %dma_start3A_335] : memref<16x3072xf32, #tpu.memory_space<vmem>> -> memref<16x128xf32, #tpu.memory_space<vmem>>
        %dma_start3A_337 = arith.constant 0 : i32
        %dma_start3A_338 = tpu.memref_slice %arg5[%dma_start3A_337, %multiple_of3A_318] : memref<16x1000000xf32, #tpu.memory_space<hbm>> -> memref<16x128xf32, #tpu.memory_space<hbm>>
        tpu.enqueue_dma source(%dma_start3A_338 : memref<16x128xf32, #tpu.memory_space<hbm>>) target(%dma_start3A_336 : memref<16x128xf32, #tpu.memory_space<vmem>>) target_semaphore(%arg19 : memref<!tpu.dma_semaphore, #tpu.memory_space<semaphore_mem>>)
        %slice3A_339 = vector.extract_strided_slice %get3A_101 {offsets = [7], sizes = [1], strides = [1]} : vector<16xi32> to vector<1xi32>
        %squeeze3A_340 = vector.extract %slice3A_339[0] : i32 from vector<1xi32>
        %shift_right_arithmetic3A_341 = arith.constant 7 : i32
        %shift_right_arithmetic3A_342 = arith.shrsi %squeeze3A_340, %shift_right_arithmetic3A_341 : i32
        %mul3A_343 = arith.constant 128 : i32
        %mul3A_344 = arith.muli %shift_right_arithmetic3A_342, %mul3A_343 : i32
        %multiple_of3A_345 = tpu.assume_multiple %mul3A_344, 128 : i32
        %slice3A_346 = vector.extract_strided_slice %get3A_105 {offsets = [7], sizes = [1], strides = [1]} : vector<16xi32> to vector<1xi32>
        %squeeze3A_347 = vector.extract %slice3A_346[0] : i32 from vector<1xi32>
        %shift_right_arithmetic3A_348 = arith.constant 7 : i32
        %shift_right_arithmetic3A_349 = arith.shrsi %squeeze3A_347, %shift_right_arithmetic3A_348 : i32
        %mul3A_350 = arith.constant 128 : i32
        %mul3A_351 = arith.muli %shift_right_arithmetic3A_349, %mul3A_350 : i32
        %multiple_of3A_352 = tpu.assume_multiple %mul3A_351, 128 : i32
        %dma_start3A_353 = arith.constant 0 : i32
        %dma_start3A_354 = arith.constant 2944 : i32
        %dma_start3A_355 = tpu.memref_slice %arg9[%dma_start3A_353, %dma_start3A_354] : memref<16x3072xf32, #tpu.memory_space<vmem>> -> memref<16x128xf32, #tpu.memory_space<vmem>>
        %dma_start3A_356 = arith.constant 0 : i32
        %dma_start3A_357 = tpu.memref_slice %arg4[%dma_start3A_356, %multiple_of3A_345] : memref<16x1000000xf32, #tpu.memory_space<hbm>> -> memref<16x128xf32, #tpu.memory_space<hbm>>
        %dma_start3A_358 = arith.constant 0 : i32
        %dma_start3A_359 = arith.constant 2944 : i32
        %dma_start3A_360 = tpu.memref_slice %arg9[%dma_start3A_358, %dma_start3A_359] : memref<16x3072xf32, #tpu.memory_space<vmem>> -> memref<16x128xf32, #tpu.memory_space<vmem>>
        %dma_start3A_361 = arith.constant 0 : i32
        %dma_start3A_362 = tpu.memref_slice %arg4[%dma_start3A_361, %multiple_of3A_345] : memref<16x1000000xf32, #tpu.memory_space<hbm>> -> memref<16x128xf32, #tpu.memory_space<hbm>>
        tpu.enqueue_dma source(%dma_start3A_362 : memref<16x128xf32, #tpu.memory_space<hbm>>) target(%dma_start3A_360 : memref<16x128xf32, #tpu.memory_space<vmem>>) target_semaphore(%arg16 : memref<!tpu.dma_semaphore, #tpu.memory_space<semaphore_mem>>)
        %dma_start3A_363 = arith.constant 0 : i32
        %dma_start3A_364 = arith.constant 2944 : i32
        %dma_start3A_365 = tpu.memref_slice %arg10[%dma_start3A_363, %dma_start3A_364] : memref<16x3072xf32, #tpu.memory_space<vmem>> -> memref<16x128xf32, #tpu.memory_space<vmem>>
        %dma_start3A_366 = arith.constant 0 : i32
        %dma_start3A_367 = tpu.memref_slice %arg5[%dma_start3A_366, %multiple_of3A_352] : memref<16x1000000xf32, #tpu.memory_space<hbm>> -> memref<16x128xf32, #tpu.memory_space<hbm>>
        %dma_start3A_368 = arith.constant 0 : i32
        %dma_start3A_369 = arith.constant 2944 : i32
        %dma_start3A_370 = tpu.memref_slice %arg10[%dma_start3A_368, %dma_start3A_369] : memref<16x3072xf32, #tpu.memory_space<vmem>> -> memref<16x128xf32, #tpu.memory_space<vmem>>
        %dma_start3A_371 = arith.constant 0 : i32
        %dma_start3A_372 = tpu.memref_slice %arg5[%dma_start3A_371, %multiple_of3A_352] : memref<16x1000000xf32, #tpu.memory_space<hbm>> -> memref<16x128xf32, #tpu.memory_space<hbm>>
        tpu.enqueue_dma source(%dma_start3A_372 : memref<16x128xf32, #tpu.memory_space<hbm>>) target(%dma_start3A_370 : memref<16x128xf32, #tpu.memory_space<vmem>>) target_semaphore(%arg19 : memref<!tpu.dma_semaphore, #tpu.memory_space<semaphore_mem>>)
      } else {
      }
      %eq3A_91 = arith.constant 2 : i32
      %eq3A_92 = arith.cmpi eq, %sub3A_55, %eq3A_91 : i32
      %ge3A_93 = arith.constant 2 : i32
      %ge3A_94 = arith.cmpi sge, %scan3A_7, %ge3A_93 : i32
      %and3A_95 = arith.andi %eq3A_92, %ge3A_94 : i1
      %convert_element_type3A_96 = arith.extui %and3A_95 : i1 to i32
      %cond3A_97 = arith.constant 0 : i32
      %cond3A_98 = arith.cmpi ne, %convert_element_type3A_96, %cond3A_97 : i32
      scf.if %cond3A_98 {
        %sub3A_99 = arith.constant 2 : i32
        %sub3A_100 = arith.subi %scan3A_7, %sub3A_99 : i32
        %dma_wait3A = arith.constant 0 : i32
        %dma_wait3A_101 = arith.constant 0 : i32
        %dma_wait3A_102 = tpu.memref_slice %arg9[%dma_wait3A, %dma_wait3A_101] : memref<16x3072xf32, #tpu.memory_space<vmem>> -> memref<16x1024xf32, #tpu.memory_space<vmem>>
        %dma_wait3A_103 = arith.constant 0 : i32
        %dma_wait3A_104 = arith.constant 0 : i32
        %dma_wait3A_105 = tpu.memref_slice %arg4[%dma_wait3A_103, %dma_wait3A_104] : memref<16x1000000xf32, #tpu.memory_space<hbm>> -> memref<16x1024xf32, #tpu.memory_space<hbm>>
        %dma_wait3A_106 = arith.constant 0 : i32
        %dma_wait3A_107 = arith.constant 0 : i32
        %dma_wait3A_108 = tpu.memref_slice %arg9[%dma_wait3A_106, %dma_wait3A_107] : memref<16x3072xf32, #tpu.memory_space<vmem>> -> memref<16x1024xf32, #tpu.memory_space<vmem>>
        %dma_wait3A_109 = arith.constant 0 : i32
        %dma_wait3A_110 = arith.constant 0 : i32
        %dma_wait3A_111 = tpu.memref_slice %arg4[%dma_wait3A_109, %dma_wait3A_110] : memref<16x1000000xf32, #tpu.memory_space<hbm>> -> memref<16x1024xf32, #tpu.memory_space<hbm>>
        tpu.wait_dma2 semaphore(%arg16 : memref<!tpu.dma_semaphore, #tpu.memory_space<semaphore_mem>>) src(%dma_wait3A_111 : memref<16x1024xf32, #tpu.memory_space<hbm>>) dst(%dma_wait3A_108 : memref<16x1024xf32, #tpu.memory_space<vmem>>)
        %dma_wait3A_112 = arith.constant 0 : i32
        %dma_wait3A_113 = arith.constant 0 : i32
        %dma_wait3A_114 = tpu.memref_slice %arg10[%dma_wait3A_112, %dma_wait3A_113] : memref<16x3072xf32, #tpu.memory_space<vmem>> -> memref<16x1024xf32, #tpu.memory_space<vmem>>
        %dma_wait3A_115 = arith.constant 0 : i32
        %dma_wait3A_116 = arith.constant 0 : i32
        %dma_wait3A_117 = tpu.memref_slice %arg5[%dma_wait3A_115, %dma_wait3A_116] : memref<16x1000000xf32, #tpu.memory_space<hbm>> -> memref<16x1024xf32, #tpu.memory_space<hbm>>
        %dma_wait3A_118 = arith.constant 0 : i32
        %dma_wait3A_119 = arith.constant 0 : i32
        %dma_wait3A_120 = tpu.memref_slice %arg10[%dma_wait3A_118, %dma_wait3A_119] : memref<16x3072xf32, #tpu.memory_space<vmem>> -> memref<16x1024xf32, #tpu.memory_space<vmem>>
        %dma_wait3A_121 = arith.constant 0 : i32
        %dma_wait3A_122 = arith.constant 0 : i32
        %dma_wait3A_123 = tpu.memref_slice %arg5[%dma_wait3A_121, %dma_wait3A_122] : memref<16x1000000xf32, #tpu.memory_space<hbm>> -> memref<16x1024xf32, #tpu.memory_space<hbm>>
        tpu.wait_dma2 semaphore(%arg19 : memref<!tpu.dma_semaphore, #tpu.memory_space<semaphore_mem>>) src(%dma_wait3A_123 : memref<16x1024xf32, #tpu.memory_space<hbm>>) dst(%dma_wait3A_120 : memref<16x1024xf32, #tpu.memory_space<vmem>>)
        %mul3A_124 = arith.constant 8 : i32
        %mul3A_125 = arith.muli %sub3A_100, %mul3A_124 : i32
        %get3A = arith.index_cast %mul3A_125 : i32 to index
        %get3A_126 = tpu.vector_load %arg7[%get3A] {strides = array<i32>} : memref<528xi32, #tpu.memory_space<vmem>>, vector<16xi32>,
        %mul3A_127 = arith.constant 8 : i32
        %mul3A_128 = arith.muli %sub3A_100, %mul3A_127 : i32
        %get3A_129 = arith.index_cast %mul3A_128 : i32 to index
        %get3A_130 = tpu.vector_load %arg8[%get3A_129] {strides = array<i32>} : memref<528xi32, #tpu.memory_space<vmem>>, vector<16xi32>,
        %and3A_131 = arith.constant 1 : i32
        %and3A_132 = arith.andi %sub3A_100, %and3A_131 : i32
        %slice3A = vector.extract_strided_slice %get3A_126 {offsets = [0], sizes = [1], strides = [1]} : vector<16xi32> to vector<1xi32>
        %squeeze3A = vector.extract %slice3A[0] : i32 from vector<1xi32>
        %and3A_133 = arith.constant 127 : i32
        %and3A_134 = arith.andi %squeeze3A, %and3A_133 : i32
        %add3A_135 = arith.constant 2048 : i32
        %add3A_136 = arith.addi %and3A_134, %add3A_135 : i32
        %broadcast_in_dim3A = vector.broadcast %add3A_136 : i32 to vector<16xi32>
        %slice3A_137 = vector.extract_strided_slice %get3A_130 {offsets = [0], sizes = [1], strides = [1]} : vector<16xi32> to vector<1xi32>
        %squeeze3A_138 = vector.extract %slice3A_137[0] : i32 from vector<1xi32>
        %and3A_139 = arith.constant 127 : i32
        %and3A_140 = arith.andi %squeeze3A_138, %and3A_139 : i32
        %add3A_141 = arith.constant 2048 : i32
        %add3A_142 = arith.addi %and3A_140, %add3A_141 : i32
        %broadcast_in_dim3A_143 = vector.broadcast %add3A_142 : i32 to vector<16xi32>
        %gather3A = tpu.vector_load_idx %arg9[%iota3A, %broadcast_in_dim3A] : memref<16x3072xf32, #tpu.memory_space<vmem>>[vector<16xi32>, vector<16xi32>], vector<16xf32>,
        %gather3A_144 = tpu.vector_load_idx %arg10[%iota3A, %broadcast_in_dim3A_143] : memref<16x3072xf32, #tpu.memory_space<vmem>>[vector<16xi32>, vector<16xi32>], vector<16xf32>,
        %broadcast_in_dim3A_145 = arith.constant 0 : i32
        %broadcast_in_dim3A_146 = vector.broadcast %broadcast_in_dim3A_145 : i32 to vector<16xi32>
        %shift_left3A = arith.constant 3 : i32
        %shift_left3A_147 = arith.shli %and3A_132, %shift_left3A : i32
        %add3A_148 = vector.broadcast %shift_left3A_147 : i32 to vector<16xi32>
        %add3A_149 = arith.addi %broadcast_in_dim3A_146, %add3A_148 : vector<16xi32>
        tpu.vector_store_idx %arg11[%iota3A, %add3A_149], %gather3A : memref<16x16xf32, #tpu.memory_space<vmem>>[vector<16xi32>, vector<16xi32>], vector<16xf32>,
        tpu.vector_store_idx %arg12[%iota3A, %add3A_149], %gather3A_144 : memref<16x16xf32, #tpu.memory_space<vmem>>[vector<16xi32>, vector<16xi32>], vector<16xf32>,
        %slice3A_150 = vector.extract_strided_slice %get3A_126 {offsets = [1], sizes = [1], strides = [1]} : vector<16xi32> to vector<1xi32>
        %squeeze3A_151 = vector.extract %slice3A_150[0] : i32 from vector<1xi32>
        %and3A_152 = arith.constant 127 : i32
        %and3A_153 = arith.andi %squeeze3A_151, %and3A_152 : i32
        %add3A_154 = arith.constant 2176 : i32
        %add3A_155 = arith.addi %and3A_153, %add3A_154 : i32
        %broadcast_in_dim3A_156 = vector.broadcast %add3A_155 : i32 to vector<16xi32>
        %slice3A_157 = vector.extract_strided_slice %get3A_130 {offsets = [1], sizes = [1], strides = [1]} : vector<16xi32> to vector<1xi32>
        %squeeze3A_158 = vector.extract %slice3A_157[0] : i32 from vector<1xi32>
        %and3A_159 = arith.constant 127 : i32
        %and3A_160 = arith.andi %squeeze3A_158, %and3A_159 : i32
        %add3A_161 = arith.constant 2176 : i32
        %add3A_162 = arith.addi %and3A_160, %add3A_161 : i32
        %broadcast_in_dim3A_163 = vector.broadcast %add3A_162 : i32 to vector<16xi32>
        %gather3A_164 = tpu.vector_load_idx %arg9[%iota3A, %broadcast_in_dim3A_156] : memref<16x3072xf32, #tpu.memory_space<vmem>>[vector<16xi32>, vector<16xi32>], vector<16xf32>,
        %gather3A_165 = tpu.vector_load_idx %arg10[%iota3A, %broadcast_in_dim3A_163] : memref<16x3072xf32, #tpu.memory_space<vmem>>[vector<16xi32>, vector<16xi32>], vector<16xf32>,
        %broadcast_in_dim3A_166 = arith.constant 1 : i32
        %broadcast_in_dim3A_167 = vector.broadcast %broadcast_in_dim3A_166 : i32 to vector<16xi32>
        %shift_left3A_168 = arith.constant 3 : i32
        %shift_left3A_169 = arith.shli %and3A_132, %shift_left3A_168 : i32
        %add3A_170 = vector.broadcast %shift_left3A_169 : i32 to vector<16xi32>
        %add3A_171 = arith.addi %broadcast_in_dim3A_167, %add3A_170 : vector<16xi32>
        tpu.vector_store_idx %arg11[%iota3A, %add3A_171], %gather3A_164 : memref<16x16xf32, #tpu.memory_space<vmem>>[vector<16xi32>, vector<16xi32>], vector<16xf32>,
        tpu.vector_store_idx %arg12[%iota3A, %add3A_171], %gather3A_165 : memref<16x16xf32, #tpu.memory_space<vmem>>[vector<16xi32>, vector<16xi32>], vector<16xf32>,
        %slice3A_172 = vector.extract_strided_slice %get3A_126 {offsets = [2], sizes = [1], strides = [1]} : vector<16xi32> to vector<1xi32>
        %squeeze3A_173 = vector.extract %slice3A_172[0] : i32 from vector<1xi32>
        %and3A_174 = arith.constant 127 : i32
        %and3A_175 = arith.andi %squeeze3A_173, %and3A_174 : i32
        %add3A_176 = arith.constant 2304 : i32
        %add3A_177 = arith.addi %and3A_175, %add3A_176 : i32
        %broadcast_in_dim3A_178 = vector.broadcast %add3A_177 : i32 to vector<16xi32>
        %slice3A_179 = vector.extract_strided_slice %get3A_130 {offsets = [2], sizes = [1], strides = [1]} : vector<16xi32> to vector<1xi32>
        %squeeze3A_180 = vector.extract %slice3A_179[0] : i32 from vector<1xi32>
        %and3A_181 = arith.constant 127 : i32
        %and3A_182 = arith.andi %squeeze3A_180, %and3A_181 : i32
        %add3A_183 = arith.constant 2304 : i32
        %add3A_184 = arith.addi %and3A_182, %add3A_183 : i32
        %broadcast_in_dim3A_185 = vector.broadcast %add3A_184 : i32 to vector<16xi32>
        %gather3A_186 = tpu.vector_load_idx %arg9[%iota3A, %broadcast_in_dim3A_178] : memref<16x3072xf32, #tpu.memory_space<vmem>>[vector<16xi32>, vector<16xi32>], vector<16xf32>,
        %gather3A_187 = tpu.vector_load_idx %arg10[%iota3A, %broadcast_in_dim3A_185] : memref<16x3072xf32, #tpu.memory_space<vmem>>[vector<16xi32>, vector<16xi32>], vector<16xf32>,
        %broadcast_in_dim3A_188 = arith.constant 2 : i32
        %broadcast_in_dim3A_189 = vector.broadcast %broadcast_in_dim3A_188 : i32 to vector<16xi32>
        %shift_left3A_190 = arith.constant 3 : i32
        %shift_left3A_191 = arith.shli %and3A_132, %shift_left3A_190 : i32
        %add3A_192 = vector.broadcast %shift_left3A_191 : i32 to vector<16xi32>
        %add3A_193 = arith.addi %broadcast_in_dim3A_189, %add3A_192 : vector<16xi32>
        tpu.vector_store_idx %arg11[%iota3A, %add3A_193], %gather3A_186 : memref<16x16xf32, #tpu.memory_space<vmem>>[vector<16xi32>, vector<16xi32>], vector<16xf32>,
        tpu.vector_store_idx %arg12[%iota3A, %add3A_193], %gather3A_187 : memref<16x16xf32, #tpu.memory_space<vmem>>[vector<16xi32>, vector<16xi32>], vector<16xf32>,
        %slice3A_194 = vector.extract_strided_slice %get3A_126 {offsets = [3], sizes = [1], strides = [1]} : vector<16xi32> to vector<1xi32>
        %squeeze3A_195 = vector.extract %slice3A_194[0] : i32 from vector<1xi32>
        %and3A_196 = arith.constant 127 : i32
        %and3A_197 = arith.andi %squeeze3A_195, %and3A_196 : i32
        %add3A_198 = arith.constant 2432 : i32
        %add3A_199 = arith.addi %and3A_197, %add3A_198 : i32
        %broadcast_in_dim3A_200 = vector.broadcast %add3A_199 : i32 to vector<16xi32>
        %slice3A_201 = vector.extract_strided_slice %get3A_130 {offsets = [3], sizes = [1], strides = [1]} : vector<16xi32> to vector<1xi32>
        %squeeze3A_202 = vector.extract %slice3A_201[0] : i32 from vector<1xi32>
        %and3A_203 = arith.constant 127 : i32
        %and3A_204 = arith.andi %squeeze3A_202, %and3A_203 : i32
        %add3A_205 = arith.constant 2432 : i32
        %add3A_206 = arith.addi %and3A_204, %add3A_205 : i32
        %broadcast_in_dim3A_207 = vector.broadcast %add3A_206 : i32 to vector<16xi32>
        %gather3A_208 = tpu.vector_load_idx %arg9[%iota3A, %broadcast_in_dim3A_200] : memref<16x3072xf32, #tpu.memory_space<vmem>>[vector<16xi32>, vector<16xi32>], vector<16xf32>,
        %gather3A_209 = tpu.vector_load_idx %arg10[%iota3A, %broadcast_in_dim3A_207] : memref<16x3072xf32, #tpu.memory_space<vmem>>[vector<16xi32>, vector<16xi32>], vector<16xf32>,
        %broadcast_in_dim3A_210 = arith.constant 3 : i32
        %broadcast_in_dim3A_211 = vector.broadcast %broadcast_in_dim3A_210 : i32 to vector<16xi32>
        %shift_left3A_212 = arith.constant 3 : i32
        %shift_left3A_213 = arith.shli %and3A_132, %shift_left3A_212 : i32
        %add3A_214 = vector.broadcast %shift_left3A_213 : i32 to vector<16xi32>
        %add3A_215 = arith.addi %broadcast_in_dim3A_211, %add3A_214 : vector<16xi32>
        tpu.vector_store_idx %arg11[%iota3A, %add3A_215], %gather3A_208 : memref<16x16xf32, #tpu.memory_space<vmem>>[vector<16xi32>, vector<16xi32>], vector<16xf32>,
        tpu.vector_store_idx %arg12[%iota3A, %add3A_215], %gather3A_209 : memref<16x16xf32, #tpu.memory_space<vmem>>[vector<16xi32>, vector<16xi32>], vector<16xf32>,
        %slice3A_216 = vector.extract_strided_slice %get3A_126 {offsets = [4], sizes = [1], strides = [1]} : vector<16xi32> to vector<1xi32>
        %squeeze3A_217 = vector.extract %slice3A_216[0] : i32 from vector<1xi32>
        %and3A_218 = arith.constant 127 : i32
        %and3A_219 = arith.andi %squeeze3A_217, %and3A_218 : i32
        %add3A_220 = arith.constant 2560 : i32
        %add3A_221 = arith.addi %and3A_219, %add3A_220 : i32
        %broadcast_in_dim3A_222 = vector.broadcast %add3A_221 : i32 to vector<16xi32>
        %slice3A_223 = vector.extract_strided_slice %get3A_130 {offsets = [4], sizes = [1], strides = [1]} : vector<16xi32> to vector<1xi32>
        %squeeze3A_224 = vector.extract %slice3A_223[0] : i32 from vector<1xi32>
        %and3A_225 = arith.constant 127 : i32
        %and3A_226 = arith.andi %squeeze3A_224, %and3A_225 : i32
        %add3A_227 = arith.constant 2560 : i32
        %add3A_228 = arith.addi %and3A_226, %add3A_227 : i32
        %broadcast_in_dim3A_229 = vector.broadcast %add3A_228 : i32 to vector<16xi32>
        %gather3A_230 = tpu.vector_load_idx %arg9[%iota3A, %broadcast_in_dim3A_222] : memref<16x3072xf32, #tpu.memory_space<vmem>>[vector<16xi32>, vector<16xi32>], vector<16xf32>,
        %gather3A_231 = tpu.vector_load_idx %arg10[%iota3A, %broadcast_in_dim3A_229] : memref<16x3072xf32, #tpu.memory_space<vmem>>[vector<16xi32>, vector<16xi32>], vector<16xf32>,
        %broadcast_in_dim3A_232 = arith.constant 4 : i32
        %broadcast_in_dim3A_233 = vector.broadcast %broadcast_in_dim3A_232 : i32 to vector<16xi32>
        %shift_left3A_234 = arith.constant 3 : i32
        %shift_left3A_235 = arith.shli %and3A_132, %shift_left3A_234 : i32
        %add3A_236 = vector.broadcast %shift_left3A_235 : i32 to vector<16xi32>
        %add3A_237 = arith.addi %broadcast_in_dim3A_233, %add3A_236 : vector<16xi32>
        tpu.vector_store_idx %arg11[%iota3A, %add3A_237], %gather3A_230 : memref<16x16xf32, #tpu.memory_space<vmem>>[vector<16xi32>, vector<16xi32>], vector<16xf32>,
        tpu.vector_store_idx %arg12[%iota3A, %add3A_237], %gather3A_231 : memref<16x16xf32, #tpu.memory_space<vmem>>[vector<16xi32>, vector<16xi32>], vector<16xf32>,
        %slice3A_238 = vector.extract_strided_slice %get3A_126 {offsets = [5], sizes = [1], strides = [1]} : vector<16xi32> to vector<1xi32>
        %squeeze3A_239 = vector.extract %slice3A_238[0] : i32 from vector<1xi32>
        %and3A_240 = arith.constant 127 : i32
        %and3A_241 = arith.andi %squeeze3A_239, %and3A_240 : i32
        %add3A_242 = arith.constant 2688 : i32
        %add3A_243 = arith.addi %and3A_241, %add3A_242 : i32
        %broadcast_in_dim3A_244 = vector.broadcast %add3A_243 : i32 to vector<16xi32>
        %slice3A_245 = vector.extract_strided_slice %get3A_130 {offsets = [5], sizes = [1], strides = [1]} : vector<16xi32> to vector<1xi32>
        %squeeze3A_246 = vector.extract %slice3A_245[0] : i32 from vector<1xi32>
        %and3A_247 = arith.constant 127 : i32
        %and3A_248 = arith.andi %squeeze3A_246, %and3A_247 : i32
        %add3A_249 = arith.constant 2688 : i32
        %add3A_250 = arith.addi %and3A_248, %add3A_249 : i32
        %broadcast_in_dim3A_251 = vector.broadcast %add3A_250 : i32 to vector<16xi32>
        %gather3A_252 = tpu.vector_load_idx %arg9[%iota3A, %broadcast_in_dim3A_244] : memref<16x3072xf32, #tpu.memory_space<vmem>>[vector<16xi32>, vector<16xi32>], vector<16xf32>,
        %gather3A_253 = tpu.vector_load_idx %arg10[%iota3A, %broadcast_in_dim3A_251] : memref<16x3072xf32, #tpu.memory_space<vmem>>[vector<16xi32>, vector<16xi32>], vector<16xf32>,
        %broadcast_in_dim3A_254 = arith.constant 5 : i32
        %broadcast_in_dim3A_255 = vector.broadcast %broadcast_in_dim3A_254 : i32 to vector<16xi32>
        %shift_left3A_256 = arith.constant 3 : i32
        %shift_left3A_257 = arith.shli %and3A_132, %shift_left3A_256 : i32
        %add3A_258 = vector.broadcast %shift_left3A_257 : i32 to vector<16xi32>
        %add3A_259 = arith.addi %broadcast_in_dim3A_255, %add3A_258 : vector<16xi32>
        tpu.vector_store_idx %arg11[%iota3A, %add3A_259], %gather3A_252 : memref<16x16xf32, #tpu.memory_space<vmem>>[vector<16xi32>, vector<16xi32>], vector<16xf32>,
        tpu.vector_store_idx %arg12[%iota3A, %add3A_259], %gather3A_253 : memref<16x16xf32, #tpu.memory_space<vmem>>[vector<16xi32>, vector<16xi32>], vector<16xf32>,
        %slice3A_260 = vector.extract_strided_slice %get3A_126 {offsets = [6], sizes = [1], strides = [1]} : vector<16xi32> to vector<1xi32>
        %squeeze3A_261 = vector.extract %slice3A_260[0] : i32 from vector<1xi32>
        %and3A_262 = arith.constant 127 : i32
        %and3A_263 = arith.andi %squeeze3A_261, %and3A_262 : i32
        %add3A_264 = arith.constant 2816 : i32
        %add3A_265 = arith.addi %and3A_263, %add3A_264 : i32
        %broadcast_in_dim3A_266 = vector.broadcast %add3A_265 : i32 to vector<16xi32>
        %slice3A_267 = vector.extract_strided_slice %get3A_130 {offsets = [6], sizes = [1], strides = [1]} : vector<16xi32> to vector<1xi32>
        %squeeze3A_268 = vector.extract %slice3A_267[0] : i32 from vector<1xi32>
        %and3A_269 = arith.constant 127 : i32
        %and3A_270 = arith.andi %squeeze3A_268, %and3A_269 : i32
        %add3A_271 = arith.constant 2816 : i32
        %add3A_272 = arith.addi %and3A_270, %add3A_271 : i32
        %broadcast_in_dim3A_273 = vector.broadcast %add3A_272 : i32 to vector<16xi32>
        %gather3A_274 = tpu.vector_load_idx %arg9[%iota3A, %broadcast_in_dim3A_266] : memref<16x3072xf32, #tpu.memory_space<vmem>>[vector<16xi32>, vector<16xi32>], vector<16xf32>,
        %gather3A_275 = tpu.vector_load_idx %arg10[%iota3A, %broadcast_in_dim3A_273] : memref<16x3072xf32, #tpu.memory_space<vmem>>[vector<16xi32>, vector<16xi32>], vector<16xf32>,
        %broadcast_in_dim3A_276 = arith.constant 6 : i32
        %broadcast_in_dim3A_277 = vector.broadcast %broadcast_in_dim3A_276 : i32 to vector<16xi32>
        %shift_left3A_278 = arith.constant 3 : i32
        %shift_left3A_279 = arith.shli %and3A_132, %shift_left3A_278 : i32
        %add3A_280 = vector.broadcast %shift_left3A_279 : i32 to vector<16xi32>
        %add3A_281 = arith.addi %broadcast_in_dim3A_277, %add3A_280 : vector<16xi32>
        tpu.vector_store_idx %arg11[%iota3A, %add3A_281], %gather3A_274 : memref<16x16xf32, #tpu.memory_space<vmem>>[vector<16xi32>, vector<16xi32>], vector<16xf32>,
        tpu.vector_store_idx %arg12[%iota3A, %add3A_281], %gather3A_275 : memref<16x16xf32, #tpu.memory_space<vmem>>[vector<16xi32>, vector<16xi32>], vector<16xf32>,
        %slice3A_282 = vector.extract_strided_slice %get3A_126 {offsets = [7], sizes = [1], strides = [1]} : vector<16xi32> to vector<1xi32>
        %squeeze3A_283 = vector.extract %slice3A_282[0] : i32 from vector<1xi32>
        %and3A_284 = arith.constant 127 : i32
        %and3A_285 = arith.andi %squeeze3A_283, %and3A_284 : i32
        %add3A_286 = arith.constant 2944 : i32
        %add3A_287 = arith.addi %and3A_285, %add3A_286 : i32
        %broadcast_in_dim3A_288 = vector.broadcast %add3A_287 : i32 to vector<16xi32>
        %slice3A_289 = vector.extract_strided_slice %get3A_130 {offsets = [7], sizes = [1], strides = [1]} : vector<16xi32> to vector<1xi32>
        %squeeze3A_290 = vector.extract %slice3A_289[0] : i32 from vector<1xi32>
        %and3A_291 = arith.constant 127 : i32
        %and3A_292 = arith.andi %squeeze3A_290, %and3A_291 : i32
        %add3A_293 = arith.constant 2944 : i32
        %add3A_294 = arith.addi %and3A_292, %add3A_293 : i32
        %broadcast_in_dim3A_295 = vector.broadcast %add3A_294 : i32 to vector<16xi32>
        %gather3A_296 = tpu.vector_load_idx %arg9[%iota3A, %broadcast_in_dim3A_288] : memref<16x3072xf32, #tpu.memory_space<vmem>>[vector<16xi32>, vector<16xi32>], vector<16xf32>,
        %gather3A_297 = tpu.vector_load_idx %arg10[%iota3A, %broadcast_in_dim3A_295] : memref<16x3072xf32, #tpu.memory_space<vmem>>[vector<16xi32>, vector<16xi32>], vector<16xf32>,
        %broadcast_in_dim3A_298 = arith.constant 7 : i32
        %broadcast_in_dim3A_299 = vector.broadcast %broadcast_in_dim3A_298 : i32 to vector<16xi32>
        %shift_left3A_300 = arith.constant 3 : i32
        %shift_left3A_301 = arith.shli %and3A_132, %shift_left3A_300 : i32
        %add3A_302 = vector.broadcast %shift_left3A_301 : i32 to vector<16xi32>
        %add3A_303 = arith.addi %broadcast_in_dim3A_299, %add3A_302 : vector<16xi32>
        tpu.vector_store_idx %arg11[%iota3A, %add3A_303], %gather3A_296 : memref<16x16xf32, #tpu.memory_space<vmem>>[vector<16xi32>, vector<16xi32>], vector<16xf32>,
        tpu.vector_store_idx %arg12[%iota3A, %add3A_303], %gather3A_297 : memref<16x16xf32, #tpu.memory_space<vmem>>[vector<16xi32>, vector<16xi32>], vector<16xf32>,
        %eq3A_304 = arith.constant 1 : i32
        %eq3A_305 = arith.cmpi eq, %and3A_132, %eq3A_304 : i32
        %convert_element_type3A_306 = arith.extui %eq3A_305 : i1 to i32
        %cond3A_307 = arith.constant 0 : i32
        %cond3A_308 = arith.cmpi ne, %convert_element_type3A_306, %cond3A_307 : i32
        scf.if %cond3A_308 {
          %broadcast_in_dim3A_309 = arith.constant 0.000000e+00 : f32
          %broadcast_in_dim3A_310 = vector.broadcast %broadcast_in_dim3A_309 : f32 to vector<16xf32>
          %get3A_311 = arith.constant 0 : i32
          %get3A_312 = arith.index_cast %get3A_311 : i32 to index
          %get3A_313 = arith.constant 0 : index
          %get3A_314 = tpu.vector_load %arg11[%get3A_312, %get3A_313] {strides = array<i32>} : memref<16x16xf32, #tpu.memory_space<vmem>>, vector<16xf32>,
          %get3A_315 = arith.constant 0 : i32
          %get3A_316 = arith.index_cast %get3A_315 : i32 to index
          %get3A_317 = arith.constant 0 : index
          %get3A_318 = tpu.vector_load %arg12[%get3A_316, %get3A_317] {strides = array<i32>} : memref<16x16xf32, #tpu.memory_space<vmem>>, vector<16xf32>,
          %mul3A_319 = arith.mulf %get3A_314, %get3A_318 : vector<16xf32>
          %add3A_320 = arith.addf %broadcast_in_dim3A_310, %mul3A_319 : vector<16xf32>
          %get3A_321 = arith.constant 1 : i32
          %get3A_322 = arith.index_cast %get3A_321 : i32 to index
          %get3A_323 = arith.constant 0 : index
          %get3A_324 = tpu.vector_load %arg11[%get3A_322, %get3A_323] {strides = array<i32>} : memref<16x16xf32, #tpu.memory_space<vmem>>, vector<16xf32>,
          %get3A_325 = arith.constant 1 : i32
          %get3A_326 = arith.index_cast %get3A_325 : i32 to index
          %get3A_327 = arith.constant 0 : index
          %get3A_328 = tpu.vector_load %arg12[%get3A_326, %get3A_327] {strides = array<i32>} : memref<16x16xf32, #tpu.memory_space<vmem>>, vector<16xf32>,
          %mul3A_329 = arith.mulf %get3A_324, %get3A_328 : vector<16xf32>
          %add3A_330 = arith.addf %add3A_320, %mul3A_329 : vector<16xf32>
          %get3A_331 = arith.constant 2 : i32
          %get3A_332 = arith.index_cast %get3A_331 : i32 to index
          %get3A_333 = arith.constant 0 : index
          %get3A_334 = tpu.vector_load %arg11[%get3A_332, %get3A_333] {strides = array<i32>} : memref<16x16xf32, #tpu.memory_space<vmem>>, vector<16xf32>,
          %get3A_335 = arith.constant 2 : i32
          %get3A_336 = arith.index_cast %get3A_335 : i32 to index
          %get3A_337 = arith.constant 0 : index
          %get3A_338 = tpu.vector_load %arg12[%get3A_336, %get3A_337] {strides = array<i32>} : memref<16x16xf32, #tpu.memory_space<vmem>>, vector<16xf32>,
          %mul3A_339 = arith.mulf %get3A_334, %get3A_338 : vector<16xf32>
          %add3A_340 = arith.addf %add3A_330, %mul3A_339 : vector<16xf32>
          %get3A_341 = arith.constant 3 : i32
          %get3A_342 = arith.index_cast %get3A_341 : i32 to index
          %get3A_343 = arith.constant 0 : index
          %get3A_344 = tpu.vector_load %arg11[%get3A_342, %get3A_343] {strides = array<i32>} : memref<16x16xf32, #tpu.memory_space<vmem>>, vector<16xf32>,
          %get3A_345 = arith.constant 3 : i32
          %get3A_346 = arith.index_cast %get3A_345 : i32 to index
          %get3A_347 = arith.constant 0 : index
          %get3A_348 = tpu.vector_load %arg12[%get3A_346, %get3A_347] {strides = array<i32>} : memref<16x16xf32, #tpu.memory_space<vmem>>, vector<16xf32>,
          %mul3A_349 = arith.mulf %get3A_344, %get3A_348 : vector<16xf32>
          %add3A_350 = arith.addf %add3A_340, %mul3A_349 : vector<16xf32>
          %get3A_351 = arith.constant 4 : i32
          %get3A_352 = arith.index_cast %get3A_351 : i32 to index
          %get3A_353 = arith.constant 0 : index
          %get3A_354 = tpu.vector_load %arg11[%get3A_352, %get3A_353] {strides = array<i32>} : memref<16x16xf32, #tpu.memory_space<vmem>>, vector<16xf32>,
          %get3A_355 = arith.constant 4 : i32
          %get3A_356 = arith.index_cast %get3A_355 : i32 to index
          %get3A_357 = arith.constant 0 : index
          %get3A_358 = tpu.vector_load %arg12[%get3A_356, %get3A_357] {strides = array<i32>} : memref<16x16xf32, #tpu.memory_space<vmem>>, vector<16xf32>,
          %mul3A_359 = arith.mulf %get3A_354, %get3A_358 : vector<16xf32>
          %add3A_360 = arith.addf %add3A_350, %mul3A_359 : vector<16xf32>
          %get3A_361 = arith.constant 5 : i32
          %get3A_362 = arith.index_cast %get3A_361 : i32 to index
          %get3A_363 = arith.constant 0 : index
          %get3A_364 = tpu.vector_load %arg11[%get3A_362, %get3A_363] {strides = array<i32>} : memref<16x16xf32, #tpu.memory_space<vmem>>, vector<16xf32>,
          %get3A_365 = arith.constant 5 : i32
          %get3A_366 = arith.index_cast %get3A_365 : i32 to index
          %get3A_367 = arith.constant 0 : index
          %get3A_368 = tpu.vector_load %arg12[%get3A_366, %get3A_367] {strides = array<i32>} : memref<16x16xf32, #tpu.memory_space<vmem>>, vector<16xf32>,
          %mul3A_369 = arith.mulf %get3A_364, %get3A_368 : vector<16xf32>
          %add3A_370 = arith.addf %add3A_360, %mul3A_369 : vector<16xf32>
          %get3A_371 = arith.constant 6 : i32
          %get3A_372 = arith.index_cast %get3A_371 : i32 to index
          %get3A_373 = arith.constant 0 : index
          %get3A_374 = tpu.vector_load %arg11[%get3A_372, %get3A_373] {strides = array<i32>} : memref<16x16xf32, #tpu.memory_space<vmem>>, vector<16xf32>,
          %get3A_375 = arith.constant 6 : i32
          %get3A_376 = arith.index_cast %get3A_375 : i32 to index
          %get3A_377 = arith.constant 0 : index
          %get3A_378 = tpu.vector_load %arg12[%get3A_376, %get3A_377] {strides = array<i32>} : memref<16x16xf32, #tpu.memory_space<vmem>>, vector<16xf32>,
          %mul3A_379 = arith.mulf %get3A_374, %get3A_378 : vector<16xf32>
          %add3A_380 = arith.addf %add3A_370, %mul3A_379 : vector<16xf32>
          %get3A_381 = arith.constant 7 : i32
          %get3A_382 = arith.index_cast %get3A_381 : i32 to index
          %get3A_383 = arith.constant 0 : index
          %get3A_384 = tpu.vector_load %arg11[%get3A_382, %get3A_383] {strides = array<i32>} : memref<16x16xf32, #tpu.memory_space<vmem>>, vector<16xf32>,
          %get3A_385 = arith.constant 7 : i32
          %get3A_386 = arith.index_cast %get3A_385 : i32 to index
          %get3A_387 = arith.constant 0 : index
          %get3A_388 = tpu.vector_load %arg12[%get3A_386, %get3A_387] {strides = array<i32>} : memref<16x16xf32, #tpu.memory_space<vmem>>, vector<16xf32>,
          %mul3A_389 = arith.mulf %get3A_384, %get3A_388 : vector<16xf32>
          %add3A_390 = arith.addf %add3A_380, %mul3A_389 : vector<16xf32>
          %get3A_391 = arith.constant 8 : i32
          %get3A_392 = arith.index_cast %get3A_391 : i32 to index
          %get3A_393 = arith.constant 0 : index
          %get3A_394 = tpu.vector_load %arg11[%get3A_392, %get3A_393] {strides = array<i32>} : memref<16x16xf32, #tpu.memory_space<vmem>>, vector<16xf32>,
          %get3A_395 = arith.constant 8 : i32
          %get3A_396 = arith.index_cast %get3A_395 : i32 to index
          %get3A_397 = arith.constant 0 : index
          %get3A_398 = tpu.vector_load %arg12[%get3A_396, %get3A_397] {strides = array<i32>} : memref<16x16xf32, #tpu.memory_space<vmem>>, vector<16xf32>,
          %mul3A_399 = arith.mulf %get3A_394, %get3A_398 : vector<16xf32>
          %add3A_400 = arith.addf %add3A_390, %mul3A_399 : vector<16xf32>
          %get3A_401 = arith.constant 9 : i32
          %get3A_402 = arith.index_cast %get3A_401 : i32 to index
          %get3A_403 = arith.constant 0 : index
          %get3A_404 = tpu.vector_load %arg11[%get3A_402, %get3A_403] {strides = array<i32>} : memref<16x16xf32, #tpu.memory_space<vmem>>, vector<16xf32>,
          %get3A_405 = arith.constant 9 : i32
          %get3A_406 = arith.index_cast %get3A_405 : i32 to index
          %get3A_407 = arith.constant 0 : index
          %get3A_408 = tpu.vector_load %arg12[%get3A_406, %get3A_407] {strides = array<i32>} : memref<16x16xf32, #tpu.memory_space<vmem>>, vector<16xf32>,
          %mul3A_409 = arith.mulf %get3A_404, %get3A_408 : vector<16xf32>
          %add3A_410 = arith.addf %add3A_400, %mul3A_409 : vector<16xf32>
          %get3A_411 = arith.constant 10 : i32
          %get3A_412 = arith.index_cast %get3A_411 : i32 to index
          %get3A_413 = arith.constant 0 : index
          %get3A_414 = tpu.vector_load %arg11[%get3A_412, %get3A_413] {strides = array<i32>} : memref<16x16xf32, #tpu.memory_space<vmem>>, vector<16xf32>,
          %get3A_415 = arith.constant 10 : i32
          %get3A_416 = arith.index_cast %get3A_415 : i32 to index
          %get3A_417 = arith.constant 0 : index
          %get3A_418 = tpu.vector_load %arg12[%get3A_416, %get3A_417] {strides = array<i32>} : memref<16x16xf32, #tpu.memory_space<vmem>>, vector<16xf32>,
          %mul3A_419 = arith.mulf %get3A_414, %get3A_418 : vector<16xf32>
          %add3A_420 = arith.addf %add3A_410, %mul3A_419 : vector<16xf32>
          %get3A_421 = arith.constant 11 : i32
          %get3A_422 = arith.index_cast %get3A_421 : i32 to index
          %get3A_423 = arith.constant 0 : index
          %get3A_424 = tpu.vector_load %arg11[%get3A_422, %get3A_423] {strides = array<i32>} : memref<16x16xf32, #tpu.memory_space<vmem>>, vector<16xf32>,
          %get3A_425 = arith.constant 11 : i32
          %get3A_426 = arith.index_cast %get3A_425 : i32 to index
          %get3A_427 = arith.constant 0 : index
          %get3A_428 = tpu.vector_load %arg12[%get3A_426, %get3A_427] {strides = array<i32>} : memref<16x16xf32, #tpu.memory_space<vmem>>, vector<16xf32>,
          %mul3A_429 = arith.mulf %get3A_424, %get3A_428 : vector<16xf32>
          %add3A_430 = arith.addf %add3A_420, %mul3A_429 : vector<16xf32>
          %get3A_431 = arith.constant 12 : i32
          %get3A_432 = arith.index_cast %get3A_431 : i32 to index
          %get3A_433 = arith.constant 0 : index
          %get3A_434 = tpu.vector_load %arg11[%get3A_432, %get3A_433] {strides = array<i32>} : memref<16x16xf32, #tpu.memory_space<vmem>>, vector<16xf32>,
          %get3A_435 = arith.constant 12 : i32
          %get3A_436 = arith.index_cast %get3A_435 : i32 to index
          %get3A_437 = arith.constant 0 : index
          %get3A_438 = tpu.vector_load %arg12[%get3A_436, %get3A_437] {strides = array<i32>} : memref<16x16xf32, #tpu.memory_space<vmem>>, vector<16xf32>,
          %mul3A_439 = arith.mulf %get3A_434, %get3A_438 : vector<16xf32>
          %add3A_440 = arith.addf %add3A_430, %mul3A_439 : vector<16xf32>
          %get3A_441 = arith.constant 13 : i32
          %get3A_442 = arith.index_cast %get3A_441 : i32 to index
          %get3A_443 = arith.constant 0 : index
          %get3A_444 = tpu.vector_load %arg11[%get3A_442, %get3A_443] {strides = array<i32>} : memref<16x16xf32, #tpu.memory_space<vmem>>, vector<16xf32>,
          %get3A_445 = arith.constant 13 : i32
          %get3A_446 = arith.index_cast %get3A_445 : i32 to index
          %get3A_447 = arith.constant 0 : index
          %get3A_448 = tpu.vector_load %arg12[%get3A_446, %get3A_447] {strides = array<i32>} : memref<16x16xf32, #tpu.memory_space<vmem>>, vector<16xf32>,
          %mul3A_449 = arith.mulf %get3A_444, %get3A_448 : vector<16xf32>
          %add3A_450 = arith.addf %add3A_440, %mul3A_449 : vector<16xf32>
          %get3A_451 = arith.constant 14 : i32
          %get3A_452 = arith.index_cast %get3A_451 : i32 to index
          %get3A_453 = arith.constant 0 : index
          %get3A_454 = tpu.vector_load %arg11[%get3A_452, %get3A_453] {strides = array<i32>} : memref<16x16xf32, #tpu.memory_space<vmem>>, vector<16xf32>,
          %get3A_455 = arith.constant 14 : i32
          %get3A_456 = arith.index_cast %get3A_455 : i32 to index
          %get3A_457 = arith.constant 0 : index
          %get3A_458 = tpu.vector_load %arg12[%get3A_456, %get3A_457] {strides = array<i32>} : memref<16x16xf32, #tpu.memory_space<vmem>>, vector<16xf32>,
          %mul3A_459 = arith.mulf %get3A_454, %get3A_458 : vector<16xf32>
          %add3A_460 = arith.addf %add3A_450, %mul3A_459 : vector<16xf32>
          %get3A_461 = arith.constant 15 : i32
          %get3A_462 = arith.index_cast %get3A_461 : i32 to index
          %get3A_463 = arith.constant 0 : index
          %get3A_464 = tpu.vector_load %arg11[%get3A_462, %get3A_463] {strides = array<i32>} : memref<16x16xf32, #tpu.memory_space<vmem>>, vector<16xf32>,
          %get3A_465 = arith.constant 15 : i32
          %get3A_466 = arith.index_cast %get3A_465 : i32 to index
          %get3A_467 = arith.constant 0 : index
          %get3A_468 = tpu.vector_load %arg12[%get3A_466, %get3A_467] {strides = array<i32>} : memref<16x16xf32, #tpu.memory_space<vmem>>, vector<16xf32>,
          %mul3A_469 = arith.mulf %get3A_464, %get3A_468 : vector<16xf32>
          %add3A_470 = arith.addf %add3A_460, %mul3A_469 : vector<16xf32>
          %shift_right_arithmetic3A = arith.constant 1 : i32
          %shift_right_arithmetic3A_471 = arith.shrsi %sub3A_100, %shift_right_arithmetic3A : i32
          %mul3A_472 = arith.constant 16 : i32
          %mul3A_473 = arith.muli %shift_right_arithmetic3A_471, %mul3A_472 : i32
          %swap3A = arith.index_cast %mul3A_473 : i32 to index
          %swap3A_474 = tpu.vector_load %arg13[%swap3A] {strides = array<i32>} : memref<512xf32, #tpu.memory_space<vmem>>, vector<16xf32>,
          tpu.vector_store %arg13[%swap3A], %add3A_470 {strides = array<i32>} : memref<512xf32, #tpu.memory_space<vmem>>, vector<16xf32>,
        } else {
        }
      } else {
      }
    }
    %scan3A_6 = arith.constant 66 : i32
    "tpu.region"() ({
      %run_scoped3A = tpu.sem_alloc : memref<!tpu.dma_semaphore, #tpu.memory_space<semaphore_mem>>
      %dma_start3A = tpu.memref_slice %arg6[%mul3A_2] : memref<16384xf32, #tpu.memory_space<hbm>> -> memref<512xf32, #tpu.memory_space<hbm>>
      %dma_start3A_7 = tpu.memref_slice %arg6[%mul3A_2] : memref<16384xf32, #tpu.memory_space<hbm>> -> memref<512xf32, #tpu.memory_space<hbm>>
      tpu.enqueue_dma source(%arg13 : memref<512xf32, #tpu.memory_space<vmem>>) target(%dma_start3A_7 : memref<512xf32, #tpu.memory_space<hbm>>) target_semaphore(%run_scoped3A : memref<!tpu.dma_semaphore, #tpu.memory_space<semaphore_mem>>)
      %dma_wait3A = tpu.memref_slice %arg6[%mul3A_2] : memref<16384xf32, #tpu.memory_space<hbm>> -> memref<512xf32, #tpu.memory_space<hbm>>
      %dma_wait3A_8 = tpu.memref_slice %arg6[%mul3A_2] : memref<16384xf32, #tpu.memory_space<hbm>> -> memref<512xf32, #tpu.memory_space<hbm>>
      tpu.wait_dma2 semaphore(%run_scoped3A : memref<!tpu.dma_semaphore, #tpu.memory_space<semaphore_mem>>) src(%arg13 : memref<512xf32, #tpu.memory_space<vmem>>) dst(%dma_wait3A_8 : memref<512xf32, #tpu.memory_space<hbm>>)
      tpu.yield
    }) : () -> ()
    return
  }
}

</mosaic_0001>

<sc_bundles>
// kernel: kernel.3.cloned.1.call-start
scs
__scs_entry_jumppad:
0x0: {  	(pc) =	sbr.rel $0x88, $3  }
0x1: {  	(tag) =	ssettag $0x0;
	lr =	simm.s32 $0x1  }
0x2: {  	[smem:$0x3F9D] =	sst lr;
	_ =	strace $0xD0000000  }
0x3: {  	_ = 	snop  }
0x4: {  	_ = 	snop  }
0x5: {  	_ = 	snop  }
0x6: {  	_ = 	snop  }
0x7: {  	_ = 	snop  }
__scs_overlays_trampoline_lowered:
0x8: {  	[smem:$0x3FAC] =	sst s0  }
0x9: {  	[smem:$0x3FAD] =	sst s1  }
0xa: {  	[smem:$0x3FAE] =	sst s2  }
0xb: {  	[smem:$0x3FAF] =	sst s3  }
0xc: {  	[smem:$0x3FB0] =	sst s4  }
0xd: {  	[smem:$0x3FB1] =	sst s5  }
0xe: {  	[smem:$0x3FB2] =	sst s6  }
0xf: {  	[smem:$0x3FB3] =	sst s7  }
0x10: {  	[smem:$0x3FB4] =	sst s8  }
0x11: {  	[smem:$0x3FB5] =	sst s9;
	s0 =	simm.s32 @!p0 $0x0  }
0x12: {  	s1 =	sld [smem:$0x3F9B];
	s0 =	simm.s32 @p0 $0x1  }
0x13: {  	[smem:$0x3FB6] =	sst s0;
	s0 =	simm.s32 @!p1 $0x0  }
0x14: {  	s2 =	sld [smem:$0x3F9A];
	s0 =	simm.s32 @p1 $0x1  }
0x15: {  	[smem:$0x3FB7] =	sst s0;
	s0 =	simm.s32 @!p2 $0x0  }
0x16: {  	s3 =	sld [smem:$0x3FDB];
	s0 =	simm.s32 @p2 $0x1  }
0x17: {  	s4 =	simm.s32 $0x1BF5;
	[smem:$0x3FB9] =	sst s0  }
0x18: {  	s0 =	sld [smem:$0x3F9C];
	_ =	swait.ge [sflag:s4], $0x0  }
0x19: {  	s7 =	sld [smem:$0x3F9D]  }
0x1a: {  	s8 =	sadd.s32 $0xFFFFE003, lr  }
0x1b: {  	s9 =	sadd.s32 $0xFFFFFEF7, lr;
	s5 =	simm.s32 $0xFFFFFFFF;
	p2 =	slt.u32 s8, $0xFFFFF086  }
0x1c: {  	p1 =	slt.u32 s9, $0xF7A;
	s5 =	simm.s32 @!p2 $0x0  }
0x1d: {  	s5 =	simm.s32 @p1 $0x1;
	p0 =	seq.s32 s7, s2  }
0x1e: {  	s7 =	smul.u32 @!p0 $0xF7A, s2;
	p2 =	seq.s32 @!p0 s5, $0x0  }
0x1f: {  	s9 =	smul.u32 $0xF7A, s1;
	s8 =	simm.s32 @!p0 $0x1BF5;
	p2 =	por !p2, p0  }
0x20: {  	[sflag:s8] =	ssyncset.s32 @!p0 $0xFFFFF086;
	s6 =	sadd.s32 @!p0 s3, s7;
	s7 =	simm.s32 @!p0 $0x108  }
0x21: {  	s3 =	sadd.s32 s3, s9;
	s6 =	sadd.s32 @!p0 $0x88, s6;
	s7 =	simm.s32 @p2 $0x1082  }
0x22: {  	[simem:s7], [sflag:s8] =	dma.local @!p0 [hbm:s6], $0xF7A  }
0x23: {  	s9 =	sor.u32 $0xD0000000, s2;
	s6 =	simm.s32 $0x108;
	_ =	swait.ge @!p0 [sflag:s8], $0x0  }
0x24: {  	s3 =	sadd.s32 $0x88, s3;
	s6 =	simm.s32 @!p1 $0x1082;
	[sflag:s4] =	ssyncset.s32 $0xFFFFF086  }
0x25: {  	[simem:s6], [sflag:s4] =	dma.local [hbm:s3], $0xF7A  }
0x26: {  	[smem:$0x3F9D] =	sst s1;
	(tag) =	ssettag s2;
	_ =	strace s9  }
0x27: {  	s1 =	sld [smem:$0x3FAD]  }
0x28: {  	s2 =	sld [smem:$0x3FAE]  }
0x29: {  	s4 =	sld [smem:$0x3FB0]  }
0x2a: {  	p0 =	seq.s32 s5, $0x0;
	s5 =	sld [smem:$0x3FB1]  }
0x2b: {  	s6 =	sld [smem:$0x3FB2]  }
0x2c: {  	s7 =	sld [smem:$0x3FB3]  }
0x2d: {  	s3 =	simm.s32 $0x108;
	s8 =	sld [smem:$0x3FB4]  }
0x2e: {  	s3 =	simm.s32 @!p0 $0x1082;
	s9 =	sld [smem:$0x3FB5]  }
0x2f: {  	lr =	sadd.s32 s0, s3;
	s0 =	sld [smem:$0x3FAC]  }
0x30: {  	s3 =	sld [smem:$0x3FAF]  }
0x31: {  	[smem:$0x3FB8] =	sst s10  }
0x32: {  	s10 =	sld [smem:$0x3FB6];
	_ =	sdelay $0x3  }
0x33: {  	p0 =	seq.s32 s10, $0x1;
	s10 =	sld [smem:$0x3FB8];
	_ =	sdelay $0x3  }
0x34: {  	[smem:$0x3FB8] =	sst s10  }
0x35: {  	s10 =	sld [smem:$0x3FB7];
	_ =	sdelay $0x3  }
0x36: {  	p1 =	seq.s32 s10, $0x1;
	s10 =	sld [smem:$0x3FB8];
	_ =	sdelay $0x3  }
0x37: {  	[smem:$0x3FB8] =	sst s10  }
0x38: {  	s10 =	sld [smem:$0x3FB9]  }
0x39: {  	_ = 	snop;
	(pc) =	sbr.ind lr, $3  }
0x3a: {  	_ = 	snop  }
0x3b: {  	_ = 	snop  }
0x3c: {  	p2 =	seq.s32 s10, $0x1;
	s10 =	sld [smem:$0x3FB8]  }
0x3d: {  	_ =	shalt  }
0x3e: {  	_ =	shalt  }
0x3f: {  	_ =	shalt  }
0x40: {  	_ =	shalt  }
0x41: {  	_ =	shalt  }
0x42: {  	_ =	shalt  }
0x43: {  	_ =	shalt  }
0x44: {  	_ =	shalt  }
0x45: {  	_ =	shalt  }
0x46: {  	_ =	shalt  }
0x47: {  	_ =	shalt  }
0x48: {  	_ =	shalt  }
0x49: {  	_ =	shalt  }
0x4a: {  	_ =	shalt  }
0x4b: {  	_ =	shalt  }
0x4c: {  	_ =	shalt  }
0x4d: {  	_ =	shalt  }
0x4e: {  	_ =	shalt  }
0x4f: {  	_ =	shalt  }
0x50: {  	_ =	shalt  }
0x51: {  	_ =	shalt  }
0x52: {  	_ =	shalt  }
0x53: {  	_ =	shalt  }
0x54: {  	_ =	shalt  }
0x55: {  	_ =	shalt  }
0x56: {  	_ =	shalt  }
0x57: {  	_ =	shalt  }
0x58: {  	_ =	shalt  }
0x59: {  	_ =	shalt  }
0x5a: {  	_ =	shalt  }
0x5b: {  	_ =	shalt  }
0x5c: {  	_ =	shalt  }
0x5d: {  	_ =	shalt  }
0x5e: {  	_ =	shalt  }
0x5f: {  	_ =	shalt  }
0x60: {  	_ =	shalt  }
0x61: {  	_ =	shalt  }
0x62: {  	_ =	shalt  }
0x63: {  	_ =	shalt  }
0x64: {  	_ =	shalt  }
0x65: {  	_ =	shalt  }
0x66: {  	_ =	shalt  }
0x67: {  	_ =	shalt  }
0x68: {  	_ =	shalt  }
0x69: {  	_ =	shalt  }
0x6a: {  	_ =	shalt  }
0x6b: {  	_ =	shalt  }
0x6c: {  	_ =	shalt  }
0x6d: {  	_ =	shalt  }
0x6e: {  	_ =	shalt  }
0x6f: {  	_ =	shalt  }
0x70: {  	_ =	shalt  }
0x71: {  	_ =	shalt  }
0x72: {  	_ =	shalt  }
0x73: {  	_ =	shalt  }
0x74: {  	_ =	shalt  }
0x75: {  	_ =	shalt  }
0x76: {  	_ =	shalt  }
0x77: {  	_ =	shalt  }
0x78: {  	_ =	shalt  }
0x79: {  	_ =	shalt  }
0x7a: {  	_ =	shalt  }
0x7b: {  	_ =	shalt  }
0x7c: {  	_ =	shalt  }
0x7d: {  	_ =	shalt  }
0x7e: {  	_ =	shalt  }
0x7f: {  	_ =	shalt  }
0x80: {  	_ =	shalt  }
0x81: {  	_ =	shalt  }
0x82: {  	_ =	shalt  }
0x83: {  	_ =	shalt  }
0x84: {  	_ =	shalt  }
0x85: {  	_ =	shalt  }
0x86: {  	_ =	shalt  }
0x87: {  	_ =	shalt  }
.Lfunc_end0:
.L_simem_size_0:
called_computation_lowered:
.L_overlay_start_0:
0x88: {  	s2 =	sld [smem:$0x3FD9]  }
0x89: {  	s3 =	sld [smem:$0x3FFE];
	_ =	sdelay $0x1  }
0x8a: {  	s1 =	srdreg.scid  }
0x8b: {  	s0 =	sand.u32 $0x1, s1  }
0x8c: {  	s18 =	sshll.u32 s0, $0xA;
	s2 =	sadd.s32 s3, s2  }
0x8d: {  	s2 =	sadd.s32 s2, s18  }
0x8e: {  	[smem:$0x3FC4] =	sst s2  }
0x8f: {  	_ = 	snop  }
0x90: {  	s2 =	sld [smem:$0x3FC9]  }
0x91: {  	s19 =	sld [smem:$0x3FC8]  }
0x92: {  	s4 =	sld [smem:$0x3FC7]  }
0x93: {  	s5 =	sld [smem:$0x3FC6]  }
0x94: {  	s6 =	sld [smem:$0x3FD0];
	(tm) =	ssettm $0x1  }
0x95: {  	s7 =	sld [smem:$0x3FFB];
	_ =	sdelay $0x3  }
0x96: {  	_ =	strace s7  }
0x97: {  	s7 =	sld [smem:$0x3FFC];
	_ =	sdelay $0x3  }
0x98: {  	_ =	strace s7  }
0x99: {  	s7 =	sld [smem:$0x3FFD];
	_ =	sdelay $0x3  }
0x9a: {  	_ =	strace s7  }
0x9b: {  	_ =	strace $0x8FFFFFFF  }
0x9c: {  	s20 =	sld [smem:$0x3FDB];
	_ =	sdelay $0x1  }
0x9d: {  	s8 =	simm.s32 $_scs_section_size  }
0x9e: {  	s9 =	simm.s32 $_size__tile_overlayer_lowered;
	s10 =	simm.s32 $_tile_overlayer_lowered  }
0x9f: {  	s23 =	simm.s32 $0x1BFF;
	s22 =	sshll.u32 s10, $0x1;
	s7 =	sadd.s32 s8, s20  }
0xa0: {  	s11 =	simm.s32 $0x0;
	s21 =	sshll.u32 s9, $0x1;
	s9 =	sadd.s32 s22, s7  }
0xa1: {  	[timem:s11], [sflag:s23] =	dma.local [hbm:s9], s21  }
0xa2: {  	_ =	swait.ge [sflag:s23], s21  }
0xa3: {  	s8 =	ssub.s32 $0x0, s21;
	[sflag:s23] =	ssyncset.done $0x0  }
0xa4: {  	[sflag:s23] =	ssyncadd.s32 s8;
	_ =	sdelay $0x1  }
0xa5: {  	s24 =	simm.s32 $0x1B8B  }
0xa6: {  	_ =	swait.ge [sflag:s24], $0x1  }
0xa7: {  	[sflag:s24] =	ssyncset.done $0x0  }
0xa8: {  	s25 =	simm.s32 $0x1B8E;
	[sflag:s24] =	ssyncadd.s32 $0xFFFFFFFF  }
0xa9: {  	s26 =	simm.s32 $execute0_lowered;
	[smem:$0x3FD2] =	sst s25  }
0xaa: {  	s8 =	sshll.u32 s26, $0x1;
	_ =	strace $0x80000046;
	[dreg:$0x1] =	wrdreg $0xFFFFFFFF  }
0xab: {  	s28 =	simm.s32 $_size_execute0_lowered;
	s7 =	sadd.s32 s7, s8;
	[dreg:$0x0] =	wrdreg $0x0  }
0xac: {  	s8 =	sshll.u32 s28, $0x1;
	[dreg:$0x2] =	wrdreg s7  }
0xad: {  	[dreg:$0x3] =	wrdreg s8  }
0xae: {  	[dreg:$0x4] =	wrdreg $0xC0  }
0xaf: {  	_ =	task [dreg:s11], $0x5FFFF  }
0xb0: {  	[dreg:$0x1] =	wrdreg $0xFFFFFFFF  }
0xb1: {  	[dreg:$0x0] =	wrdreg $0x60  }
0xb2: {  	[dreg:$0x2] =	wrdreg s2  }
0xb3: {  	[dreg:$0x3] =	wrdreg s19  }
0xb4: {  	[dreg:$0x4] =	wrdreg s4  }
0xb5: {  	[dreg:$0x5] =	wrdreg s5  }
0xb6: {  	[dreg:$0x6] =	wrdreg s6  }
0xb7: {  	[dreg:$0x7] =	wrdreg $0x9  }
0xb8: {  	_ =	task.clear_ibuf [dreg:s11], $0x8FFFF;
	_ =	strace $0x90000046  }
0xb9: {  	s29 =	simm.s32 $0x9;
	_ =	strace $0x80000048  }
0xba: {  	_ =	swait.ge [sflag:s29], $0x1  }
0xbb: {  	[sflag:s29] =	ssyncadd.s32 $0xFFFFFFFF  }
0xbc: {  	_ =	strace $0x90000048  }
0xbd: {  	_ =	sfence  }
0xbe: {  	s30 =	sld [smem:$0x0];
	_ =	sdelay $0x2  }
0xbf: {  	s31 =	sshll.u32 s1, $0xD;
	s1 =	sshrl.u32 s1, $0x2  }
0xc0: {  	s3 =	sand.u32 $0x4000, s31;
	s1 =	sadd.s32 s1, s30  }
0xc1: {  	s0 =	sor.u32 s3, s0;
	s1 =	sshll.u32 s1, $0x11  }
0xc2: {  	s0 =	sor.u32 s1, s0  }
0xc3: {  	s0 =	sadd.s32 $0x8F2B, s0  }
0xc4: {  	[sflag:s0] =	ssyncadd.remote.s32 $0x1  }
0xc5: {  	_ =	sfence.sel $0xFFFF  }
0xc6: {  	[dreg:$0x0] =	wrdreg $0xFFFFFFFF;
	(pc) =	sbr.abs _section_cstart, $3  }
0xc7: {  	[dreg:$0x1] =	wrdreg $0xFFFFFFFF  }
0xc8: {  	_ =	task.clear_ibuf [dreg:s11], $0x2FFFF;
	_ =	strace $0x9FFFFFFF  }
0xc9: {  	(tm) =	ssettm $0x7FFFFFFF  }
tec
execute0_lowered:
.L_overlay_start_1:
0x0: {  	(tag) =	ssettag $0x1  }
0x1: {  	s0 =	rddreg [dreg:$0x0]  }
0x2: {  	s3 =	rddreg [dreg:$0x1]  }
0x3: {  	s1 =	rddreg [dreg:$0x2]  }
0x4: {  	s2 =	rddreg [dreg:$0x3]  }
0x5: {  	s5 =	rddreg [dreg:$0x4]  }
0x6: {  	s6 =	srdreg.scid;
	s4 =	simm.s32 $0x0;
	s8 =	stileid.u32  }
0x7: {  	s10 =	simm.s32 $0x5900;
	s11 =	simm.s32 $0xB900;
	s12 =	simm.s32 $0x11900  }
0x8: {  	s13 =	simm.s32 $0x17900;
	s14 =	simm.s32 $0x5D00;
	s15 =	simm.s32 $0xBD00  }
0x9: {  	s16 =	simm.s32 $0x11D00;
	s17 =	simm.s32 $0x17D00;
	s18 =	simm.s32 $0x6100  }
0xa: {  	s19 =	simm.s32 $0xC100;
	s20 =	simm.s32 $0x12100;
	s21 =	simm.s32 $0x18100  }
0xb: {  	s6 =	sand.u32 $0x1, s6;
	s8 =	sshll.u32 s8, $0x7;
	[smem:$0x7FF] =	sst s4  }
0xc: {  	s7 =	ssub.s32 $0x2, s6;
	s6 =	sshll.u32 s6, $0x6;
	_ =	strace $0x80000047  }
0xd: {  	s9 =	sshrl.u32 s7, $0x1;
	s6 =	sor.u32 s6, s8;
	s8 =	simm.s32 $0x11500  }
.Ltmp0:
0xe: {  	s7 =	ssub.s32 s7, s9;
	s0 =	sadd.s32 s0, s6;
	(pc) =	sbr.rel .LBB2_1-.Ltmp0, $4  }
0xf: {  	s29 =	sadd.s32 s3, s6;
	s30 =	sadd.s32 s5, s6;
	[dreg:$0x6] =	wrdreg s0  }
0x10: {  	s3 =	simm.s32 $0x7;
	s6 =	simm.s32 $0x5500;
	[dreg:$0x7] =	wrdreg s29  }
0x11: {  	s9 =	simm.s32 $0x17500;
	[dreg:$0x8] =	wrdreg s30;
	s31 =	smax.u32 s7, $0x1  }
0x12: {  	s5 =	simm.s32 $0x0;
	s7 =	simm.s32 $0xB500;
	[dreg:$0x9] =	wrdreg s31  }
.LBB2_15:
0x13: {  	s0 =	rddreg [dreg:$0x8];
	s3 =	simm.s32 $0x19500  }
0x14: {  	[hbm4b:s0+s4] =	stream.linear.scatter [tilespmem:s3], [sflag:$0x7], $0x200, $0x38;
	[tilespmem:$0x19700] =	vst v63  }
0x15: {  	s3 =	simm.s32 $0x7  }
0x16: {  	_ =	swait.ge [sflag:s3], $0x200  }
0x17: {  	s5 =	rddreg [dreg:$0xa]  }
0x18: {  	s31 =	rddreg [dreg:$0x9];
	s5 =	sadd.s32 $0x1, s5  }
0x19: {  	p0 =	sne.s32 s5, s31  }
.Ltmp1:
0x1a: {  	_ = 	snop;
	(pc) =	sbr.rel @!p0 .LBB2_16-.Ltmp1, $3  }
0x1b: {  	_ =	sdelay $0x1  }
0x1c: {  	[sflag:s3] =	ssyncset.done $0x0  }
0x1d: {  	[sflag:s3] =	ssyncadd.s32 $0xFFFFFE00  }
.LBB2_1:
0x1e: {  	[dreg:$0xa] =	wrdreg s5  }
0x1f: {  	s0 =	rddreg [dreg:$0x6]  }
0x20: {  	[tilespmem:s4], [sflag:$0x7] =	stream.linear.gather [hbm4b:s0+s4], $0x200, $0x38;
	[tilespmem:$0x19700] =	vst v63  }
0x21: {  	_ =	swait.ge [sflag:s3], $0x200  }
0x22: {  	s22 =	simm.s32 $0x280;
	[sflag:s3] =	ssyncset.done $0x0  }
.Ltmp2:
0x23: {  	s31 =	rddreg [dreg:$0x7];
	[sflag:s3] =	ssyncadd.s32 $0xFFFFFE00;
	(pc) =	sbr.rel .LBB2_2-.Ltmp2, $4  }
0x24: {  	[tilespmem:s22], [sflag:$0x7] =	stream.linear.gather [hbm4b:s31+s4], $0x200, $0x38;
	[tilespmem:$0x19700] =	vst v63  }
0x25: {  	_ =	swait.ge [sflag:s3], $0x200  }
0x26: {  	s23 =	simm.s32 $0xFFFFFFF0;
	[sflag:s3] =	ssyncset.done $0x0  }
0x27: {  	s24 =	simm.s32 $0x0;
	s25 =	simm.s32 $0x0;
	[sflag:s3] =	ssyncadd.s32 $0xFFFFFE00  }
.LBB2_14:
0x28: {  	s25 =	sadd.s32 $0x1, s25  }
0x29: {  	p0 =	sne.s32 s25, $0x42  }
.Ltmp3:
0x2a: {  	_ = 	snop;
	(pc) =	sbr.rel @!p0 .LBB2_15-.Ltmp3, $2  }
0x2b: {  	_ =	sdelay $0x2  }
0x2c: {  	s23 =	sadd.s32 $0x8, s23;
	s22 =	sadd.s32 $0x8, s22;
	s24 =	sadd.s32 $0x8, s24  }
.LBB2_2:
0x2d: {  	s0 =	smul.u32 $0xAB, s25;
	_ =	sdelay $0x1  }
0x2e: {  	s0 =	sshrl.u32 s0, $0x9  }
0x2f: {  	s0 =	sand.u32 $0x7F, s0  }
0x30: {  	s0 =	smul.u32 $0x3, s0;
	_ =	sdelay $0x1  }
0x31: {  	p0 =	sgt.u32 s25, $0x3F;
	s0 =	ssub.s32 s25, s0  }
0x32: {  	s26 =	sand.u32 @!p0 $0xFF, s0  }
0x33: {  	p1 =	sne.s32 @!p0 s26, $0x0  }
0x34: {  	p1 =	por p0, p1  }
.Ltmp4:
0x35: {  	_ = 	snop;
	(pc) =	sbr.rel @p1 .LBB2_4-.Ltmp4, $1  }
0x36: {  	_ =	sdelay $0x3  }
0x37: {  	v0 =	vld [tilespmem:s24+$0x0];
	_ =	sdelay $0x3  }
0x38: {  	v1 =	vld [tilespmem:s22+$0x0]  }
0x39: {  	(v2sf) =	vpush v0, $0x0;
	_ =	sdelay $0x3  }
0x3a: {  	(v2sf) =	vpush v1, $0x0;
	_ =	sdelay $0x4  }
0x3b: {  	(v2sf) =	vpush v0, $0x1;
	_ =	sdelay $0x5  }
0x3c: {  	s0 =	spop (v2sf)  }
0x3d: {  	(v2sf) =	vpush v1, $0x1;
	s0 =	sand.u32 $0xFFFFF80, s0  }
0x3e: {  	s3 =	simm.s32 $0x500;
	s0 =	sadd.s32 s1, s0  }
0x3f: {  	[tilespmem:s3], [sflag:$0x1] =	stream.linear.gather [hbm4b:s0+s4], $0x400, $0x38;
	[tilespmem:$0x19700] =	vst v63  }
0x40: {  	s28 =	simm.s32 $0x6500;
	s29 =	spop (v2sf);
	s0 =	sadd.s32 $0xF4280, s0  }
0x41: {  	(v2sf) =	vpush v0, $0x2;
	[tilespmem:s28], [sflag:$0x1] =	stream.linear.gather [hbm4b:s0+s4], $0x400, $0x38;
	[tilespmem:$0x19700] =	vst v63  }
0x42: {  	s0 =	sand.u32 $0xFFFFF80, s29  }
0x43: {  	s30 =	simm.s32 $0xC500;
	s0 =	sadd.s32 s2, s0  }
0x44: {  	[tilespmem:s30], [sflag:$0x4] =	stream.linear.gather [hbm4b:s0+s4], $0x400, $0x38;
	[tilespmem:$0x19700] =	vst v63  }
0x45: {  	s31 =	simm.s32 $0x12500;
	s3 =	spop (v2sf);
	s0 =	sadd.s32 $0xF4280, s0  }
0x46: {  	(v2sf) =	vpush v1, $0x2;
	[tilespmem:s31], [sflag:$0x4] =	stream.linear.gather [hbm4b:s0+s4], $0x400, $0x38;
	[tilespmem:$0x19700] =	vst v63  }
0x47: {  	s0 =	sand.u32 $0xFFFFF80, s3  }
0x48: {  	s5 =	simm.s32 $0x900;
	s0 =	sadd.s32 s1, s0  }
0x49: {  	[tilespmem:s5], [sflag:$0x1] =	stream.linear.gather [hbm4b:s0+s4], $0x400, $0x38;
	[tilespmem:$0x19700] =	vst v63  }
0x4a: {  	s28 =	simm.s32 $0x6900;
	s0 =	sadd.s32 $0xF4280, s0  }
0x4b: {  	[tilespmem:s28], [sflag:$0x1] =	stream.linear.gather [hbm4b:s0+s4], $0x400, $0x38;
	[tilespmem:$0x19700] =	vst v63  }
0x4c: {  	s29 =	spop (v2sf)  }
0x4d: {  	(v2sf) =	vpush v0, $0x3;
	s0 =	sand.u32 $0xFFFFF80, s29  }
0x4e: {  	s30 =	simm.s32 $0xC900;
	s0 =	sadd.s32 s2, s0  }
0x4f: {  	[tilespmem:s30], [sflag:$0x4] =	stream.linear.gather [hbm4b:s0+s4], $0x400, $0x38;
	[tilespmem:$0x19700] =	vst v63  }
0x50: {  	s31 =	simm.s32 $0x12900;
	s3 =	spop (v2sf);
	s0 =	sadd.s32 $0xF4280, s0  }
0x51: {  	(v2sf) =	vpush v1, $0x3;
	[tilespmem:s31], [sflag:$0x4] =	stream.linear.gather [hbm4b:s0+s4], $0x400, $0x38;
	[tilespmem:$0x19700] =	vst v63  }
0x52: {  	s0 =	sand.u32 $0xFFFFF80, s3  }
0x53: {  	s5 =	simm.s32 $0xD00;
	s0 =	sadd.s32 s1, s0  }
0x54: {  	[tilespmem:s5], [sflag:$0x1] =	stream.linear.gather [hbm4b:s0+s4], $0x400, $0x38;
	[tilespmem:$0x19700] =	vst v63  }
0x55: {  	s28 =	simm.s32 $0x6D00;
	s29 =	spop (v2sf);
	s0 =	sadd.s32 $0xF4280, s0  }
0x56: {  	(v2sf) =	vpush v0, $0x4;
	[tilespmem:s28], [sflag:$0x1] =	stream.linear.gather [hbm4b:s0+s4], $0x400, $0x38;
	[tilespmem:$0x19700] =	vst v63  }
0x57: {  	s0 =	sand.u32 $0xFFFFF80, s29  }
0x58: {  	s30 =	simm.s32 $0xCD00;
	s0 =	sadd.s32 s2, s0  }
0x59: {  	[tilespmem:s30], [sflag:$0x4] =	stream.linear.gather [hbm4b:s0+s4], $0x400, $0x38;
	[tilespmem:$0x19700] =	vst v63  }
0x5a: {  	s31 =	simm.s32 $0x12D00;
	s0 =	sadd.s32 $0xF4280, s0  }
0x5b: {  	[tilespmem:s31], [sflag:$0x4] =	stream.linear.gather [hbm4b:s0+s4], $0x400, $0x38;
	[tilespmem:$0x19700] =	vst v63  }
0x5c: {  	s3 =	spop (v2sf)  }
0x5d: {  	(v2sf) =	vpush v1, $0x4;
	s0 =	sand.u32 $0xFFFFF80, s3  }
0x5e: {  	s5 =	simm.s32 $0x1100;
	s0 =	sadd.s32 s1, s0  }
0x5f: {  	[tilespmem:s5], [sflag:$0x1] =	stream.linear.gather [hbm4b:s0+s4], $0x400, $0x38;
	[tilespmem:$0x19700] =	vst v63  }
0x60: {  	s28 =	simm.s32 $0x7100;
	s29 =	spop (v2sf);
	s0 =	sadd.s32 $0xF4280, s0  }
0x61: {  	(v2sf) =	vpush v0, $0x5;
	[tilespmem:s28], [sflag:$0x1] =	stream.linear.gather [hbm4b:s0+s4], $0x400, $0x38;
	[tilespmem:$0x19700] =	vst v63  }
0x62: {  	s0 =	sand.u32 $0xFFFFF80, s29  }
0x63: {  	s30 =	simm.s32 $0xD100;
	s0 =	sadd.s32 s2, s0  }
0x64: {  	[tilespmem:s30], [sflag:$0x4] =	stream.linear.gather [hbm4b:s0+s4], $0x400, $0x38;
	[tilespmem:$0x19700] =	vst v63  }
0x65: {  	s31 =	simm.s32 $0x13100;
	s3 =	spop (v2sf);
	s0 =	sadd.s32 $0xF4280, s0  }
0x66: {  	(v2sf) =	vpush v1, $0x5;
	[tilespmem:s31], [sflag:$0x4] =	stream.linear.gather [hbm4b:s0+s4], $0x400, $0x38;
	[tilespmem:$0x19700] =	vst v63  }
0x67: {  	s0 =	sand.u32 $0xFFFFF80, s3  }
0x68: {  	s5 =	simm.s32 $0x1500;
	s0 =	sadd.s32 s1, s0  }
0x69: {  	[tilespmem:s5], [sflag:$0x1] =	stream.linear.gather [hbm4b:s0+s4], $0x400, $0x38;
	[tilespmem:$0x19700] =	vst v63  }
0x6a: {  	s28 =	simm.s32 $0x7500;
	s0 =	sadd.s32 $0xF4280, s0  }
0x6b: {  	[tilespmem:s28], [sflag:$0x1] =	stream.linear.gather [hbm4b:s0+s4], $0x400, $0x38;
	[tilespmem:$0x19700] =	vst v63  }
0x6c: {  	s29 =	spop (v2sf)  }
0x6d: {  	(v2sf) =	vpush v0, $0x6;
	s0 =	sand.u32 $0xFFFFF80, s29  }
0x6e: {  	s30 =	simm.s32 $0xD500;
	s0 =	sadd.s32 s2, s0  }
0x6f: {  	[tilespmem:s30], [sflag:$0x4] =	stream.linear.gather [hbm4b:s0+s4], $0x400, $0x38;
	[tilespmem:$0x19700] =	vst v63  }
0x70: {  	s31 =	simm.s32 $0x13500;
	s3 =	spop (v2sf);
	s0 =	sadd.s32 $0xF4280, s0  }
0x71: {  	(v2sf) =	vpush v1, $0x6;
	[tilespmem:s31], [sflag:$0x4] =	stream.linear.gather [hbm4b:s0+s4], $0x400, $0x38;
	[tilespmem:$0x19700] =	vst v63  }
0x72: {  	s0 =	sand.u32 $0xFFFFF80, s3  }
0x73: {  	s5 =	simm.s32 $0x1900;
	s0 =	sadd.s32 s1, s0  }
0x74: {  	[tilespmem:s5], [sflag:$0x1] =	stream.linear.gather [hbm4b:s0+s4], $0x400, $0x38;
	[tilespmem:$0x19700] =	vst v63  }
0x75: {  	s28 =	simm.s32 $0x7900;
	s29 =	spop (v2sf);
	s0 =	sadd.s32 $0xF4280, s0  }
0x76: {  	(v2sf) =	vpush v0, $0x7;
	[tilespmem:s28], [sflag:$0x1] =	stream.linear.gather [hbm4b:s0+s4], $0x400, $0x38;
	[tilespmem:$0x19700] =	vst v63  }
0x77: {  	s0 =	sand.u32 $0xFFFFF80, s29  }
0x78: {  	s30 =	simm.s32 $0xD900;
	s0 =	sadd.s32 s2, s0  }
0x79: {  	[tilespmem:s30], [sflag:$0x4] =	stream.linear.gather [hbm4b:s0+s4], $0x400, $0x38;
	[tilespmem:$0x19700] =	vst v63  }
0x7a: {  	s31 =	simm.s32 $0x13900;
	s0 =	sadd.s32 $0xF4280, s0  }
0x7b: {  	[tilespmem:s31], [sflag:$0x4] =	stream.linear.gather [hbm4b:s0+s4], $0x400, $0x38;
	[tilespmem:$0x19700] =	vst v63  }
0x7c: {  	s3 =	spop (v2sf)  }
0x7d: {  	(v2sf) =	vpush v1, $0x7;
	s0 =	sand.u32 $0xFFFFF80, s3  }
0x7e: {  	s5 =	simm.s32 $0x1D00;
	s0 =	sadd.s32 s1, s0  }
0x7f: {  	[tilespmem:s5], [sflag:$0x1] =	stream.linear.gather [hbm4b:s0+s4], $0x400, $0x38;
	[tilespmem:$0x19700] =	vst v63  }
0x80: {  	s28 =	simm.s32 $0x7D00;
	s29 =	spop (v2sf);
	s0 =	sadd.s32 $0xF4280, s0  }
0x81: {  	[tilespmem:s28], [sflag:$0x1] =	stream.linear.gather [hbm4b:s0+s4], $0x400, $0x38;
	[tilespmem:$0x19700] =	vst v63  }
0x82: {  	s0 =	sand.u32 $0xFFFFF80, s29  }
0x83: {  	s30 =	simm.s32 $0xDD00;
	s0 =	sadd.s32 s2, s0  }
0x84: {  	[tilespmem:s30], [sflag:$0x4] =	stream.linear.gather [hbm4b:s0+s4], $0x400, $0x38;
	[tilespmem:$0x19700] =	vst v63  }
0x85: {  	s31 =	simm.s32 $0x13D00;
	s3 =	spop (v2sf);
	s0 =	sadd.s32 $0xF4280, s0  }
0x86: {  	[tilespmem:s31], [sflag:$0x4] =	stream.linear.gather [hbm4b:s0+s4], $0x400, $0x38;
	[tilespmem:$0x19700] =	vst v63  }
0x87: {  	s0 =	sand.u32 $0xFFFFF80, s3  }
0x88: {  	s5 =	simm.s32 $0x2100;
	s0 =	sadd.s32 s1, s0  }
0x89: {  	[tilespmem:s5], [sflag:$0x1] =	stream.linear.gather [hbm4b:s0+s4], $0x400, $0x38;
	[tilespmem:$0x19700] =	vst v63  }
0x8a: {  	s28 =	simm.s32 $0x8100;
	s0 =	sadd.s32 $0xF4280, s0  }
0x8b: {  	[tilespmem:s28], [sflag:$0x1] =	stream.linear.gather [hbm4b:s0+s4], $0x400, $0x38;
	[tilespmem:$0x19700] =	vst v63  }
0x8c: {  	s29 =	spop (v2sf)  }
0x8d: {  	s0 =	sand.u32 $0xFFFFF80, s29  }
0x8e: {  	s30 =	simm.s32 $0xE100;
	s0 =	sadd.s32 s2, s0  }
0x8f: {  	[tilespmem:s30], [sflag:$0x4] =	stream.linear.gather [hbm4b:s0+s4], $0x400, $0x38;
	[tilespmem:$0x19700] =	vst v63  }
0x90: {  	s31 =	simm.s32 $0x14100;
	s0 =	sadd.s32 $0xF4280, s0  }
0x91: {  	[tilespmem:s31], [sflag:$0x4] =	stream.linear.gather [hbm4b:s0+s4], $0x400, $0x38;
	[tilespmem:$0x19700] =	vst v63  }
.LBB2_4:
0x92: {  	s0 =	sshll.u32 s25, $0x18  }
0x93: {  	s0 =	sadd.s32 $0xFE000000, s0  }
0x94: {  	s0 =	sshra.s32 s0, $0x18  }
0x95: {  	s0 =	smul.u32 $0x56, s0;
	_ =	sdelay $0x1  }
0x96: {  	s3 =	sshrl.u32 s0, $0x1F;
	s0 =	sshrl.u32 s0, $0x8  }
0x97: {  	s0 =	sadd.s32 s3, s0  }
0x98: {  	s3 =	smul.u32 $0xFFFFFFFD, s0  }
0x99: {  	s5 =	ssub.s32 $0x2, s25  }
0x9a: {  	s5 =	sand.u32 $0xFF, s5;
	s3 =	sand.u32 $0xFF, s3  }
0x9b: {  	p1 =	slt.u32 s25, $0x3;
	p2 =	sne.s32 s3, s5  }
0x9c: {  	p1 =	por !p1, !p2  }
0x9d: {  	s0 =	sshll.u32 s0, $0x18;
	s3 =	simm.s32 $0x1;
	p1 =	por !p1, !p1  }
0x9e: {  	s0 =	sshra.s32 s0, $0x18;
	s3 =	simm.s32 @!p1 $0x0  }
0x9f: {  	s0 =	ssub.s32 s0, s3  }
0xa0: {  	s28 =	smul.u32 $0x3, s0;
	_ =	sdelay $0x1  }
0xa1: {  	p1 =	slt.u32 s25, $0x2;
	s0 =	sadd.s32 $0x2, s28  }
0xa2: {  	p2 =	sne.s32 @!p1 s0, s25  }
0xa3: {  	p2 =	por p1, p2  }
0xa4: {  	s0 =	simm.s32 @!p2 $0x1  }
0xa5: {  	_ =	swait.ge @!p2 [sflag:s0], $0x4000  }
0xa6: {  	[sflag:s0] =	ssyncset.done @!p2 $0x0  }
0xa7: {  	[sflag:s0] =	ssyncadd.s32 @!p2 $0xFFFFC000;
	s0 =	simm.s32 @!p2 $0x4  }
0xa8: {  	_ =	swait.ge @!p2 [sflag:s0], $0x4000  }
0xa9: {  	[sflag:s0] =	ssyncset.done @!p2 $0x0  }
0xaa: {  	[sflag:s0] =	ssyncadd.s32 @!p2 $0xFFFFC000  }
0xab: {  	v1 =	vld @!p2 [tilespmem:s24+$0xFFFFFFF0];
	_ =	sdelay $0x1  }
0xac: {  	v2 =	vld @!p2 [tilespmem:s22+$0xFFFFFFF0]  }
0xad: {  	v0 =	vimm.s32 @!p2 $0x6380;
	vm14 =	vcmask @!p2 $0x300  }
0xae: {  	vm13 =	vcmask @!p2 $0x704;
	v0 =	vsel @!p2 vm14, $0x0, v0  }
0xaf: {  	vm11 =	vcmask @!p2 $0xB08;
	v0 =	vsel @!p2 vm13, $0x80, v0;
	(v2sf) =	vpush @!p2 v1, $0x0  }
0xb0: {  	vm12 =	vcmask @!p2 $0xF0C;
	v0 =	vsel @!p2 vm11, $0x100, v0  }
0xb1: {  	vm9 =	vcmask @!p2 $0x1310;
	v0 =	vsel @!p2 vm12, $0x180, v0;
	(v2sf) =	vpush @!p2 v2, $0x0  }
0xb2: {  	vm4 =	vcmask @!p2 $0x1714;
	v0 =	vsel @!p2 vm9, $0x200, v0  }
0xb3: {  	vm2 =	vcmask @!p2 $0x1B18;
	v0 =	vsel @!p2 vm4, $0x280, v0  }
0xb4: {  	vm0 =	vcmask @!p2 $0x1F1C;
	v3 =	vimm.s32 @!p2 $0x6780;
	v0 =	vsel @!p2 vm2, $0x300, v0  }
0xb5: {  	vm1 =	vcmask @!p2 $0x2320;
	v3 =	vsel @!p2 vm14, $0x400, v3;
	v0 =	vsel @!p2 vm0, $0x380, v0  }
0xb6: {  	vm3 =	vcmask @!p2 $0x2724;
	v3 =	vsel @!p2 vm13, $0x480, v3;
	v0 =	vsel @!p2 vm1, $0x6000, v0  }
0xb7: {  	vm5 =	vcmask @!p2 $0x2B28;
	v3 =	vsel @!p2 vm11, $0x500, v3;
	v0 =	vsel @!p2 vm3, $0x6080, v0  }
0xb8: {  	vm7 =	vcmask @!p2 $0x2F2C;
	v3 =	vsel @!p2 vm12, $0x580, v3;
	v0 =	vsel @!p2 vm5, $0x6100, v0  }
0xb9: {  	vm8 =	vcmask @!p2 $0x3330;
	v3 =	vsel @!p2 vm9, $0x600, v3;
	v0 =	vsel @!p2 vm7, $0x6180, v0  }
0xba: {  	vm6 =	vcmask @!p2 $0x3734;
	v3 =	vsel @!p2 vm4, $0x680, v3;
	v0 =	vsel @!p2 vm8, $0x6200, v0  }
0xbb: {  	vm10 =	vcmask @!p2 $0x3B38;
	v3 =	vsel @!p2 vm2, $0x700, v3;
	v0 =	vsel @!p2 vm6, $0x6280, v0  }
0xbc: {  	v4 =	vsel @!p2 vm10, $0x6300, v0;
	v0 =	vsel @!p2 vm0, $0x780, v3;
	v3 =	vimm.s32 @!p2 $0x6B80  }
0xbd: {  	v3 =	vsel @!p2 vm14, $0x800, v3  }
0xbe: {  	v9 =	vimm.s32 @!p2 $0x6F80;
	v3 =	vsel @!p2 vm13, $0x880, v3;
	s0 =	spop @!p2 (v2sf)  }
0xbf: {  	v6 =	vlaneseq.u32 @!p2;
	v9 =	vsel @!p2 vm14, $0xC00, v9;
	v3 =	vsel @!p2 vm11, $0x900, v3;
	s0 =	sand.u32 @!p2 $0x7F, s0  }
0xc0: {  	v9 =	vsel @!p2 vm13, $0xC80, v9;
	v3 =	vsel @!p2 vm12, $0x980, v3;
	v5 =	vor.u32 @!p2 s0, v4;
	s0 =	spop @!p2 (v2sf)  }
0xc1: {  	v1 =	vand.u32 @!p2 $0x7F, v1;
	v0 =	vsel @!p2 vm1, $0x6400, v0;
	v3 =	vsel @!p2 vm9, $0xA00, v3;
	s0 =	sand.u32 @!p2 $0x7F, s0  }
0xc2: {  	v7 =	vsel @!p2 vm3, $0x6480, v0;
	v3 =	vsel @!p2 vm4, $0xA80, v3;
	v4 =	vor.u32 @!p2 s0, v4  }
0xc3: {  	v0 =	vmul.u32 @!p2 $0x80, v6;
	v6 =	vsel @!p2 vm5, $0x6500, v7;
	v3 =	vsel @!p2 vm2, $0xB00, v3  }
0xc4: {  	s29 =	sand.u32 @!p2 $0x1, s25;
	v8 =	vbroadcast @!p2 v1, $0x1;
	v6 =	vsel @!p2 vm7, $0x6580, v6;
	v3 =	vsel @!p2 vm0, $0xB80, v3  }
0xc5: {  	s31 =	simm.s32 @!p2 $0x500;
	s30 =	sshll.u32 @!p2 s29, $0x3;
	v2 =	vand.u32 @!p2 $0x7F, v2;
	v6 =	vsel @!p2 vm8, $0x6600, v6;
	v3 =	vsel @!p2 vm1, $0x6800, v3  }
0xc6: {  	v7 =	vor.u32 @!p2 s30, v0;
	v6 =	vsel @!p2 vm6, $0x6680, v6;
	v3 =	vsel @!p2 vm3, $0x6880, v3;
	s0 =	simm.s32 @!p2 $0xC500;
	v5 =	vld.idx.msk @!p2 [tilespmem:v5+s31+$0x0], $0xffff  }
0xc7: {  	v10 =	vbroadcast @!p2 v2, $0x1;
	v6 =	vsel @!p2 vm10, $0x6700, v6;
	v3 =	vsel @!p2 vm5, $0x6900, v3;
	v4 =	vld.idx.msk @!p2 [tilespmem:v4+s0+$0x0], $0xffff  }
0xc8: {  	v9 =	vsel @!p2 vm11, $0xD00, v9;
	v8 =	vor.u32 @!p2 v6, v8;
	v3 =	vsel @!p2 vm7, $0x6980, v3  }
0xc9: {  	v9 =	vsel @!p2 vm12, $0xD80, v9;
	v6 =	vor.u32 @!p2 v6, v10;
	v3 =	vsel @!p2 vm8, $0x6A00, v3  }
0xca: {  	s3 =	simm.s32 @!p2 $0x18500;
	v9 =	vsel @!p2 vm9, $0xE00, v9;
	v10 =	vor.u32 @!p2 $0x1, v0;
	v3 =	vsel @!p2 vm6, $0x6A80, v3  }
0xcb: {  	s5 =	simm.s32 @!p2 $0x18D00;
	v9 =	vsel @!p2 vm4, $0xE80, v9;
	v10 =	vor.u32 @!p2 s30, v10;
	v3 =	vsel @!p2 vm10, $0x6B00, v3;
	[tilespmem:v7+s3+$0x0] =	vst.idx.msk @!p2 $0xffff, v5  }
0xcc: {  	v5 =	vbroadcast @!p2 v1, $0x2;
	[tilespmem:v7+s5+$0x0] =	vst.idx.msk @!p2 $0xffff, v4;
	v4 =	vsel @!p2 vm2, $0xF00, v9;
	v7 =	vimm.s32 @!p2 $0x7380  }
0xcd: {  	v9 =	vbroadcast @!p2 v2, $0x2;
	v8 =	vld.idx.msk @!p2 [tilespmem:v8+s31+$0x0], $0xffff;
	v4 =	vsel @!p2 vm0, $0xF80, v4;
	v7 =	vsel @!p2 vm14, $0x1000, v7  }
0xce: {  	v5 =	vor.u32 @!p2 v3, v5;
	v6 =	vld.idx.msk @!p2 [tilespmem:v6+s0+$0x0], $0xffff;
	v4 =	vsel @!p2 vm1, $0x6C00, v4;
	v7 =	vsel @!p2 vm13, $0x1080, v7  }
0xcf: {  	v3 =	vor.u32 @!p2 v3, v9;
	v4 =	vsel @!p2 vm3, $0x6C80, v4;
	v7 =	vsel @!p2 vm11, $0x1100, v7  }
0xd0: {  	v9 =	vor.u32 @!p2 $0x2, v0;
	v4 =	vsel @!p2 vm5, $0x6D00, v4;
	v7 =	vsel @!p2 vm12, $0x1180, v7  }
0xd1: {  	v9 =	vor.u32 @!p2 s30, v9;
	v4 =	vsel @!p2 vm7, $0x6D80, v4;
	v7 =	vsel @!p2 vm9, $0x1200, v7  }
0xd2: {  	[tilespmem:v10+s3+$0x0] =	vst.idx.msk @!p2 $0xffff, v8;
	v8 =	vbroadcast @!p2 v1, $0x3;
	v4 =	vsel @!p2 vm8, $0x6E00, v4;
	v7 =	vsel @!p2 vm4, $0x1280, v7  }
0xd3: {  	[tilespmem:v10+s5+$0x0] =	vst.idx.msk @!p2 $0xffff, v6;
	v4 =	vsel @!p2 vm6, $0x6E80, v4;
	v6 =	vsel @!p2 vm2, $0x1300, v7;
	v7 =	vimm.s32 @!p2 $0x7780  }
0xd4: {  	v10 =	vbroadcast @!p2 v2, $0x3;
	v5 =	vld.idx.msk @!p2 [tilespmem:v5+s31+$0x0], $0xffff;
	v6 =	vsel @!p2 vm0, $0x1380, v6;
	v7 =	vsel @!p2 vm14, $0x1400, v7  }
0xd5: {  	v4 =	vsel @!p2 vm10, $0x6F00, v4;
	v3 =	vld.idx.msk @!p2 [tilespmem:v3+s0+$0x0], $0xffff;
	v6 =	vsel @!p2 vm1, $0x7000, v6;
	v7 =	vsel @!p2 vm13, $0x1480, v7  }
0xd6: {  	v8 =	vor.u32 @!p2 v4, v8;
	v6 =	vsel @!p2 vm3, $0x7080, v6;
	v7 =	vsel @!p2 vm11, $0x1500, v7  }
0xd7: {  	v4 =	vor.u32 @!p2 v4, v10;
	v6 =	vsel @!p2 vm5, $0x7100, v6;
	v7 =	vsel @!p2 vm12, $0x1580, v7  }
0xd8: {  	v10 =	vor.u32 @!p2 $0x3, v0;
	v6 =	vsel @!p2 vm7, $0x7180, v6;
	v7 =	vsel @!p2 vm9, $0x1600, v7  }
0xd9: {  	[tilespmem:v9+s3+$0x0] =	vst.idx.msk @!p2 $0xffff, v5;
	v5 =	vor.u32 @!p2 s30, v10;
	v6 =	vsel @!p2 vm8, $0x7200, v6;
	v7 =	vsel @!p2 vm4, $0x1680, v7  }
0xda: {  	v10 =	vbroadcast @!p2 v2, $0x4;
	[tilespmem:v9+s5+$0x0] =	vst.idx.msk @!p2 $0xffff, v3;
	v3 =	vbroadcast @!p2 v1, $0x4;
	v7 =	vsel @!p2 vm2, $0x1700, v7  }
0xdb: {  	v6 =	vsel @!p2 vm6, $0x7280, v6;
	v9 =	vimm.s32 @!p2 $0x7B80;
	v8 =	vld.idx.msk @!p2 [tilespmem:v8+s31+$0x0], $0xffff;
	v7 =	vsel @!p2 vm0, $0x1780, v7  }
0xdc: {  	v6 =	vsel @!p2 vm10, $0x7300, v6;
	v4 =	vld.idx.msk @!p2 [tilespmem:v4+s0+$0x0], $0xffff;
	v9 =	vsel @!p2 vm14, $0x1800, v9;
	v7 =	vsel @!p2 vm1, $0x7400, v7  }
0xdd: {  	v3 =	vor.u32 @!p2 v6, v3;
	v9 =	vsel @!p2 vm13, $0x1880, v9;
	v7 =	vsel @!p2 vm3, $0x7480, v7  }
0xde: {  	v6 =	vor.u32 @!p2 v6, v10;
	v9 =	vsel @!p2 vm11, $0x1900, v9;
	v7 =	vsel @!p2 vm5, $0x7500, v7  }
0xdf: {  	v10 =	vor.u32 @!p2 $0x4, v0;
	v9 =	vsel @!p2 vm12, $0x1980, v9;
	v7 =	vsel @!p2 vm7, $0x7580, v7  }
0xe0: {  	v9 =	vsel @!p2 vm9, $0x1A00, v9;
	[tilespmem:v5+s3+$0x0] =	vst.idx.msk @!p2 $0xffff, v8;
	v8 =	vor.u32 @!p2 s30, v10;
	v7 =	vsel @!p2 vm8, $0x7600, v7  }
0xe1: {  	v10 =	vbroadcast @!p2 v2, $0x5;
	[tilespmem:v5+s5+$0x0] =	vst.idx.msk @!p2 $0xffff, v4;
	v5 =	vsel @!p2 vm6, $0x7680, v7;
	v7 =	vsel @!p2 vm4, $0x1A80, v9  }
0xe2: {  	v4 =	vbroadcast @!p2 v1, $0x5;
	v9 =	vimm.s32 @!p2 $0x7F80;
	v3 =	vld.idx.msk @!p2 [tilespmem:v3+s31+$0x0], $0xffff;
	v7 =	vsel @!p2 vm2, $0x1B00, v7  }
0xe3: {  	v5 =	vsel @!p2 vm10, $0x7700, v5;
	v6 =	vld.idx.msk @!p2 [tilespmem:v6+s0+$0x0], $0xffff;
	v9 =	vsel @!p2 vm14, $0x1C00, v9;
	v7 =	vsel @!p2 vm0, $0x1B80, v7  }
0xe4: {  	v9 =	vsel @!p2 vm13, $0x1C80, v9;
	v4 =	vor.u32 @!p2 v5, v4;
	v7 =	vsel @!p2 vm1, $0x7800, v7  }
0xe5: {  	v5 =	vor.u32 @!p2 v5, v10;
	v9 =	vsel @!p2 vm11, $0x1D00, v9;
	v7 =	vsel @!p2 vm3, $0x7880, v7  }
0xe6: {  	v9 =	vsel @!p2 vm12, $0x1D80, v9;
	v7 =	vsel @!p2 vm5, $0x7900, v7  }
0xe7: {  	v9 =	vsel @!p2 vm9, $0x1E00, v9;
	[tilespmem:v8+s3+$0x0] =	vst.idx.msk @!p2 $0xffff, v3;
	v3 =	vor.u32 @!p2 $0x5, v0;
	v7 =	vsel @!p2 vm7, $0x7980, v7  }
0xe8: {  	[tilespmem:v8+s5+$0x0] =	vst.idx.msk @!p2 $0xffff, v6;
	v3 =	vor.u32 @!p2 s30, v3;
	v6 =	vsel @!p2 vm8, $0x7A00, v7;
	v7 =	vsel @!p2 vm4, $0x1E80, v9  }
0xe9: {  	v8 =	vbroadcast @!p2 v1, $0x6;
	v4 =	vld.idx.msk @!p2 [tilespmem:v4+s31+$0x0], $0xffff;
	v6 =	vsel @!p2 vm6, $0x7A80, v6;
	v7 =	vsel @!p2 vm2, $0x1F00, v7  }
0xea: {  	v9 =	vbroadcast @!p2 v2, $0x6;
	v5 =	vld.idx.msk @!p2 [tilespmem:v5+s0+$0x0], $0xffff;
	v6 =	vsel @!p2 vm10, $0x7B00, v6;
	v7 =	vsel @!p2 vm0, $0x1F80, v7  }
0xeb: {  	v8 =	vor.u32 @!p2 v6, v8;
	v7 =	vsel @!p2 vm1, $0x7C00, v7  }
0xec: {  	v6 =	vor.u32 @!p2 v6, v9;
	v7 =	vsel @!p2 vm3, $0x7C80, v7  }
0xed: {  	v7 =	vsel @!p2 vm5, $0x7D00, v7  }
0xee: {  	[tilespmem:v3+s3+$0x0] =	vst.idx.msk @!p2 $0xffff, v4;
	v4 =	vsel @!p2 vm7, $0x7D80, v7  }
0xef: {  	[tilespmem:v3+s5+$0x0] =	vst.idx.msk @!p2 $0xffff, v5;
	v3 =	vor.u32 @!p2 $0x6, v0;
	v4 =	vsel @!p2 vm8, $0x7E00, v4  }
0xf0: {  	v1 =	vbroadcast @!p2 v1, $0x7;
	v5 =	vld.idx.msk @!p2 [tilespmem:v8+s31+$0x0], $0xffff;
	v3 =	vor.u32 @!p2 s30, v3;
	v4 =	vsel @!p2 vm6, $0x7E80, v4  }
0xf1: {  	v2 =	vbroadcast @!p2 v2, $0x7;
	v6 =	vld.idx.msk @!p2 [tilespmem:v6+s0+$0x0], $0xffff;
	v4 =	vsel @!p2 vm10, $0x7F00, v4  }
0xf2: {  	v1 =	vor.u32 @!p2 v4, v1  }
0xf3: {  	v2 =	vor.u32 @!p2 v4, v2;
	_ =	sdelay $0x1  }
0xf4: {  	[tilespmem:v3+s3+$0x0] =	vst.idx.msk @!p2 $0xffff, v5  }
0xf5: {  	v0 =	vor.u32 @!p2 $0x7, v0;
	[tilespmem:v3+s5+$0x0] =	vst.idx.msk @!p2 $0xffff, v6  }
0xf6: {  	p3 =	seq.s32 @!p2 s29, $0x0;
	v0 =	vor.u32 @!p2 s30, v0;
	v1 =	vld.idx.msk @!p2 [tilespmem:v1+s31+$0x0], $0xffff  }
0xf7: {  	p3 =	por p2, p3;
	v2 =	vld.idx.msk @!p2 [tilespmem:v2+s0+$0x0], $0xffff  }
.Ltmp5:
0xf8: {  	_ = 	snop;
	(pc) =	sbr.rel @p3 .LBB2_6-.Ltmp5, $3  }
0xf9: {  	_ =	sdelay $0x1  }
0xfa: {  	[tilespmem:v0+s3+$0x0] =	vst.idx.msk @!p2 $0xffff, v1  }
0xfb: {  	[tilespmem:v0+s5+$0x0] =	vst.idx.msk @!p2 $0xffff, v2  }
0xfc: {  	v0 =	vld [tilespmem:$0x18500]  }
0xfd: {  	v1 =	vld [tilespmem:$0x18D00]  }
0xfe: {  	v2 =	vld [tilespmem:$0x18580]  }
0xff: {  	v3 =	vld [tilespmem:$0x18D80]  }
0x100: {  	v4 =	vld [tilespmem:$0x18600]  }
0x101: {  	v5 =	vld [tilespmem:$0x18E00]  }
0x102: {  	v27 =	vld [tilespmem:$0x18680];
	v0 =	vmul.f32 v1, v0  }
0x103: {  	v6 =	vld [tilespmem:$0x18E80]  }
0x104: {  	v28 =	vld [tilespmem:$0x18700];
	v2 =	vmul.f32 v3, v2;
	v0 =	vadd.f32 $0.0e+00, v0  }
0x105: {  	v7 =	vld [tilespmem:$0x18F00]  }
0x106: {  	v30 =	vld [tilespmem:$0x18780];
	v29 =	vmul.f32 v5, v4;
	v0 =	vadd.f32 v2, v0  }
0x107: {  	v31 =	vld [tilespmem:$0x18F80]  }
0x108: {  	v32 =	vld [tilespmem:$0x18800];
	v1 =	vmul.f32 v6, v27;
	v0 =	vadd.f32 v29, v0  }
0x109: {  	v33 =	vld [tilespmem:$0x19000]  }
0x10a: {  	v35 =	vld [tilespmem:$0x18880];
	v34 =	vmul.f32 v7, v28;
	v0 =	vadd.f32 v1, v0  }
0x10b: {  	v36 =	vld [tilespmem:$0x19080]  }
0x10c: {  	v38 =	vld [tilespmem:$0x18900];
	v37 =	vmul.f32 v31, v30;
	v0 =	vadd.f32 v34, v0  }
0x10d: {  	v39 =	vld [tilespmem:$0x19100]  }
0x10e: {  	v41 =	vld [tilespmem:$0x18980];
	v40 =	vmul.f32 v33, v32;
	v0 =	vadd.f32 v37, v0  }
0x10f: {  	v42 =	vld [tilespmem:$0x19180]  }
0x110: {  	v44 =	vld [tilespmem:$0x18A00];
	v43 =	vmul.f32 v36, v35;
	v0 =	vadd.f32 v40, v0  }
0x111: {  	v45 =	vld [tilespmem:$0x19200]  }
0x112: {  	v47 =	vld [tilespmem:$0x18A80];
	v46 =	vmul.f32 v39, v38;
	v0 =	vadd.f32 v43, v0  }
0x113: {  	v48 =	vld [tilespmem:$0x19280]  }
0x114: {  	v50 =	vld [tilespmem:$0x18B00];
	v49 =	vmul.f32 v42, v41;
	v0 =	vadd.f32 v46, v0  }
0x115: {  	v51 =	vld [tilespmem:$0x19300]  }
0x116: {  	v53 =	vld [tilespmem:$0x18B80];
	v52 =	vmul.f32 v45, v44;
	v0 =	vadd.f32 v49, v0  }
0x117: {  	v54 =	vld [tilespmem:$0x19380]  }
0x118: {  	v56 =	vld [tilespmem:$0x18C00];
	v55 =	vmul.f32 v48, v47;
	v0 =	vadd.f32 v52, v0  }
0x119: {  	v57 =	vld [tilespmem:$0x19400]  }
0x11a: {  	v59 =	vld [tilespmem:$0x18C80];
	v58 =	vmul.f32 v51, v50;
	v0 =	vadd.f32 v55, v0  }
0x11b: {  	v60 =	vld [tilespmem:$0x19480]  }
0x11c: {  	v61 =	vmul.f32 v54, v53;
	v0 =	vadd.f32 v58, v0;
	_ =	sdelay $0x1  }
0x11d: {  	v62 =	vmul.f32 v57, v56;
	v0 =	vadd.f32 v61, v0;
	_ =	sdelay $0x1  }
0x11e: {  	v63 =	vmul.f32 v60, v59;
	v0 =	vadd.f32 v62, v0;
	_ =	sdelay $0x1  }
0x11f: {  	v0 =	vadd.f32 v63, v0  }
0x120: {  	s0 =	sand.u32 $0xFFFFFFF0, s23  }
0x121: {  	[tilespmem:s0+$0x19500] =	vst v0  }
.LBB2_6:
0x122: {  	p2 =	sne.s32 @!p0 s26, $0x1  }
0x123: {  	p2 =	por p0, p2  }
.Ltmp6:
0x124: {  	_ = 	snop;
	(pc) =	sbr.rel @p2 .LBB2_8-.Ltmp6, $1  }
0x125: {  	_ =	sdelay $0x3  }
0x126: {  	v0 =	vld [tilespmem:s24+$0x0];
	_ =	sdelay $0x3  }
0x127: {  	v1 =	vld [tilespmem:s22+$0x0]  }
0x128: {  	(v2sf) =	vpush v0, $0x0;
	_ =	sdelay $0x3  }
0x129: {  	(v2sf) =	vpush v1, $0x0;
	_ =	sdelay $0x4  }
0x12a: {  	(v2sf) =	vpush v0, $0x1;
	_ =	sdelay $0x5  }
0x12b: {  	s0 =	spop (v2sf)  }
0x12c: {  	(v2sf) =	vpush v1, $0x1;
	s0 =	sand.u32 $0xFFFFF80, s0  }
0x12d: {  	s3 =	simm.s32 $0x2500;
	s0 =	sadd.s32 s1, s0  }
0x12e: {  	[tilespmem:s3], [sflag:$0x2] =	stream.linear.gather [hbm4b:s0+s4], $0x400, $0x38;
	[tilespmem:$0x19700] =	vst v63  }
0x12f: {  	s31 =	simm.s32 $0x8500;
	s0 =	sadd.s32 $0xF4280, s0;
	s3 =	spop (v2sf)  }
0x130: {  	(v2sf) =	vpush v0, $0x2;
	[tilespmem:s31], [sflag:$0x2] =	stream.linear.gather [hbm4b:s0+s4], $0x400, $0x38;
	[tilespmem:$0x19700] =	vst v63  }
0x131: {  	s0 =	sand.u32 $0xFFFFF80, s3  }
0x132: {  	s5 =	simm.s32 $0xE500;
	s0 =	sadd.s32 s2, s0  }
0x133: {  	[tilespmem:s5], [sflag:$0x5] =	stream.linear.gather [hbm4b:s0+s4], $0x400, $0x38;
	[tilespmem:$0x19700] =	vst v63  }
0x134: {  	s29 =	simm.s32 $0x14500;
	s30 =	spop (v2sf);
	s0 =	sadd.s32 $0xF4280, s0  }
0x135: {  	(v2sf) =	vpush v1, $0x2;
	[tilespmem:s29], [sflag:$0x5] =	stream.linear.gather [hbm4b:s0+s4], $0x400, $0x38;
	[tilespmem:$0x19700] =	vst v63  }
0x136: {  	s0 =	sand.u32 $0xFFFFF80, s30  }
0x137: {  	s31 =	simm.s32 $0x2900;
	s0 =	sadd.s32 s1, s0  }
0x138: {  	[tilespmem:s31], [sflag:$0x2] =	stream.linear.gather [hbm4b:s0+s4], $0x400, $0x38;
	[tilespmem:$0x19700] =	vst v63  }
0x139: {  	s5 =	simm.s32 $0x8900;
	s0 =	sadd.s32 $0xF4280, s0  }
0x13a: {  	[tilespmem:s5], [sflag:$0x2] =	stream.linear.gather [hbm4b:s0+s4], $0x400, $0x38;
	[tilespmem:$0x19700] =	vst v63  }
0x13b: {  	s29 =	spop (v2sf)  }
0x13c: {  	(v2sf) =	vpush v0, $0x3;
	s0 =	sand.u32 $0xFFFFF80, s29  }
0x13d: {  	s30 =	simm.s32 $0xE900;
	s0 =	sadd.s32 s2, s0  }
0x13e: {  	[tilespmem:s30], [sflag:$0x5] =	stream.linear.gather [hbm4b:s0+s4], $0x400, $0x38;
	[tilespmem:$0x19700] =	vst v63  }
0x13f: {  	s31 =	simm.s32 $0x14900;
	s0 =	sadd.s32 $0xF4280, s0;
	s3 =	spop (v2sf)  }
0x140: {  	(v2sf) =	vpush v1, $0x3;
	[tilespmem:s31], [sflag:$0x5] =	stream.linear.gather [hbm4b:s0+s4], $0x400, $0x38;
	[tilespmem:$0x19700] =	vst v63  }
0x141: {  	s0 =	sand.u32 $0xFFFFF80, s3  }
0x142: {  	s5 =	simm.s32 $0x2D00;
	s0 =	sadd.s32 s1, s0  }
0x143: {  	[tilespmem:s5], [sflag:$0x2] =	stream.linear.gather [hbm4b:s0+s4], $0x400, $0x38;
	[tilespmem:$0x19700] =	vst v63  }
0x144: {  	s29 =	simm.s32 $0x8D00;
	s30 =	spop (v2sf);
	s0 =	sadd.s32 $0xF4280, s0  }
0x145: {  	(v2sf) =	vpush v0, $0x4;
	[tilespmem:s29], [sflag:$0x2] =	stream.linear.gather [hbm4b:s0+s4], $0x400, $0x38;
	[tilespmem:$0x19700] =	vst v63  }
0x146: {  	s0 =	sand.u32 $0xFFFFF80, s30  }
0x147: {  	s31 =	simm.s32 $0xED00;
	s0 =	sadd.s32 s2, s0  }
0x148: {  	[tilespmem:s31], [sflag:$0x5] =	stream.linear.gather [hbm4b:s0+s4], $0x400, $0x38;
	[tilespmem:$0x19700] =	vst v63  }
0x149: {  	s5 =	simm.s32 $0x14D00;
	s0 =	sadd.s32 $0xF4280, s0  }
0x14a: {  	[tilespmem:s5], [sflag:$0x5] =	stream.linear.gather [hbm4b:s0+s4], $0x400, $0x38;
	[tilespmem:$0x19700] =	vst v63  }
0x14b: {  	s29 =	spop (v2sf)  }
0x14c: {  	(v2sf) =	vpush v1, $0x4;
	s0 =	sand.u32 $0xFFFFF80, s29  }
0x14d: {  	s30 =	simm.s32 $0x3100;
	s0 =	sadd.s32 s1, s0  }
0x14e: {  	[tilespmem:s30], [sflag:$0x2] =	stream.linear.gather [hbm4b:s0+s4], $0x400, $0x38;
	[tilespmem:$0x19700] =	vst v63  }
0x14f: {  	s31 =	simm.s32 $0x9100;
	s0 =	sadd.s32 $0xF4280, s0;
	s3 =	spop (v2sf)  }
0x150: {  	(v2sf) =	vpush v0, $0x5;
	[tilespmem:s31], [sflag:$0x2] =	stream.linear.gather [hbm4b:s0+s4], $0x400, $0x38;
	[tilespmem:$0x19700] =	vst v63  }
0x151: {  	s0 =	sand.u32 $0xFFFFF80, s3  }
0x152: {  	s5 =	simm.s32 $0xF100;
	s0 =	sadd.s32 s2, s0  }
0x153: {  	[tilespmem:s5], [sflag:$0x5] =	stream.linear.gather [hbm4b:s0+s4], $0x400, $0x38;
	[tilespmem:$0x19700] =	vst v63  }
0x154: {  	s29 =	simm.s32 $0x15100;
	s30 =	spop (v2sf);
	s0 =	sadd.s32 $0xF4280, s0  }
0x155: {  	(v2sf) =	vpush v1, $0x5;
	[tilespmem:s29], [sflag:$0x5] =	stream.linear.gather [hbm4b:s0+s4], $0x400, $0x38;
	[tilespmem:$0x19700] =	vst v63  }
0x156: {  	s0 =	sand.u32 $0xFFFFF80, s30  }
0x157: {  	s31 =	simm.s32 $0x3500;
	s0 =	sadd.s32 s1, s0  }
0x158: {  	[tilespmem:s31], [sflag:$0x2] =	stream.linear.gather [hbm4b:s0+s4], $0x400, $0x38;
	[tilespmem:$0x19700] =	vst v63  }
0x159: {  	s5 =	simm.s32 $0x9500;
	s0 =	sadd.s32 $0xF4280, s0  }
0x15a: {  	[tilespmem:s5], [sflag:$0x2] =	stream.linear.gather [hbm4b:s0+s4], $0x400, $0x38;
	[tilespmem:$0x19700] =	vst v63  }
0x15b: {  	s29 =	spop (v2sf)  }
0x15c: {  	(v2sf) =	vpush v0, $0x6;
	s0 =	sand.u32 $0xFFFFF80, s29  }
0x15d: {  	s30 =	simm.s32 $0xF500;
	s0 =	sadd.s32 s2, s0  }
0x15e: {  	[tilespmem:s30], [sflag:$0x5] =	stream.linear.gather [hbm4b:s0+s4], $0x400, $0x38;
	[tilespmem:$0x19700] =	vst v63  }
0x15f: {  	s31 =	simm.s32 $0x15500;
	s0 =	sadd.s32 $0xF4280, s0;
	s3 =	spop (v2sf)  }
0x160: {  	(v2sf) =	vpush v1, $0x6;
	[tilespmem:s31], [sflag:$0x5] =	stream.linear.gather [hbm4b:s0+s4], $0x400, $0x38;
	[tilespmem:$0x19700] =	vst v63  }
0x161: {  	s0 =	sand.u32 $0xFFFFF80, s3  }
0x162: {  	s5 =	simm.s32 $0x3900;
	s0 =	sadd.s32 s1, s0  }
0x163: {  	[tilespmem:s5], [sflag:$0x2] =	stream.linear.gather [hbm4b:s0+s4], $0x400, $0x38;
	[tilespmem:$0x19700] =	vst v63  }
0x164: {  	s29 =	simm.s32 $0x9900;
	s30 =	spop (v2sf);
	s0 =	sadd.s32 $0xF4280, s0  }
0x165: {  	(v2sf) =	vpush v0, $0x7;
	[tilespmem:s29], [sflag:$0x2] =	stream.linear.gather [hbm4b:s0+s4], $0x400, $0x38;
	[tilespmem:$0x19700] =	vst v63  }
0x166: {  	s0 =	sand.u32 $0xFFFFF80, s30  }
0x167: {  	s31 =	simm.s32 $0xF900;
	s0 =	sadd.s32 s2, s0  }
0x168: {  	[tilespmem:s31], [sflag:$0x5] =	stream.linear.gather [hbm4b:s0+s4], $0x400, $0x38;
	[tilespmem:$0x19700] =	vst v63  }
0x169: {  	s5 =	simm.s32 $0x15900;
	s0 =	sadd.s32 $0xF4280, s0  }
0x16a: {  	[tilespmem:s5], [sflag:$0x5] =	stream.linear.gather [hbm4b:s0+s4], $0x400, $0x38;
	[tilespmem:$0x19700] =	vst v63  }
0x16b: {  	s29 =	spop (v2sf)  }
0x16c: {  	(v2sf) =	vpush v1, $0x7;
	s0 =	sand.u32 $0xFFFFF80, s29  }
0x16d: {  	s30 =	simm.s32 $0x3D00;
	s0 =	sadd.s32 s1, s0  }
0x16e: {  	[tilespmem:s30], [sflag:$0x2] =	stream.linear.gather [hbm4b:s0+s4], $0x400, $0x38;
	[tilespmem:$0x19700] =	vst v63  }
0x16f: {  	s31 =	simm.s32 $0x9D00;
	s0 =	sadd.s32 $0xF4280, s0;
	s3 =	spop (v2sf)  }
0x170: {  	[tilespmem:s31], [sflag:$0x2] =	stream.linear.gather [hbm4b:s0+s4], $0x400, $0x38;
	[tilespmem:$0x19700] =	vst v63  }
0x171: {  	s0 =	sand.u32 $0xFFFFF80, s3  }
0x172: {  	s5 =	simm.s32 $0xFD00;
	s0 =	sadd.s32 s2, s0  }
0x173: {  	[tilespmem:s5], [sflag:$0x5] =	stream.linear.gather [hbm4b:s0+s4], $0x400, $0x38;
	[tilespmem:$0x19700] =	vst v63  }
0x174: {  	s29 =	simm.s32 $0x15D00;
	s30 =	spop (v2sf);
	s0 =	sadd.s32 $0xF4280, s0  }
0x175: {  	[tilespmem:s29], [sflag:$0x5] =	stream.linear.gather [hbm4b:s0+s4], $0x400, $0x38;
	[tilespmem:$0x19700] =	vst v63  }
0x176: {  	s0 =	sand.u32 $0xFFFFF80, s30  }
0x177: {  	s31 =	simm.s32 $0x4100;
	s0 =	sadd.s32 s1, s0  }
0x178: {  	[tilespmem:s31], [sflag:$0x2] =	stream.linear.gather [hbm4b:s0+s4], $0x400, $0x38;
	[tilespmem:$0x19700] =	vst v63  }
0x179: {  	s5 =	simm.s32 $0xA100;
	s0 =	sadd.s32 $0xF4280, s0  }
0x17a: {  	[tilespmem:s5], [sflag:$0x2] =	stream.linear.gather [hbm4b:s0+s4], $0x400, $0x38;
	[tilespmem:$0x19700] =	vst v63  }
0x17b: {  	s29 =	spop (v2sf)  }
0x17c: {  	s0 =	sand.u32 $0xFFFFF80, s29  }
0x17d: {  	s30 =	simm.s32 $0x10100;
	s0 =	sadd.s32 s2, s0  }
0x17e: {  	[tilespmem:s30], [sflag:$0x5] =	stream.linear.gather [hbm4b:s0+s4], $0x400, $0x38;
	[tilespmem:$0x19700] =	vst v63  }
0x17f: {  	s31 =	simm.s32 $0x16100;
	s0 =	sadd.s32 $0xF4280, s0  }
0x180: {  	[tilespmem:s31], [sflag:$0x5] =	stream.linear.gather [hbm4b:s0+s4], $0x400, $0x38;
	[tilespmem:$0x19700] =	vst v63  }
.LBB2_8:
0x181: {  	s0 =	sadd.s32 $0x3, s28  }
0x182: {  	p2 =	sne.s32 @!p1 s0, s25  }
0x183: {  	p2 =	por p1, p2  }
0x184: {  	s0 =	simm.s32 @!p2 $0x2  }
0x185: {  	_ =	swait.ge @!p2 [sflag:s0], $0x4000  }
0x186: {  	[sflag:s0] =	ssyncset.done @!p2 $0x0  }
0x187: {  	[sflag:s0] =	ssyncadd.s32 @!p2 $0xFFFFC000;
	s0 =	simm.s32 @!p2 $0x5  }
0x188: {  	_ =	swait.ge @!p2 [sflag:s0], $0x4000  }
0x189: {  	v0 =	vimm.s32 @!p2 $0x8380;
	vm13 =	vcmask @!p2 $0x300;
	[sflag:s0] =	ssyncset.done @!p2 $0x0  }
0x18a: {  	vm14 =	vcmask @!p2 $0x704;
	v0 =	vsel @!p2 vm13, $0x2000, v0;
	[sflag:s0] =	ssyncadd.s32 @!p2 $0xFFFFC000  }
0x18b: {  	vm11 =	vcmask @!p2 $0xB08;
	v0 =	vsel @!p2 vm14, $0x2080, v0;
	v1 =	vld @!p2 [tilespmem:s24+$0xFFFFFFF0]  }
0x18c: {  	vm12 =	vcmask @!p2 $0xF0C;
	v0 =	vsel @!p2 vm11, $0x2100, v0  }
0x18d: {  	vm8 =	vcmask @!p2 $0x1310;
	v0 =	vsel @!p2 vm12, $0x2180, v0  }
0x18e: {  	vm4 =	vcmask @!p2 $0x1714;
	v0 =	vsel @!p2 vm8, $0x2200, v0  }
0x18f: {  	vm1 =	vcmask @!p2 $0x1B18;
	v2 =	vsel @!p2 vm4, $0x2280, v0  }
0x190: {  	vm0 =	vcmask @!p2 $0x1F1C;
	v0 =	vand.u32 @!p2 $0x7F, v1;
	v1 =	vsel @!p2 vm1, $0x2300, v2  }
0x191: {  	vm2 =	vcmask @!p2 $0x2320;
	v1 =	vsel @!p2 vm0, $0x2380, v1  }
0x192: {  	vm3 =	vcmask @!p2 $0x2724;
	v3 =	vimm.s32 @!p2 $0x8780;
	v1 =	vsel @!p2 vm2, $0x8000, v1  }
0x193: {  	vm5 =	vcmask @!p2 $0x2B28;
	vm6 =	vcmask @!p2 $0x2F2C;
	v1 =	vsel @!p2 vm3, $0x8080, v1  }
0x194: {  	vm9 =	vcmask @!p2 $0x3330;
	v3 =	vsel @!p2 vm13, $0x2400, v3;
	v1 =	vsel @!p2 vm5, $0x8100, v1  }
0x195: {  	vm7 =	vcmask @!p2 $0x3734;
	v3 =	vsel @!p2 vm14, $0x2480, v3;
	v4 =	vld @!p2 [tilespmem:s22+$0xFFFFFFF0];
	v1 =	vsel @!p2 vm6, $0x8180, v1  }
0x196: {  	vm10 =	vcmask @!p2 $0x3B38;
	v3 =	vsel @!p2 vm11, $0x2500, v3;
	v1 =	vsel @!p2 vm9, $0x8200, v1  }
0x197: {  	v3 =	vsel @!p2 vm12, $0x2580, v3;
	v2 =	vbroadcast @!p2 v0, $0x0;
	v1 =	vsel @!p2 vm7, $0x8280, v1  }
0x198: {  	v6 =	vimm.s32 @!p2 $0x8B80;
	v3 =	vsel @!p2 vm8, $0x2600, v3;
	v5 =	vsel @!p2 vm10, $0x8300, v1  }
0x199: {  	v9 =	vimm.s32 @!p2 $0x8F80;
	v1 =	vsel @!p2 vm4, $0x2680, v3;
	v3 =	vor.u32 @!p2 v5, v2  }
0x19a: {  	v2 =	vsel @!p2 vm1, $0x2700, v1;
	v1 =	vand.u32 @!p2 $0x7F, v4;
	v4 =	vsel @!p2 vm13, $0x2800, v6  }
0x19b: {  	v7 =	vlaneseq.u32 @!p2;
	v9 =	vsel @!p2 vm13, $0x2C00, v9;
	v4 =	vsel @!p2 vm14, $0x2880, v4  }
0x19c: {  	v2 =	vsel @!p2 vm0, $0x2780, v2;
	v6 =	vbroadcast @!p2 v1, $0x0;
	v4 =	vsel @!p2 vm11, $0x2900, v4  }
0x19d: {  	v9 =	vsel @!p2 vm14, $0x2C80, v9;
	v2 =	vsel @!p2 vm2, $0x8400, v2;
	v4 =	vsel @!p2 vm12, $0x2980, v4  }
0x19e: {  	v8 =	vsel @!p2 vm3, $0x8480, v2;
	v5 =	vor.u32 @!p2 v5, v6;
	v4 =	vsel @!p2 vm8, $0x2A00, v4  }
0x19f: {  	v2 =	vmul.u32 @!p2 $0x80, v7;
	v7 =	vsel @!p2 vm5, $0x8500, v8;
	v4 =	vsel @!p2 vm4, $0x2A80, v4  }
0x1a0: {  	s29 =	sand.u32 @!p2 $0x1, s25;
	v9 =	vsel @!p2 vm11, $0x2D00, v9;
	v6 =	vsel @!p2 vm6, $0x8580, v7;
	v4 =	vsel @!p2 vm1, $0x2B00, v4  }
0x1a1: {  	s31 =	simm.s32 @!p2 $0x500;
	s30 =	sshll.u32 @!p2 s29, $0x3;
	v8 =	vbroadcast @!p2 v0, $0x1;
	v6 =	vsel @!p2 vm9, $0x8600, v6;
	v4 =	vsel @!p2 vm0, $0x2B80, v4  }
0x1a2: {  	s0 =	simm.s32 @!p2 $0xC500;
	v7 =	vor.u32 @!p2 s30, v2;
	v3 =	vld.idx.msk @!p2 [tilespmem:v3+s31+$0x0], $0xffff;
	v6 =	vsel @!p2 vm7, $0x8680, v6;
	v4 =	vsel @!p2 vm2, $0x8800, v4  }
0x1a3: {  	v10 =	vbroadcast @!p2 v1, $0x1;
	v6 =	vsel @!p2 vm10, $0x8700, v6;
	v5 =	vld.idx.msk @!p2 [tilespmem:v5+s0+$0x0], $0xffff;
	v4 =	vsel @!p2 vm3, $0x8880, v4  }
0x1a4: {  	v9 =	vsel @!p2 vm12, $0x2D80, v9;
	v8 =	vor.u32 @!p2 v6, v8;
	v4 =	vsel @!p2 vm5, $0x8900, v4  }
0x1a5: {  	v9 =	vsel @!p2 vm8, $0x2E00, v9;
	v6 =	vor.u32 @!p2 v6, v10;
	v4 =	vsel @!p2 vm6, $0x8980, v4  }
0x1a6: {  	s3 =	simm.s32 @!p2 $0x18500;
	v9 =	vsel @!p2 vm4, $0x2E80, v9;
	v10 =	vor.u32 @!p2 $0x1, v2;
	v4 =	vsel @!p2 vm9, $0x8A00, v4  }
0x1a7: {  	s5 =	simm.s32 @!p2 $0x18D00;
	v10 =	vor.u32 @!p2 s30, v10;
	[tilespmem:v7+s3+$0x0] =	vst.idx.msk @!p2 $0xffff, v3;
	v3 =	vbroadcast @!p2 v0, $0x2;
	v4 =	vsel @!p2 vm7, $0x8A80, v4  }
0x1a8: {  	[tilespmem:v7+s5+$0x0] =	vst.idx.msk @!p2 $0xffff, v5;
	v5 =	vsel @!p2 vm1, $0x2F00, v9;
	v7 =	vimm.s32 @!p2 $0x9380;
	v9 =	vbroadcast @!p2 v1, $0x2  }
0x1a9: {  	v4 =	vsel @!p2 vm10, $0x8B00, v4;
	v8 =	vld.idx.msk @!p2 [tilespmem:v8+s31+$0x0], $0xffff;
	v5 =	vsel @!p2 vm0, $0x2F80, v5;
	v7 =	vsel @!p2 vm13, $0x3000, v7  }
0x1aa: {  	v6 =	vld.idx.msk @!p2 [tilespmem:v6+s0+$0x0], $0xffff;
	v3 =	vor.u32 @!p2 v4, v3;
	v5 =	vsel @!p2 vm2, $0x8C00, v5;
	v7 =	vsel @!p2 vm14, $0x3080, v7  }
0x1ab: {  	v4 =	vor.u32 @!p2 v4, v9;
	v5 =	vsel @!p2 vm3, $0x8C80, v5;
	v7 =	vsel @!p2 vm11, $0x3100, v7  }
0x1ac: {  	v9 =	vor.u32 @!p2 $0x2, v2;
	v5 =	vsel @!p2 vm5, $0x8D00, v5;
	v7 =	vsel @!p2 vm12, $0x3180, v7  }
0x1ad: {  	v9 =	vor.u32 @!p2 s30, v9;
	v5 =	vsel @!p2 vm6, $0x8D80, v5;
	v7 =	vsel @!p2 vm8, $0x3200, v7  }
0x1ae: {  	[tilespmem:v10+s3+$0x0] =	vst.idx.msk @!p2 $0xffff, v8;
	v8 =	vbroadcast @!p2 v0, $0x3;
	v5 =	vsel @!p2 vm9, $0x8E00, v5;
	v7 =	vsel @!p2 vm4, $0x3280, v7  }
0x1af: {  	[tilespmem:v10+s5+$0x0] =	vst.idx.msk @!p2 $0xffff, v6;
	v5 =	vsel @!p2 vm7, $0x8E80, v5;
	v6 =	vsel @!p2 vm1, $0x3300, v7;
	v7 =	vimm.s32 @!p2 $0x9780  }
0x1b0: {  	v10 =	vbroadcast @!p2 v1, $0x3;
	v3 =	vld.idx.msk @!p2 [tilespmem:v3+s31+$0x0], $0xffff;
	v6 =	vsel @!p2 vm0, $0x3380, v6;
	v7 =	vsel @!p2 vm13, $0x3400, v7  }
0x1b1: {  	v5 =	vsel @!p2 vm10, $0x8F00, v5;
	v4 =	vld.idx.msk @!p2 [tilespmem:v4+s0+$0x0], $0xffff;
	v6 =	vsel @!p2 vm2, $0x9000, v6;
	v7 =	vsel @!p2 vm14, $0x3480, v7  }
0x1b2: {  	v8 =	vor.u32 @!p2 v5, v8;
	v6 =	vsel @!p2 vm3, $0x9080, v6;
	v7 =	vsel @!p2 vm11, $0x3500, v7  }
0x1b3: {  	v5 =	vor.u32 @!p2 v5, v10;
	v6 =	vsel @!p2 vm5, $0x9100, v6;
	v7 =	vsel @!p2 vm12, $0x3580, v7  }
0x1b4: {  	v10 =	vor.u32 @!p2 $0x3, v2;
	v6 =	vsel @!p2 vm6, $0x9180, v6;
	v7 =	vsel @!p2 vm8, $0x3600, v7  }
0x1b5: {  	[tilespmem:v9+s3+$0x0] =	vst.idx.msk @!p2 $0xffff, v3;
	v3 =	vor.u32 @!p2 s30, v10;
	v6 =	vsel @!p2 vm9, $0x9200, v6;
	v7 =	vsel @!p2 vm4, $0x3680, v7  }
0x1b6: {  	v10 =	vbroadcast @!p2 v1, $0x4;
	[tilespmem:v9+s5+$0x0] =	vst.idx.msk @!p2 $0xffff, v4;
	v4 =	vbroadcast @!p2 v0, $0x4;
	v7 =	vsel @!p2 vm1, $0x3700, v7  }
0x1b7: {  	v6 =	vsel @!p2 vm7, $0x9280, v6;
	v9 =	vimm.s32 @!p2 $0x9B80;
	v8 =	vld.idx.msk @!p2 [tilespmem:v8+s31+$0x0], $0xffff;
	v7 =	vsel @!p2 vm0, $0x3780, v7  }
0x1b8: {  	v6 =	vsel @!p2 vm10, $0x9300, v6;
	v5 =	vld.idx.msk @!p2 [tilespmem:v5+s0+$0x0], $0xffff;
	v9 =	vsel @!p2 vm13, $0x3800, v9;
	v7 =	vsel @!p2 vm2, $0x9400, v7  }
0x1b9: {  	v4 =	vor.u32 @!p2 v6, v4;
	v9 =	vsel @!p2 vm14, $0x3880, v9;
	v7 =	vsel @!p2 vm3, $0x9480, v7  }
0x1ba: {  	v6 =	vor.u32 @!p2 v6, v10;
	v9 =	vsel @!p2 vm11, $0x3900, v9;
	v7 =	vsel @!p2 vm5, $0x9500, v7  }
0x1bb: {  	v10 =	vor.u32 @!p2 $0x4, v2;
	v9 =	vsel @!p2 vm12, $0x3980, v9;
	v7 =	vsel @!p2 vm6, $0x9580, v7  }
0x1bc: {  	v9 =	vsel @!p2 vm8, $0x3A00, v9;
	[tilespmem:v3+s3+$0x0] =	vst.idx.msk @!p2 $0xffff, v8;
	v8 =	vor.u32 @!p2 s30, v10;
	v7 =	vsel @!p2 vm9, $0x9600, v7  }
0x1bd: {  	v10 =	vbroadcast @!p2 v1, $0x5;
	[tilespmem:v3+s5+$0x0] =	vst.idx.msk @!p2 $0xffff, v5;
	v5 =	vsel @!p2 vm7, $0x9680, v7;
	v7 =	vsel @!p2 vm4, $0x3A80, v9  }
0x1be: {  	v3 =	vbroadcast @!p2 v0, $0x5;
	v9 =	vimm.s32 @!p2 $0x9F80;
	v4 =	vld.idx.msk @!p2 [tilespmem:v4+s31+$0x0], $0xffff;
	v7 =	vsel @!p2 vm1, $0x3B00, v7  }
0x1bf: {  	v5 =	vsel @!p2 vm10, $0x9700, v5;
	v6 =	vld.idx.msk @!p2 [tilespmem:v6+s0+$0x0], $0xffff;
	v9 =	vsel @!p2 vm13, $0x3C00, v9;
	v7 =	vsel @!p2 vm0, $0x3B80, v7  }
0x1c0: {  	v9 =	vsel @!p2 vm14, $0x3C80, v9;
	v3 =	vor.u32 @!p2 v5, v3;
	v7 =	vsel @!p2 vm2, $0x9800, v7  }
0x1c1: {  	v5 =	vor.u32 @!p2 v5, v10;
	v9 =	vsel @!p2 vm11, $0x3D00, v9;
	v7 =	vsel @!p2 vm3, $0x9880, v7  }
0x1c2: {  	v9 =	vsel @!p2 vm12, $0x3D80, v9;
	v7 =	vsel @!p2 vm5, $0x9900, v7  }
0x1c3: {  	v9 =	vsel @!p2 vm8, $0x3E00, v9;
	[tilespmem:v8+s3+$0x0] =	vst.idx.msk @!p2 $0xffff, v4;
	v4 =	vor.u32 @!p2 $0x5, v2;
	v7 =	vsel @!p2 vm6, $0x9980, v7  }
0x1c4: {  	[tilespmem:v8+s5+$0x0] =	vst.idx.msk @!p2 $0xffff, v6;
	v4 =	vor.u32 @!p2 s30, v4;
	v6 =	vsel @!p2 vm9, $0x9A00, v7;
	v7 =	vsel @!p2 vm4, $0x3E80, v9  }
0x1c5: {  	v8 =	vbroadcast @!p2 v0, $0x6;
	v3 =	vld.idx.msk @!p2 [tilespmem:v3+s31+$0x0], $0xffff;
	v6 =	vsel @!p2 vm7, $0x9A80, v6;
	v7 =	vsel @!p2 vm1, $0x3F00, v7  }
0x1c6: {  	v9 =	vbroadcast @!p2 v1, $0x6;
	v5 =	vld.idx.msk @!p2 [tilespmem:v5+s0+$0x0], $0xffff;
	v6 =	vsel @!p2 vm10, $0x9B00, v6;
	v7 =	vsel @!p2 vm0, $0x3F80, v7  }
0x1c7: {  	v8 =	vor.u32 @!p2 v6, v8;
	v7 =	vsel @!p2 vm2, $0x9C00, v7  }
0x1c8: {  	v6 =	vor.u32 @!p2 v6, v9;
	v7 =	vsel @!p2 vm3, $0x9C80, v7  }
0x1c9: {  	v7 =	vsel @!p2 vm5, $0x9D00, v7  }
0x1ca: {  	[tilespmem:v4+s3+$0x0] =	vst.idx.msk @!p2 $0xffff, v3;
	v3 =	vsel @!p2 vm6, $0x9D80, v7  }
0x1cb: {  	[tilespmem:v4+s5+$0x0] =	vst.idx.msk @!p2 $0xffff, v5;
	v4 =	vor.u32 @!p2 $0x6, v2;
	v3 =	vsel @!p2 vm9, $0x9E00, v3  }
0x1cc: {  	v0 =	vbroadcast @!p2 v0, $0x7;
	v5 =	vld.idx.msk @!p2 [tilespmem:v8+s31+$0x0], $0xffff;
	v4 =	vor.u32 @!p2 s30, v4;
	v3 =	vsel @!p2 vm7, $0x9E80, v3  }
0x1cd: {  	v1 =	vbroadcast @!p2 v1, $0x7;
	v6 =	vld.idx.msk @!p2 [tilespmem:v6+s0+$0x0], $0xffff;
	v3 =	vsel @!p2 vm10, $0x9F00, v3  }
0x1ce: {  	v0 =	vor.u32 @!p2 v3, v0  }
0x1cf: {  	v1 =	vor.u32 @!p2 v3, v1;
	_ =	sdelay $0x1  }
0x1d0: {  	[tilespmem:v4+s3+$0x0] =	vst.idx.msk @!p2 $0xffff, v5  }
0x1d1: {  	v2 =	vor.u32 @!p2 $0x7, v2;
	[tilespmem:v4+s5+$0x0] =	vst.idx.msk @!p2 $0xffff, v6  }
0x1d2: {  	p3 =	seq.s32 @!p2 s29, $0x0;
	v2 =	vor.u32 @!p2 s30, v2;
	v0 =	vld.idx.msk @!p2 [tilespmem:v0+s31+$0x0], $0xffff  }
0x1d3: {  	p3 =	por p2, p3;
	v1 =	vld.idx.msk @!p2 [tilespmem:v1+s0+$0x0], $0xffff  }
.Ltmp7:
0x1d4: {  	_ = 	snop;
	(pc) =	sbr.rel @p3 .LBB2_10-.Ltmp7, $3  }
0x1d5: {  	_ =	sdelay $0x1  }
0x1d6: {  	[tilespmem:v2+s3+$0x0] =	vst.idx.msk @!p2 $0xffff, v0  }
0x1d7: {  	[tilespmem:v2+s5+$0x0] =	vst.idx.msk @!p2 $0xffff, v1  }
0x1d8: {  	v0 =	vld [tilespmem:$0x18500]  }
0x1d9: {  	v1 =	vld [tilespmem:$0x18D00]  }
0x1da: {  	v2 =	vld [tilespmem:$0x18580]  }
0x1db: {  	v3 =	vld [tilespmem:$0x18D80]  }
0x1dc: {  	v4 =	vld [tilespmem:$0x18600]  }
0x1dd: {  	v5 =	vld [tilespmem:$0x18E00]  }
0x1de: {  	v27 =	vld [tilespmem:$0x18680];
	v0 =	vmul.f32 v1, v0  }
0x1df: {  	v6 =	vld [tilespmem:$0x18E80]  }
0x1e0: {  	v28 =	vld [tilespmem:$0x18700];
	v2 =	vmul.f32 v3, v2;
	v0 =	vadd.f32 $0.0e+00, v0  }
0x1e1: {  	v7 =	vld [tilespmem:$0x18F00]  }
0x1e2: {  	v30 =	vld [tilespmem:$0x18780];
	v29 =	vmul.f32 v5, v4;
	v0 =	vadd.f32 v2, v0  }
0x1e3: {  	v31 =	vld [tilespmem:$0x18F80]  }
0x1e4: {  	v32 =	vld [tilespmem:$0x18800];
	v1 =	vmul.f32 v6, v27;
	v0 =	vadd.f32 v29, v0  }
0x1e5: {  	v33 =	vld [tilespmem:$0x19000]  }
0x1e6: {  	v35 =	vld [tilespmem:$0x18880];
	v34 =	vmul.f32 v7, v28;
	v0 =	vadd.f32 v1, v0  }
0x1e7: {  	v36 =	vld [tilespmem:$0x19080]  }
0x1e8: {  	v38 =	vld [tilespmem:$0x18900];
	v37 =	vmul.f32 v31, v30;
	v0 =	vadd.f32 v34, v0  }
0x1e9: {  	v39 =	vld [tilespmem:$0x19100]  }
0x1ea: {  	v41 =	vld [tilespmem:$0x18980];
	v40 =	vmul.f32 v33, v32;
	v0 =	vadd.f32 v37, v0  }
0x1eb: {  	v42 =	vld [tilespmem:$0x19180]  }
0x1ec: {  	v44 =	vld [tilespmem:$0x18A00];
	v43 =	vmul.f32 v36, v35;
	v0 =	vadd.f32 v40, v0  }
0x1ed: {  	v45 =	vld [tilespmem:$0x19200]  }
0x1ee: {  	v47 =	vld [tilespmem:$0x18A80];
	v46 =	vmul.f32 v39, v38;
	v0 =	vadd.f32 v43, v0  }
0x1ef: {  	v48 =	vld [tilespmem:$0x19280]  }
0x1f0: {  	v50 =	vld [tilespmem:$0x18B00];
	v49 =	vmul.f32 v42, v41;
	v0 =	vadd.f32 v46, v0  }
0x1f1: {  	v51 =	vld [tilespmem:$0x19300]  }
0x1f2: {  	v53 =	vld [tilespmem:$0x18B80];
	v52 =	vmul.f32 v45, v44;
	v0 =	vadd.f32 v49, v0  }
0x1f3: {  	v54 =	vld [tilespmem:$0x19380]  }
0x1f4: {  	v56 =	vld [tilespmem:$0x18C00];
	v55 =	vmul.f32 v48, v47;
	v0 =	vadd.f32 v52, v0  }
0x1f5: {  	v57 =	vld [tilespmem:$0x19400]  }
0x1f6: {  	v59 =	vld [tilespmem:$0x18C80];
	v58 =	vmul.f32 v51, v50;
	v0 =	vadd.f32 v55, v0  }
0x1f7: {  	v60 =	vld [tilespmem:$0x19480]  }
0x1f8: {  	v61 =	vmul.f32 v54, v53;
	v0 =	vadd.f32 v58, v0;
	_ =	sdelay $0x1  }
0x1f9: {  	v62 =	vmul.f32 v57, v56;
	v0 =	vadd.f32 v61, v0;
	_ =	sdelay $0x1  }
0x1fa: {  	v63 =	vmul.f32 v60, v59;
	v0 =	vadd.f32 v62, v0;
	_ =	sdelay $0x1  }
0x1fb: {  	v0 =	vadd.f32 v63, v0  }
0x1fc: {  	s0 =	sand.u32 $0xFFFFFFF0, s23  }
0x1fd: {  	[tilespmem:s0+$0x19500] =	vst v0  }
.LBB2_10:
0x1fe: {  	p2 =	sne.s32 @!p0 s26, $0x2  }
0x1ff: {  	p0 =	por p0, p2  }
.Ltmp8:
0x200: {  	_ = 	snop;
	(pc) =	sbr.rel @p0 .LBB2_12-.Ltmp8, $1  }
0x201: {  	_ =	sdelay $0x3  }
0x202: {  	v0 =	vld [tilespmem:s24+$0x0];
	_ =	sdelay $0x3  }
0x203: {  	v1 =	vld [tilespmem:s22+$0x0]  }
0x204: {  	(v2sf) =	vpush v0, $0x0;
	_ =	sdelay $0x3  }
0x205: {  	(v2sf) =	vpush v1, $0x0;
	_ =	sdelay $0x4  }
0x206: {  	(v2sf) =	vpush v0, $0x1;
	_ =	sdelay $0x5  }
0x207: {  	s0 =	spop (v2sf)  }
0x208: {  	(v2sf) =	vpush v1, $0x1;
	s0 =	sand.u32 $0xFFFFF80, s0  }
0x209: {  	s3 =	simm.s32 $0x4500;
	s0 =	sadd.s32 s1, s0  }
0x20a: {  	[tilespmem:s3], [sflag:$0x3] =	stream.linear.gather [hbm4b:s0+s4], $0x400, $0x38;
	[tilespmem:$0x19700] =	vst v63  }
0x20b: {  	s31 =	simm.s32 $0xA500;
	s0 =	sadd.s32 $0xF4280, s0;
	s3 =	spop (v2sf)  }
0x20c: {  	(v2sf) =	vpush v0, $0x2;
	[tilespmem:s31], [sflag:$0x3] =	stream.linear.gather [hbm4b:s0+s4], $0x400, $0x38;
	[tilespmem:$0x19700] =	vst v63  }
0x20d: {  	s0 =	sand.u32 $0xFFFFF80, s3  }
0x20e: {  	s5 =	simm.s32 $0x10500;
	s0 =	sadd.s32 s2, s0  }
0x20f: {  	[tilespmem:s5], [sflag:$0x6] =	stream.linear.gather [hbm4b:s0+s4], $0x400, $0x38;
	[tilespmem:$0x19700] =	vst v63  }
0x210: {  	s26 =	simm.s32 $0x16500;
	s29 =	spop (v2sf);
	s0 =	sadd.s32 $0xF4280, s0  }
0x211: {  	(v2sf) =	vpush v1, $0x2;
	[tilespmem:s26], [sflag:$0x6] =	stream.linear.gather [hbm4b:s0+s4], $0x400, $0x38;
	[tilespmem:$0x19700] =	vst v63  }
0x212: {  	s0 =	sand.u32 $0xFFFFF80, s29  }
0x213: {  	s30 =	simm.s32 $0x4900;
	s0 =	sadd.s32 s1, s0  }
0x214: {  	[tilespmem:s30], [sflag:$0x3] =	stream.linear.gather [hbm4b:s0+s4], $0x400, $0x38;
	[tilespmem:$0x19700] =	vst v63  }
0x215: {  	s31 =	simm.s32 $0xA900;
	s0 =	sadd.s32 $0xF4280, s0  }
0x216: {  	[tilespmem:s31], [sflag:$0x3] =	stream.linear.gather [hbm4b:s0+s4], $0x400, $0x38;
	[tilespmem:$0x19700] =	vst v63  }
0x217: {  	s3 =	spop (v2sf)  }
0x218: {  	(v2sf) =	vpush v0, $0x3;
	s0 =	sand.u32 $0xFFFFF80, s3  }
0x219: {  	s5 =	simm.s32 $0x10900;
	s0 =	sadd.s32 s2, s0  }
0x21a: {  	[tilespmem:s5], [sflag:$0x6] =	stream.linear.gather [hbm4b:s0+s4], $0x400, $0x38;
	[tilespmem:$0x19700] =	vst v63  }
0x21b: {  	s26 =	simm.s32 $0x16900;
	s0 =	sadd.s32 $0xF4280, s0;
	s29 =	spop (v2sf)  }
0x21c: {  	(v2sf) =	vpush v1, $0x3;
	[tilespmem:s26], [sflag:$0x6] =	stream.linear.gather [hbm4b:s0+s4], $0x400, $0x38;
	[tilespmem:$0x19700] =	vst v63  }
0x21d: {  	s0 =	sand.u32 $0xFFFFF80, s29  }
0x21e: {  	s30 =	simm.s32 $0x4D00;
	s0 =	sadd.s32 s1, s0  }
0x21f: {  	[tilespmem:s30], [sflag:$0x3] =	stream.linear.gather [hbm4b:s0+s4], $0x400, $0x38;
	[tilespmem:$0x19700] =	vst v63  }
0x220: {  	s31 =	simm.s32 $0xAD00;
	s3 =	spop (v2sf);
	s0 =	sadd.s32 $0xF4280, s0  }
0x221: {  	(v2sf) =	vpush v0, $0x4;
	[tilespmem:s31], [sflag:$0x3] =	stream.linear.gather [hbm4b:s0+s4], $0x400, $0x38;
	[tilespmem:$0x19700] =	vst v63  }
0x222: {  	s0 =	sand.u32 $0xFFFFF80, s3  }
0x223: {  	s5 =	simm.s32 $0x10D00;
	s0 =	sadd.s32 s2, s0  }
0x224: {  	[tilespmem:s5], [sflag:$0x6] =	stream.linear.gather [hbm4b:s0+s4], $0x400, $0x38;
	[tilespmem:$0x19700] =	vst v63  }
0x225: {  	s26 =	simm.s32 $0x16D00;
	s0 =	sadd.s32 $0xF4280, s0  }
0x226: {  	[tilespmem:s26], [sflag:$0x6] =	stream.linear.gather [hbm4b:s0+s4], $0x400, $0x38;
	[tilespmem:$0x19700] =	vst v63  }
0x227: {  	s29 =	spop (v2sf)  }
0x228: {  	(v2sf) =	vpush v1, $0x4;
	s0 =	sand.u32 $0xFFFFF80, s29  }
0x229: {  	s30 =	simm.s32 $0x5100;
	s0 =	sadd.s32 s1, s0  }
0x22a: {  	[tilespmem:s30], [sflag:$0x3] =	stream.linear.gather [hbm4b:s0+s4], $0x400, $0x38;
	[tilespmem:$0x19700] =	vst v63  }
0x22b: {  	s31 =	simm.s32 $0xB100;
	s0 =	sadd.s32 $0xF4280, s0;
	s5 =	spop (v2sf)  }
0x22c: {  	(v2sf) =	vpush v0, $0x5;
	[tilespmem:s31], [sflag:$0x3] =	stream.linear.gather [hbm4b:s0+s4], $0x400, $0x38;
	[tilespmem:$0x19700] =	vst v63  }
0x22d: {  	s0 =	sand.u32 $0xFFFFF80, s5  }
0x22e: {  	s26 =	simm.s32 $0x11100;
	s0 =	sadd.s32 s2, s0  }
0x22f: {  	[tilespmem:s26], [sflag:$0x6] =	stream.linear.gather [hbm4b:s0+s4], $0x400, $0x38;
	[tilespmem:$0x19700] =	vst v63  }
0x230: {  	s29 =	simm.s32 $0x17100;
	s30 =	spop (v2sf);
	s0 =	sadd.s32 $0xF4280, s0  }
0x231: {  	(v2sf) =	vpush v1, $0x5;
	[tilespmem:s29], [sflag:$0x6] =	stream.linear.gather [hbm4b:s0+s4], $0x400, $0x38;
	[tilespmem:$0x19700] =	vst v63  }
0x232: {  	s0 =	sand.u32 $0xFFFFF80, s30  }
0x233: {  	s0 =	sadd.s32 s1, s0  }
0x234: {  	[tilespmem:s6], [sflag:$0x3] =	stream.linear.gather [hbm4b:s0+s4], $0x400, $0x38;
	[tilespmem:$0x19700] =	vst v63  }
0x235: {  	s0 =	sadd.s32 $0xF4280, s0  }
0x236: {  	[tilespmem:s7], [sflag:$0x3] =	stream.linear.gather [hbm4b:s0+s4], $0x400, $0x38;
	[tilespmem:$0x19700] =	vst v63  }
0x237: {  	s31 =	spop (v2sf)  }
0x238: {  	(v2sf) =	vpush v0, $0x6;
	s0 =	sand.u32 $0xFFFFF80, s31  }
0x239: {  	s0 =	sadd.s32 s2, s0  }
0x23a: {  	[tilespmem:s8], [sflag:$0x6] =	stream.linear.gather [hbm4b:s0+s4], $0x400, $0x38;
	[tilespmem:$0x19700] =	vst v63  }
0x23b: {  	s0 =	sadd.s32 $0xF4280, s0;
	s3 =	spop (v2sf)  }
0x23c: {  	(v2sf) =	vpush v1, $0x6;
	[tilespmem:s9], [sflag:$0x6] =	stream.linear.gather [hbm4b:s0+s4], $0x400, $0x38;
	[tilespmem:$0x19700] =	vst v63  }
0x23d: {  	s0 =	sand.u32 $0xFFFFF80, s3  }
0x23e: {  	s0 =	sadd.s32 s1, s0  }
0x23f: {  	[tilespmem:s10], [sflag:$0x3] =	stream.linear.gather [hbm4b:s0+s4], $0x400, $0x38;
	[tilespmem:$0x19700] =	vst v63  }
0x240: {  	s5 =	spop (v2sf);
	s0 =	sadd.s32 $0xF4280, s0  }
0x241: {  	(v2sf) =	vpush v0, $0x7;
	[tilespmem:s11], [sflag:$0x3] =	stream.linear.gather [hbm4b:s0+s4], $0x400, $0x38;
	[tilespmem:$0x19700] =	vst v63  }
0x242: {  	s0 =	sand.u32 $0xFFFFF80, s5  }
0x243: {  	s0 =	sadd.s32 s2, s0  }
0x244: {  	[tilespmem:s12], [sflag:$0x6] =	stream.linear.gather [hbm4b:s0+s4], $0x400, $0x38;
	[tilespmem:$0x19700] =	vst v63  }
0x245: {  	s0 =	sadd.s32 $0xF4280, s0  }
0x246: {  	[tilespmem:s13], [sflag:$0x6] =	stream.linear.gather [hbm4b:s0+s4], $0x400, $0x38;
	[tilespmem:$0x19700] =	vst v63  }
0x247: {  	s26 =	spop (v2sf)  }
0x248: {  	(v2sf) =	vpush v1, $0x7;
	s0 =	sand.u32 $0xFFFFF80, s26  }
0x249: {  	s0 =	sadd.s32 s1, s0  }
0x24a: {  	[tilespmem:s14], [sflag:$0x3] =	stream.linear.gather [hbm4b:s0+s4], $0x400, $0x38;
	[tilespmem:$0x19700] =	vst v63  }
0x24b: {  	s0 =	sadd.s32 $0xF4280, s0;
	s29 =	spop (v2sf)  }
0x24c: {  	[tilespmem:s15], [sflag:$0x3] =	stream.linear.gather [hbm4b:s0+s4], $0x400, $0x38;
	[tilespmem:$0x19700] =	vst v63  }
0x24d: {  	s0 =	sand.u32 $0xFFFFF80, s29  }
0x24e: {  	s0 =	sadd.s32 s2, s0  }
0x24f: {  	[tilespmem:s16], [sflag:$0x6] =	stream.linear.gather [hbm4b:s0+s4], $0x400, $0x38;
	[tilespmem:$0x19700] =	vst v63  }
0x250: {  	s30 =	spop (v2sf);
	s0 =	sadd.s32 $0xF4280, s0  }
0x251: {  	[tilespmem:s17], [sflag:$0x6] =	stream.linear.gather [hbm4b:s0+s4], $0x400, $0x38;
	[tilespmem:$0x19700] =	vst v63  }
0x252: {  	s0 =	sand.u32 $0xFFFFF80, s30  }
0x253: {  	s0 =	sadd.s32 s1, s0  }
0x254: {  	[tilespmem:s18], [sflag:$0x3] =	stream.linear.gather [hbm4b:s0+s4], $0x400, $0x38;
	[tilespmem:$0x19700] =	vst v63  }
0x255: {  	s0 =	sadd.s32 $0xF4280, s0  }
0x256: {  	[tilespmem:s19], [sflag:$0x3] =	stream.linear.gather [hbm4b:s0+s4], $0x400, $0x38;
	[tilespmem:$0x19700] =	vst v63  }
0x257: {  	s31 =	spop (v2sf)  }
0x258: {  	s0 =	sand.u32 $0xFFFFF80, s31  }
0x259: {  	s0 =	sadd.s32 s2, s0  }
0x25a: {  	[tilespmem:s20], [sflag:$0x6] =	stream.linear.gather [hbm4b:s0+s4], $0x400, $0x38;
	[tilespmem:$0x19700] =	vst v63  }
0x25b: {  	s0 =	sadd.s32 $0xF4280, s0  }
0x25c: {  	[tilespmem:s21], [sflag:$0x6] =	stream.linear.gather [hbm4b:s0+s4], $0x400, $0x38;
	[tilespmem:$0x19700] =	vst v63  }
.LBB2_12:
0x25d: {  	s0 =	sadd.s32 $0x4, s28  }
0x25e: {  	p0 =	sne.s32 @!p1 s0, s25  }
0x25f: {  	p0 =	por p1, p0  }
0x260: {  	s0 =	simm.s32 @!p0 $0x3  }
0x261: {  	_ =	swait.ge @!p0 [sflag:s0], $0x4000  }
0x262: {  	[sflag:s0] =	ssyncset.done @!p0 $0x0  }
0x263: {  	[sflag:s0] =	ssyncadd.s32 @!p0 $0xFFFFC000;
	s0 =	simm.s32 @!p0 $0x6  }
0x264: {  	_ =	swait.ge @!p0 [sflag:s0], $0x4000  }
0x265: {  	v0 =	vimm.s32 @!p0 $0xA380;
	vm13 =	vcmask @!p0 $0x300;
	[sflag:s0] =	ssyncset.done @!p0 $0x0  }
0x266: {  	vm14 =	vcmask @!p0 $0x704;
	v0 =	vsel @!p0 vm13, $0x4000, v0;
	[sflag:s0] =	ssyncadd.s32 @!p0 $0xFFFFC000  }
0x267: {  	vm11 =	vcmask @!p0 $0xB08;
	v0 =	vsel @!p0 vm14, $0x4080, v0;
	v1 =	vld @!p0 [tilespmem:s24+$0xFFFFFFF0]  }
0x268: {  	vm12 =	vcmask @!p0 $0xF0C;
	v0 =	vsel @!p0 vm11, $0x4100, v0  }
0x269: {  	vm8 =	vcmask @!p0 $0x1310;
	v0 =	vsel @!p0 vm12, $0x4180, v0  }
0x26a: {  	vm4 =	vcmask @!p0 $0x1714;
	v0 =	vsel @!p0 vm8, $0x4200, v0  }
0x26b: {  	vm1 =	vcmask @!p0 $0x1B18;
	v2 =	vsel @!p0 vm4, $0x4280, v0  }
0x26c: {  	vm0 =	vcmask @!p0 $0x1F1C;
	v0 =	vand.u32 @!p0 $0x7F, v1;
	v1 =	vsel @!p0 vm1, $0x4300, v2  }
0x26d: {  	vm2 =	vcmask @!p0 $0x2320;
	v1 =	vsel @!p0 vm0, $0x4380, v1  }
0x26e: {  	vm3 =	vcmask @!p0 $0x2724;
	v3 =	vimm.s32 @!p0 $0xA780;
	v1 =	vsel @!p0 vm2, $0xA000, v1  }
0x26f: {  	vm5 =	vcmask @!p0 $0x2B28;
	vm6 =	vcmask @!p0 $0x2F2C;
	v1 =	vsel @!p0 vm3, $0xA080, v1  }
0x270: {  	vm9 =	vcmask @!p0 $0x3330;
	v3 =	vsel @!p0 vm13, $0x4400, v3;
	v1 =	vsel @!p0 vm5, $0xA100, v1  }
0x271: {  	vm7 =	vcmask @!p0 $0x3734;
	v3 =	vsel @!p0 vm14, $0x4480, v3;
	v4 =	vld @!p0 [tilespmem:s22+$0xFFFFFFF0];
	v1 =	vsel @!p0 vm6, $0xA180, v1  }
0x272: {  	vm10 =	vcmask @!p0 $0x3B38;
	v3 =	vsel @!p0 vm11, $0x4500, v3;
	v1 =	vsel @!p0 vm9, $0xA200, v1  }
0x273: {  	v3 =	vsel @!p0 vm12, $0x4580, v3;
	v2 =	vbroadcast @!p0 v0, $0x0;
	v1 =	vsel @!p0 vm7, $0xA280, v1  }
0x274: {  	v6 =	vimm.s32 @!p0 $0xAB80;
	v3 =	vsel @!p0 vm8, $0x4600, v3;
	v5 =	vsel @!p0 vm10, $0xA300, v1  }
0x275: {  	v9 =	vimm.s32 @!p0 $0xAF80;
	v1 =	vsel @!p0 vm4, $0x4680, v3;
	v3 =	vor.u32 @!p0 v5, v2  }
0x276: {  	v2 =	vsel @!p0 vm1, $0x4700, v1;
	v1 =	vand.u32 @!p0 $0x7F, v4;
	v4 =	vsel @!p0 vm13, $0x4800, v6  }
0x277: {  	v7 =	vlaneseq.u32 @!p0;
	v9 =	vsel @!p0 vm13, $0x4C00, v9;
	v4 =	vsel @!p0 vm14, $0x4880, v4  }
0x278: {  	v2 =	vsel @!p0 vm0, $0x4780, v2;
	v6 =	vbroadcast @!p0 v1, $0x0;
	v4 =	vsel @!p0 vm11, $0x4900, v4  }
0x279: {  	v9 =	vsel @!p0 vm14, $0x4C80, v9;
	v2 =	vsel @!p0 vm2, $0xA400, v2;
	v4 =	vsel @!p0 vm12, $0x4980, v4  }
0x27a: {  	v8 =	vsel @!p0 vm3, $0xA480, v2;
	v5 =	vor.u32 @!p0 v5, v6;
	v4 =	vsel @!p0 vm8, $0x4A00, v4  }
0x27b: {  	v2 =	vmul.u32 @!p0 $0x80, v7;
	v7 =	vsel @!p0 vm5, $0xA500, v8;
	v4 =	vsel @!p0 vm4, $0x4A80, v4  }
0x27c: {  	s26 =	sand.u32 @!p0 $0x1, s25;
	v9 =	vsel @!p0 vm11, $0x4D00, v9;
	v6 =	vsel @!p0 vm6, $0xA580, v7;
	v4 =	vsel @!p0 vm1, $0x4B00, v4  }
0x27d: {  	s29 =	simm.s32 @!p0 $0x500;
	s28 =	sshll.u32 @!p0 s26, $0x3;
	v8 =	vbroadcast @!p0 v0, $0x1;
	v6 =	vsel @!p0 vm9, $0xA600, v6;
	v4 =	vsel @!p0 vm0, $0x4B80, v4  }
0x27e: {  	s0 =	simm.s32 @!p0 $0xC500;
	v7 =	vor.u32 @!p0 s28, v2;
	v3 =	vld.idx.msk @!p0 [tilespmem:v3+s29+$0x0], $0xffff;
	v6 =	vsel @!p0 vm7, $0xA680, v6;
	v4 =	vsel @!p0 vm2, $0xA800, v4  }
0x27f: {  	v10 =	vbroadcast @!p0 v1, $0x1;
	v6 =	vsel @!p0 vm10, $0xA700, v6;
	v5 =	vld.idx.msk @!p0 [tilespmem:v5+s0+$0x0], $0xffff;
	v4 =	vsel @!p0 vm3, $0xA880, v4  }
0x280: {  	v9 =	vsel @!p0 vm12, $0x4D80, v9;
	v8 =	vor.u32 @!p0 v6, v8;
	v4 =	vsel @!p0 vm5, $0xA900, v4  }
0x281: {  	v9 =	vsel @!p0 vm8, $0x4E00, v9;
	v6 =	vor.u32 @!p0 v6, v10;
	v4 =	vsel @!p0 vm6, $0xA980, v4  }
0x282: {  	s3 =	simm.s32 @!p0 $0x18500;
	v9 =	vsel @!p0 vm4, $0x4E80, v9;
	v10 =	vor.u32 @!p0 $0x1, v2;
	v4 =	vsel @!p0 vm9, $0xAA00, v4  }
0x283: {  	s5 =	simm.s32 @!p0 $0x18D00;
	v10 =	vor.u32 @!p0 s28, v10;
	[tilespmem:v7+s3+$0x0] =	vst.idx.msk @!p0 $0xffff, v3;
	v3 =	vbroadcast @!p0 v0, $0x2;
	v4 =	vsel @!p0 vm7, $0xAA80, v4  }
0x284: {  	[tilespmem:v7+s5+$0x0] =	vst.idx.msk @!p0 $0xffff, v5;
	v5 =	vsel @!p0 vm1, $0x4F00, v9;
	v7 =	vimm.s32 @!p0 $0xB380;
	v9 =	vbroadcast @!p0 v1, $0x2  }
0x285: {  	v4 =	vsel @!p0 vm10, $0xAB00, v4;
	v8 =	vld.idx.msk @!p0 [tilespmem:v8+s29+$0x0], $0xffff;
	v5 =	vsel @!p0 vm0, $0x4F80, v5;
	v7 =	vsel @!p0 vm13, $0x5000, v7  }
0x286: {  	v6 =	vld.idx.msk @!p0 [tilespmem:v6+s0+$0x0], $0xffff;
	v3 =	vor.u32 @!p0 v4, v3;
	v5 =	vsel @!p0 vm2, $0xAC00, v5;
	v7 =	vsel @!p0 vm14, $0x5080, v7  }
0x287: {  	v4 =	vor.u32 @!p0 v4, v9;
	v5 =	vsel @!p0 vm3, $0xAC80, v5;
	v7 =	vsel @!p0 vm11, $0x5100, v7  }
0x288: {  	v9 =	vor.u32 @!p0 $0x2, v2;
	v5 =	vsel @!p0 vm5, $0xAD00, v5;
	v7 =	vsel @!p0 vm12, $0x5180, v7  }
0x289: {  	v9 =	vor.u32 @!p0 s28, v9;
	v5 =	vsel @!p0 vm6, $0xAD80, v5;
	v7 =	vsel @!p0 vm8, $0x5200, v7  }
0x28a: {  	[tilespmem:v10+s3+$0x0] =	vst.idx.msk @!p0 $0xffff, v8;
	v8 =	vbroadcast @!p0 v0, $0x3;
	v5 =	vsel @!p0 vm9, $0xAE00, v5;
	v7 =	vsel @!p0 vm4, $0x5280, v7  }
0x28b: {  	[tilespmem:v10+s5+$0x0] =	vst.idx.msk @!p0 $0xffff, v6;
	v5 =	vsel @!p0 vm7, $0xAE80, v5;
	v6 =	vsel @!p0 vm1, $0x5300, v7;
	v7 =	vimm.s32 @!p0 $0xB780  }
0x28c: {  	v10 =	vbroadcast @!p0 v1, $0x3;
	v3 =	vld.idx.msk @!p0 [tilespmem:v3+s29+$0x0], $0xffff;
	v6 =	vsel @!p0 vm0, $0x5380, v6;
	v7 =	vsel @!p0 vm13, $0x5400, v7  }
0x28d: {  	v5 =	vsel @!p0 vm10, $0xAF00, v5;
	v4 =	vld.idx.msk @!p0 [tilespmem:v4+s0+$0x0], $0xffff;
	v6 =	vsel @!p0 vm2, $0xB000, v6;
	v7 =	vsel @!p0 vm14, $0x5480, v7  }
0x28e: {  	v8 =	vor.u32 @!p0 v5, v8;
	v6 =	vsel @!p0 vm3, $0xB080, v6;
	v7 =	vsel @!p0 vm11, $0x5500, v7  }
0x28f: {  	v5 =	vor.u32 @!p0 v5, v10;
	v6 =	vsel @!p0 vm5, $0xB100, v6;
	v7 =	vsel @!p0 vm12, $0x5580, v7  }
0x290: {  	v10 =	vor.u32 @!p0 $0x3, v2;
	v6 =	vsel @!p0 vm6, $0xB180, v6;
	v7 =	vsel @!p0 vm8, $0x5600, v7  }
0x291: {  	[tilespmem:v9+s3+$0x0] =	vst.idx.msk @!p0 $0xffff, v3;
	v3 =	vor.u32 @!p0 s28, v10;
	v6 =	vsel @!p0 vm9, $0xB200, v6;
	v7 =	vsel @!p0 vm4, $0x5680, v7  }
0x292: {  	v10 =	vbroadcast @!p0 v1, $0x4;
	[tilespmem:v9+s5+$0x0] =	vst.idx.msk @!p0 $0xffff, v4;
	v4 =	vbroadcast @!p0 v0, $0x4;
	v7 =	vsel @!p0 vm1, $0x5700, v7  }
0x293: {  	v6 =	vsel @!p0 vm7, $0xB280, v6;
	v9 =	vimm.s32 @!p0 $0xBB80;
	v8 =	vld.idx.msk @!p0 [tilespmem:v8+s29+$0x0], $0xffff;
	v7 =	vsel @!p0 vm0, $0x5780, v7  }
0x294: {  	v6 =	vsel @!p0 vm10, $0xB300, v6;
	v5 =	vld.idx.msk @!p0 [tilespmem:v5+s0+$0x0], $0xffff;
	v9 =	vsel @!p0 vm13, $0x5800, v9;
	v7 =	vsel @!p0 vm2, $0xB400, v7  }
0x295: {  	v4 =	vor.u32 @!p0 v6, v4;
	v9 =	vsel @!p0 vm14, $0x5880, v9;
	v7 =	vsel @!p0 vm3, $0xB480, v7  }
0x296: {  	v6 =	vor.u32 @!p0 v6, v10;
	v9 =	vsel @!p0 vm11, $0x5900, v9;
	v7 =	vsel @!p0 vm5, $0xB500, v7  }
0x297: {  	v10 =	vor.u32 @!p0 $0x4, v2;
	v9 =	vsel @!p0 vm12, $0x5980, v9;
	v7 =	vsel @!p0 vm6, $0xB580, v7  }
0x298: {  	v9 =	vsel @!p0 vm8, $0x5A00, v9;
	[tilespmem:v3+s3+$0x0] =	vst.idx.msk @!p0 $0xffff, v8;
	v8 =	vor.u32 @!p0 s28, v10;
	v7 =	vsel @!p0 vm9, $0xB600, v7  }
0x299: {  	v10 =	vbroadcast @!p0 v1, $0x5;
	[tilespmem:v3+s5+$0x0] =	vst.idx.msk @!p0 $0xffff, v5;
	v5 =	vsel @!p0 vm7, $0xB680, v7;
	v7 =	vsel @!p0 vm4, $0x5A80, v9  }
0x29a: {  	v3 =	vbroadcast @!p0 v0, $0x5;
	v9 =	vimm.s32 @!p0 $0xBF80;
	v4 =	vld.idx.msk @!p0 [tilespmem:v4+s29+$0x0], $0xffff;
	v7 =	vsel @!p0 vm1, $0x5B00, v7  }
0x29b: {  	v5 =	vsel @!p0 vm10, $0xB700, v5;
	v6 =	vld.idx.msk @!p0 [tilespmem:v6+s0+$0x0], $0xffff;
	v9 =	vsel @!p0 vm13, $0x5C00, v9;
	v7 =	vsel @!p0 vm0, $0x5B80, v7  }
0x29c: {  	v9 =	vsel @!p0 vm14, $0x5C80, v9;
	v3 =	vor.u32 @!p0 v5, v3;
	v7 =	vsel @!p0 vm2, $0xB800, v7  }
0x29d: {  	v5 =	vor.u32 @!p0 v5, v10;
	v9 =	vsel @!p0 vm11, $0x5D00, v9;
	v7 =	vsel @!p0 vm3, $0xB880, v7  }
0x29e: {  	v9 =	vsel @!p0 vm12, $0x5D80, v9;
	v7 =	vsel @!p0 vm5, $0xB900, v7  }
0x29f: {  	v9 =	vsel @!p0 vm8, $0x5E00, v9;
	[tilespmem:v8+s3+$0x0] =	vst.idx.msk @!p0 $0xffff, v4;
	v4 =	vor.u32 @!p0 $0x5, v2;
	v7 =	vsel @!p0 vm6, $0xB980, v7  }
0x2a0: {  	[tilespmem:v8+s5+$0x0] =	vst.idx.msk @!p0 $0xffff, v6;
	v4 =	vor.u32 @!p0 s28, v4;
	v6 =	vsel @!p0 vm9, $0xBA00, v7;
	v7 =	vsel @!p0 vm4, $0x5E80, v9  }
0x2a1: {  	v8 =	vbroadcast @!p0 v0, $0x6;
	v3 =	vld.idx.msk @!p0 [tilespmem:v3+s29+$0x0], $0xffff;
	v6 =	vsel @!p0 vm7, $0xBA80, v6;
	v7 =	vsel @!p0 vm1, $0x5F00, v7  }
0x2a2: {  	v9 =	vbroadcast @!p0 v1, $0x6;
	v5 =	vld.idx.msk @!p0 [tilespmem:v5+s0+$0x0], $0xffff;
	v6 =	vsel @!p0 vm10, $0xBB00, v6;
	v7 =	vsel @!p0 vm0, $0x5F80, v7  }
0x2a3: {  	v8 =	vor.u32 @!p0 v6, v8;
	v7 =	vsel @!p0 vm2, $0xBC00, v7  }
0x2a4: {  	v6 =	vor.u32 @!p0 v6, v9;
	v7 =	vsel @!p0 vm3, $0xBC80, v7  }
0x2a5: {  	v7 =	vsel @!p0 vm5, $0xBD00, v7  }
0x2a6: {  	[tilespmem:v4+s3+$0x0] =	vst.idx.msk @!p0 $0xffff, v3;
	v3 =	vsel @!p0 vm6, $0xBD80, v7  }
0x2a7: {  	[tilespmem:v4+s5+$0x0] =	vst.idx.msk @!p0 $0xffff, v5;
	v4 =	vor.u32 @!p0 $0x6, v2;
	v3 =	vsel @!p0 vm9, $0xBE00, v3  }
0x2a8: {  	v0 =	vbroadcast @!p0 v0, $0x7;
	v5 =	vld.idx.msk @!p0 [tilespmem:v8+s29+$0x0], $0xffff;
	v4 =	vor.u32 @!p0 s28, v4;
	v3 =	vsel @!p0 vm7, $0xBE80, v3  }
0x2a9: {  	v1 =	vbroadcast @!p0 v1, $0x7;
	v6 =	vld.idx.msk @!p0 [tilespmem:v6+s0+$0x0], $0xffff;
	v3 =	vsel @!p0 vm10, $0xBF00, v3  }
0x2aa: {  	v0 =	vor.u32 @!p0 v3, v0  }
0x2ab: {  	v1 =	vor.u32 @!p0 v3, v1;
	_ =	sdelay $0x1  }
0x2ac: {  	[tilespmem:v4+s3+$0x0] =	vst.idx.msk @!p0 $0xffff, v5  }
0x2ad: {  	v2 =	vor.u32 @!p0 $0x7, v2;
	[tilespmem:v4+s5+$0x0] =	vst.idx.msk @!p0 $0xffff, v6  }
0x2ae: {  	p1 =	seq.s32 @!p0 s26, $0x0;
	v2 =	vor.u32 @!p0 s28, v2;
	v0 =	vld.idx.msk @!p0 [tilespmem:v0+s29+$0x0], $0xffff  }
0x2af: {  	p1 =	por p0, p1;
	v1 =	vld.idx.msk @!p0 [tilespmem:v1+s0+$0x0], $0xffff  }
.Ltmp9:
0x2b0: {  	_ = 	snop;
	(pc) =	sbr.rel @p1 .LBB2_14-.Ltmp9, $3  }
0x2b1: {  	_ =	sdelay $0x1  }
0x2b2: {  	[tilespmem:v2+s3+$0x0] =	vst.idx.msk @!p0 $0xffff, v0  }
0x2b3: {  	[tilespmem:v2+s5+$0x0] =	vst.idx.msk @!p0 $0xffff, v1  }
0x2b4: {  	v0 =	vld [tilespmem:$0x18500]  }
0x2b5: {  	v1 =	vld [tilespmem:$0x18D00]  }
0x2b6: {  	v2 =	vld [tilespmem:$0x18580]  }
0x2b7: {  	v3 =	vld [tilespmem:$0x18D80]  }
0x2b8: {  	v4 =	vld [tilespmem:$0x18600]  }
0x2b9: {  	v5 =	vld [tilespmem:$0x18E00]  }
0x2ba: {  	v27 =	vld [tilespmem:$0x18680];
	v0 =	vmul.f32 v1, v0  }
0x2bb: {  	v6 =	vld [tilespmem:$0x18E80]  }
0x2bc: {  	v28 =	vld [tilespmem:$0x18700];
	v2 =	vmul.f32 v3, v2;
	v0 =	vadd.f32 $0.0e+00, v0  }
0x2bd: {  	v7 =	vld [tilespmem:$0x18F00]  }
0x2be: {  	v30 =	vld [tilespmem:$0x18780];
	v29 =	vmul.f32 v5, v4;
	v0 =	vadd.f32 v2, v0  }
0x2bf: {  	v31 =	vld [tilespmem:$0x18F80]  }
0x2c0: {  	v32 =	vld [tilespmem:$0x18800];
	v1 =	vmul.f32 v6, v27;
	v0 =	vadd.f32 v29, v0  }
0x2c1: {  	v33 =	vld [tilespmem:$0x19000]  }
0x2c2: {  	v35 =	vld [tilespmem:$0x18880];
	v34 =	vmul.f32 v7, v28;
	v0 =	vadd.f32 v1, v0  }
0x2c3: {  	v36 =	vld [tilespmem:$0x19080]  }
0x2c4: {  	v38 =	vld [tilespmem:$0x18900];
	v37 =	vmul.f32 v31, v30;
	v0 =	vadd.f32 v34, v0  }
0x2c5: {  	v39 =	vld [tilespmem:$0x19100]  }
0x2c6: {  	v41 =	vld [tilespmem:$0x18980];
	v40 =	vmul.f32 v33, v32;
	v0 =	vadd.f32 v37, v0  }
0x2c7: {  	v42 =	vld [tilespmem:$0x19180]  }
0x2c8: {  	v44 =	vld [tilespmem:$0x18A00];
	v43 =	vmul.f32 v36, v35;
	v0 =	vadd.f32 v40, v0  }
0x2c9: {  	v45 =	vld [tilespmem:$0x19200]  }
0x2ca: {  	v47 =	vld [tilespmem:$0x18A80];
	v46 =	vmul.f32 v39, v38;
	v0 =	vadd.f32 v43, v0  }
0x2cb: {  	v48 =	vld [tilespmem:$0x19280]  }
0x2cc: {  	v50 =	vld [tilespmem:$0x18B00];
	v49 =	vmul.f32 v42, v41;
	v0 =	vadd.f32 v46, v0  }
0x2cd: {  	v51 =	vld [tilespmem:$0x19300]  }
0x2ce: {  	v53 =	vld [tilespmem:$0x18B80];
	v52 =	vmul.f32 v45, v44;
	v0 =	vadd.f32 v49, v0  }
0x2cf: {  	v54 =	vld [tilespmem:$0x19380]  }
0x2d0: {  	v56 =	vld [tilespmem:$0x18C00];
	v55 =	vmul.f32 v48, v47;
	v0 =	vadd.f32 v52, v0  }
0x2d1: {  	v57 =	vld [tilespmem:$0x19400]  }
0x2d2: {  	v59 =	vld [tilespmem:$0x18C80];
	v58 =	vmul.f32 v51, v50;
	v0 =	vadd.f32 v55, v0  }
0x2d3: {  	v60 =	vld [tilespmem:$0x19480]  }
0x2d4: {  	v61 =	vmul.f32 v54, v53;
	v0 =	vadd.f32 v58, v0;
	_ =	sdelay $0x1  }
0x2d5: {  	v62 =	vmul.f32 v57, v56;
	v0 =	vadd.f32 v61, v0;
	_ =	sdelay $0x1  }
.Ltmp10:
0x2d6: {  	v63 =	vmul.f32 v60, v59;
	v0 =	vadd.f32 v62, v0;
	(pc) =	sbr.rel .LBB2_14-.Ltmp10, $4  }
0x2d7: {  	_ = 	snop  }
0x2d8: {  	v0 =	vadd.f32 v63, v0  }
0x2d9: {  	s0 =	sand.u32 $0xFFFFFFF0, s23  }
0x2da: {  	[tilespmem:s0+$0x19500] =	vst v0  }
.LBB2_16:
0x2db: {  	_ =	sfence.sel $0x180000  }
0x2dc: {  	[bflag:$0x0] =	sbarrier.arrive $0xFFFF  }
0x2dd: {  	_ =	strace $0x90000047  }
0x2de: {  	s0 =	stileid.u32;
	[bflag:$0x2] =	sbarrier.arrive $0xFFFF  }
0x2df: {  	p0 =	sne.s32 s0, $0x0;
	s0 =	rddreg [dreg:$0x5]  }
0x2e0: {  	s0 =	sadd.s32 @!p0 $0x100000, s0  }
0x2e1: {  	[sflag:s0] =	ssyncadd.tile.s32 @!p0 $0x1;
	_ =	shalt  }
.Lfunc_end2:
_tile_overlayer_lowered:
.L_overlay_start_2:
0x2e2: {  	(tag) =	ssettag $0x2  }
0x2e3: {  	s0 =	rddreg [dreg:$0x0];
	s2 =	stileid.u32  }
0x2e4: {  	s1 =	rddreg [dreg:$0x1];
	p0 =	sne.s32 s2, $0x0  }
0x2e5: {  	s3 =	rddreg [dreg:$0x2];
	[bflag:$0x3] =	sbarrier.arrive $0xFFFF;
	s2 =	simm.s32 @!p0 $0x1C07  }
0x2e6: {  	[timem:s3], [sflag:s2] =	dma.local @!p0 [hbm:s0], s1  }
0x2e7: {  	s0 =	simm.s32 @!p0 $0x7  }
0x2e8: {  	_ =	swait.ge @!p0 [sflag:s0], s1  }
0x2e9: {  	s1 =	ssub.s32 @!p0 $0x0, s1;
	[sflag:s0] =	ssyncset.done @!p0 $0x0  }
0x2ea: {  	[sflag:s0] =	ssyncadd.s32 @!p0 s1  }
0x2eb: {  	[bflag:$0x3] =	sbarrier.arrive $0xFFFF  }
0x2ec: {  	_ =	shalt  }

</sc_bundles>
